<compile_context>
chip_gen: v7x
topology: tpu7x:2x2x1
jax: 0.10.2.dev20260603
libtpu: 0.0.44.dev20260713+nightly
codegen_flags: <defaults>
</compile_context>

<pallas_src>
import functools

import jax
import jax.numpy as jnp
from jax import lax
from jax.experimental import pallas as pl
from jax.experimental.pallas import tpu as pltpu
from jax.experimental.pallas import tpu_sc as plsc

H = 1024
C = 32
EPS = 1e-12

_NC = 2
_NS = 16
_NW = _NC * _NS
_L = 16


def _gelu(x):
    return 0.5 * x * (1.0 + lax.erf(x / jnp.sqrt(2.0).astype(x.dtype)))


def _transform_body(x_ref, w_ref, b_ref, g_ref, be_ref, o_ref):
    h = lax.dot_general(
        x_ref[...], w_ref[...], (((1,), (1,)), ((), ())),
        preferred_element_type=jnp.float32,
    )
    h = h + b_ref[...]
    h = _gelu(h)
    mean = jnp.mean(h, axis=-1, keepdims=True)
    var = jnp.mean((h - mean) ** 2, axis=-1, keepdims=True)
    o_ref[...] = (h - mean) / jnp.sqrt(var + EPS) * g_ref[...] + be_ref[...]


def _transform(x, W, b, gamma, beta):
    bm = x.shape[0]
    rows = 512
    return pl.pallas_call(
        _transform_body,
        grid=(bm // rows,),
        in_specs=[
            pl.BlockSpec((rows, H), lambda i: (i, 0)),
            pl.BlockSpec((H, H), lambda i: (0, 0)),
            pl.BlockSpec((1, H), lambda i: (0, 0)),
            pl.BlockSpec((1, H), lambda i: (0, 0)),
            pl.BlockSpec((1, H), lambda i: (0, 0)),
        ],
        out_specs=pl.BlockSpec((rows, H), lambda i: (i, 0)),
        out_shape=jax.ShapeDtypeStruct((bm, H), jnp.float32),
    )(x, W, b.reshape(1, H), gamma.reshape(1, H), beta.reshape(1, H))


_NSLOT = 4


def _sc_body(mpw, h_hbm, ids_hbm, emb_hbm, bias_hbm, out_hbm,
             ids_v, h_all, rows_v, bias_v, bias_sh, scores_v, tmp_v,
             sems, sems2, bsems, hsem):
    wid = lax.axis_index("s") * _NC + lax.axis_index("c")
    mbase = pl.multiple_of(wid * mpw, mpw)
    nhm = mpw * 2

    pltpu.sync_copy(ids_hbm.at[pl.ds(mbase, mpw)], ids_v)
    h_copy = pltpu.make_async_copy(h_hbm.at[pl.ds(mbase, mpw)], h_all, hsem)
    h_copy.start()

    @pl.when(lax.axis_index("s") == 0)
    def _():
        pltpu.sync_copy(bias_hbm, bias_sh)

    plsc.subcore_barrier()

    def half_ids(hm):
        lm = lax.shift_right_logical(hm, 1)
        off = lax.mul(lax.bitwise_and(hm, 1), _L)
        return ids_v[lm, pl.ds(off, _L)]

    def issue(hm, slot):
        ids16 = half_ids(hm)
        lm = lax.shift_right_logical(hm, 1)
        off = lax.mul(lax.bitwise_and(hm, 1), _L)
        pltpu.async_copy(emb_hbm.at[ids_v.at[lm, pl.ds(off, 8)]],
                         rows_v.at[slot, pl.ds(0, 8)], sems[slot])
        off2 = lax.add(off, 8)
        pltpu.async_copy(emb_hbm.at[ids_v.at[lm, pl.ds(off2, 8)]],
                         rows_v.at[slot, pl.ds(8, 8)], sems2[slot])
        pltpu.async_copy(bias_sh.at[ids16], bias_v.at[slot], bsems[slot])

    def wait_rows(slot):
        zeros8 = jnp.zeros((8,), jnp.int32)
        pltpu.make_async_copy(emb_hbm.at[zeros8],
                              rows_v.at[slot, pl.ds(0, 8)], sems[slot]).wait()
        pltpu.make_async_copy(emb_hbm.at[zeros8],
                              rows_v.at[slot, pl.ds(8, 8)], sems2[slot]).wait()

    def wait_bias(slot):
        pltpu.make_async_copy(bias_sh.at[jnp.zeros((_L,), jnp.int32)],
                              bias_v.at[slot], bsems[slot]).wait()

    for s in range(_NSLOT):
        issue(jnp.int32(s), s)
    h_copy.wait()

    lanes = lax.iota(jnp.int32, _L)

    def compute(hm, slot):
        lm = lax.shift_right_logical(hm, 1)
        soff = lax.mul(lax.bitwise_and(hm, 1), _L)
        accs_h = []
        for quarter in range(2):
            base = quarter * 8

            def jb(j, accs, _base=base):
                off = pl.multiple_of(j * _L, _L)
                hv = h_all[lm, pl.ds(off, _L)]
                return tuple(
                    accs[c] + rows_v[slot, _base + c, pl.ds(off, _L)] * hv
                    for c in range(8))

            accs_h.append(lax.fori_loop(
                0, H // _L, jb,
                tuple(jnp.zeros((_L,), jnp.float32) for _ in range(8))))
        accs = accs_h[0] + accs_h[1]
        for c in range(_L):
            tmp_v[c, pl.ds(0, _L)] = accs[c]
        cols = [plsc.load_gather(tmp_v,
                                 [lanes, jnp.full((_L,), j, jnp.int32)])
                for j in range(_L)]
        while len(cols) > 1:
            cols = [cols[i] + cols[i + 1]
                    for i in range(0, len(cols), 2)]
        s = cols[0]
        ids16 = half_ids(hm)
        wait_bias(slot)
        bv = bias_v[slot, pl.ds(0, _L)]
        pen = jnp.where(ids16 == 0,
                        jnp.full((_L,), -10000.0, jnp.float32),
                        jnp.zeros((_L,), jnp.float32))
        scores_v[lm, pl.ds(soff, _L)] = s + bv + pen

    def ring(i, carry):
        for s in range(_NSLOT):
            hm = lax.mul(i, _NSLOT) + s
            wait_rows(s)
            compute(hm, s)

            @pl.when(hm + _NSLOT < nhm)
            def _():
                issue(hm + _NSLOT, s)

        return carry

    lax.fori_loop(0, nhm // _NSLOT, ring, 0)
    pltpu.sync_copy(scores_v, out_hbm.at[pl.ds(mbase, mpw)])


def _sc_scores(h, ids2d, emb_table, bias_rows):
    bm = h.shape[0]
    mpw = bm // _NW
    mesh = plsc.VectorSubcoreMesh(core_axis_name="c", subcore_axis_name="s")

    def body(h_hbm, ids_hbm, emb_hbm, bias_hbm, out_hbm,
             ids_v, h_all, rows_v, bias_v, bias_sh, scores_v, tmp_v,
             s0, s1, s2, s3, t0, t1, t2, t3, b0, b1, b2, b3, hsem):
        _sc_body(mpw, h_hbm, ids_hbm, emb_hbm, bias_hbm, out_hbm,
                 ids_v, h_all, rows_v, bias_v, bias_sh, scores_v, tmp_v,
                 (s0, s1, s2, s3), (t0, t1, t2, t3), (b0, b1, b2, b3), hsem)

    f = pl.kernel(
        body,
        out_type=jax.ShapeDtypeStruct((bm, C), jnp.float32),
        mesh=mesh,
        scratch_types=[
            pltpu.VMEM((mpw, C), jnp.int32),
            pltpu.VMEM((mpw, H), jnp.float32),
            pltpu.VMEM((_NSLOT, _L, H), jnp.float32),
            pltpu.VMEM((_NSLOT, _L), jnp.float32),
            pltpu.VMEM_SHARED(bias_rows.shape, jnp.float32),
            pltpu.VMEM((mpw, C), jnp.float32),
            pltpu.VMEM((C, _L), jnp.float32),
            pltpu.SemaphoreType.DMA,
            pltpu.SemaphoreType.DMA,
            pltpu.SemaphoreType.DMA,
            pltpu.SemaphoreType.DMA,
            pltpu.SemaphoreType.DMA,
            pltpu.SemaphoreType.DMA,
            pltpu.SemaphoreType.DMA,
            pltpu.SemaphoreType.DMA,
            pltpu.SemaphoreType.DMA,
            pltpu.SemaphoreType.DMA,
            pltpu.SemaphoreType.DMA,
            pltpu.SemaphoreType.DMA,
            pltpu.SemaphoreType.DMA,
        ],
        compiler_params=pltpu.CompilerParams(needs_layout_passes=False),
    )
    return f(h, ids2d, emb_table, bias_rows)


def kernel(hidden_states, entity_candidate_ids, W, b, gamma, beta,
           emb_table, bias_table):
    B, M, _ = hidden_states.shape
    bm = B * M
    x = hidden_states.reshape(bm, H)
    h = _transform(x, W, b, gamma, beta)
    ids2d = entity_candidate_ids.reshape(bm, C).astype(jnp.int32)
    scores = _sc_scores(h, ids2d, emb_table, bias_table.reshape(-1))
    return scores.reshape(B, M, C)

# --- scband reference (transcript-rebuilt; emitter-appended) ---
"""Pipeline reference for scband-entity-selector-47699906789873 (READ-ONLY COPY).

The authoritative reference and input builder live on the scoring server;
editing this copy changes nothing except your own understanding.
"""

import jax, jax.numpy as jnp
import numpy as np

H = 1024
V = 100000
B = 4
M = 256
C = 32
EPS = 1e-12


def gelu(x):
    return 0.5 * x * (1.0 + jax.lax.erf(x / jnp.sqrt(2.0).astype(x.dtype)))


def setup_inputs(seed: int = 0) -> dict:
    key = jax.random.key(seed)
    ks = jax.random.split(key, 6)
    hidden_states = jax.random.normal(ks[0], (B, M, H), dtype=jnp.float32)
    entity_candidate_ids = jax.random.randint(ks[1], (B, M, C), 0, V, dtype=jnp.int64)
    W = jax.random.normal(ks[2], (H, H), dtype=jnp.float32) * 0.02
    b = jnp.zeros((H,), dtype=jnp.float32)
    gamma = jnp.ones((H,), dtype=jnp.float32)
    beta = jnp.zeros((H,), dtype=jnp.float32)
    emb_table = jax.random.normal(ks[3], (V, H), dtype=jnp.float32) * 0.02
    emb_table = emb_table.at[0].set(0.0)  # padding_idx=0
    bias_table = jax.random.normal(ks[4], (V, 1), dtype=jnp.float32) * 0.02
    bias_table = bias_table.at[0].set(0.0)  # padding_idx=0
    return {
        "hidden_states": hidden_states,
        "entity_candidate_ids": entity_candidate_ids,
        "W": W,
        "b": b,
        "gamma": gamma,
        "beta": beta,
        "emb_table": emb_table,
        "bias_table": bias_table,
    }


def reference(hidden_states, entity_candidate_ids, W, b, gamma, beta, emb_table, bias_table):
    # BertPredictionHeadTransform: Linear -> gelu -> LayerNorm
    h = jnp.einsum("bmh,oh->bmo", hidden_states, W) + b
    h = gelu(h)
    mean = jnp.mean(h, axis=-1, keepdims=True)
    var = jnp.mean((h - mean) ** 2, axis=-1, keepdims=True)
    h = (h - mean) / jnp.sqrt(var + EPS) * gamma + beta
    # entity embedding / bias gathers (SparseCore gather)
    entity_embeddings = jnp.take(emb_table, entity_candidate_ids, axis=0)  # [B, M, C, H]
    entity_bias = jnp.take(bias_table, entity_candidate_ids, axis=0)[..., 0]  # [B, M, C]
    scores = jnp.sum(h[..., None, :] * entity_embeddings, axis=-1) + entity_bias
    scores = scores + (entity_candidate_ids == 0).astype(scores.dtype) * (-10000.0)
    return scores

if __name__ == "__main__":
    import jax
    _d = setup_inputs()
    print(jax.jit(kernel)(*tuple(_d.values())))

</pallas_src>

<mosaic_0001>
#map = affine_map<(d0, d1) -> (0, 0)>
#map1 = affine_map<(d0, d1) -> (0)>
module attributes {stable_mosaic.version = 14 : i64} {
  func.func @body(%arg0: i32, %arg1: i32, %arg2: memref<1024x1024xf32, #tpu.memory_space<hbm>>, %arg3: memref<1024x32xi32, #tpu.memory_space<hbm>>, %arg4: memref<100000x1024xf32, #tpu.memory_space<hbm>>, %arg5: memref<100000xf32, #tpu.memory_space<hbm>>, %arg6: memref<1024x32xf32, #tpu.memory_space<hbm>>, %arg7: memref<32x32xi32, #tpu.memory_space<vmem>>, %arg8: memref<32x1024xf32, #tpu.memory_space<vmem>>, %arg9: memref<4x16x1024xf32, #tpu.memory_space<vmem>>, %arg10: memref<4x16xf32, #tpu.memory_space<vmem>>, %arg11: memref<100000xf32, #tpu.memory_space<vmem_shared>>, %arg12: memref<32x32xf32, #tpu.memory_space<vmem>>, %arg13: memref<32x16xf32, #tpu.memory_space<vmem>>, %arg14: memref<!tpu.dma_semaphore, #tpu.memory_space<semaphore_mem>>, %arg15: memref<!tpu.dma_semaphore, #tpu.memory_space<semaphore_mem>>, %arg16: memref<!tpu.dma_semaphore, #tpu.memory_space<semaphore_mem>>, %arg17: memref<!tpu.dma_semaphore, #tpu.memory_space<semaphore_mem>>, %arg18: memref<!tpu.dma_semaphore, #tpu.memory_space<semaphore_mem>>, %arg19: memref<!tpu.dma_semaphore, #tpu.memory_space<semaphore_mem>>, %arg20: memref<!tpu.dma_semaphore, #tpu.memory_space<semaphore_mem>>, %arg21: memref<!tpu.dma_semaphore, #tpu.memory_space<semaphore_mem>>, %arg22: memref<!tpu.dma_semaphore, #tpu.memory_space<semaphore_mem>>, %arg23: memref<!tpu.dma_semaphore, #tpu.memory_space<semaphore_mem>>, %arg24: memref<!tpu.dma_semaphore, #tpu.memory_space<semaphore_mem>>, %arg25: memref<!tpu.dma_semaphore, #tpu.memory_space<semaphore_mem>>, %arg26: memref<!tpu.dma_semaphore, #tpu.memory_space<semaphore_mem>>) attributes {dimension_semantics = [#tpu.dimension_semantics<core_parallel>, #tpu.dimension_semantics<subcore_parallel>], iteration_bounds = array<i64: 2, 16>, scalar_prefetch = 0 : i64, scratch_operands = 20 : i64, tpu.core_type = #tpu.core_type<sc_vector_subcore>, window_params = [{transform_indices = #map}, {transform_indices = #map}, {transform_indices = #map}, {transform_indices = #map1}, {transform_indices = #map}]} {
    %mul3A = arith.constant 2 : i32
    %mul3A_0 = arith.muli %arg1, %mul3A : i32
    %add3A = arith.addi %mul3A_0, %arg0 : i32
    %mul3A_1 = arith.constant 32 : i32
    %mul3A_2 = arith.muli %add3A, %mul3A_1 : i32
    %multiple_of3A = tpu.assume_multiple %mul3A_2, 32 : i32
    "tpu.region"() ({
      %run_scoped3A = tpu.sem_alloc : memref<!tpu.dma_semaphore, #tpu.memory_space<semaphore_mem>>
      %dma_start3A_201 = arith.constant 0 : i32
      %dma_start3A_202 = tpu.memref_slice %arg3[%multiple_of3A, %dma_start3A_201] : memref<1024x32xi32, #tpu.memory_space<hbm>> -> memref<32x32xi32, #tpu.memory_space<hbm>>
      %dma_start3A_203 = arith.constant 0 : i32
      %dma_start3A_204 = tpu.memref_slice %arg3[%multiple_of3A, %dma_start3A_203] : memref<1024x32xi32, #tpu.memory_space<hbm>> -> memref<32x32xi32, #tpu.memory_space<hbm>>
      tpu.enqueue_dma source(%dma_start3A_204 : memref<32x32xi32, #tpu.memory_space<hbm>>) target(%arg7 : memref<32x32xi32, #tpu.memory_space<vmem>>) target_semaphore(%run_scoped3A : memref<!tpu.dma_semaphore, #tpu.memory_space<semaphore_mem>>)
      %dma_wait3A_205 = arith.constant 0 : i32
      %dma_wait3A_206 = tpu.memref_slice %arg3[%multiple_of3A, %dma_wait3A_205] : memref<1024x32xi32, #tpu.memory_space<hbm>> -> memref<32x32xi32, #tpu.memory_space<hbm>>
      %dma_wait3A_207 = arith.constant 0 : i32
      %dma_wait3A_208 = tpu.memref_slice %arg3[%multiple_of3A, %dma_wait3A_207] : memref<1024x32xi32, #tpu.memory_space<hbm>> -> memref<32x32xi32, #tpu.memory_space<hbm>>
      tpu.wait_dma2 semaphore(%run_scoped3A : memref<!tpu.dma_semaphore, #tpu.memory_space<semaphore_mem>>) src(%dma_wait3A_208 : memref<32x32xi32, #tpu.memory_space<hbm>>) dst(%arg7 : memref<32x32xi32, #tpu.memory_space<vmem>>)
      tpu.yield
    }) : () -> ()
    %dma_start3A = arith.constant 0 : i32
    %dma_start3A_3 = tpu.memref_slice %arg2[%multiple_of3A, %dma_start3A] : memref<1024x1024xf32, #tpu.memory_space<hbm>> -> memref<32x1024xf32, #tpu.memory_space<hbm>>
    %dma_start3A_4 = arith.constant 0 : i32
    %dma_start3A_5 = tpu.memref_slice %arg2[%multiple_of3A, %dma_start3A_4] : memref<1024x1024xf32, #tpu.memory_space<hbm>> -> memref<32x1024xf32, #tpu.memory_space<hbm>>
    tpu.enqueue_dma source(%dma_start3A_5 : memref<32x1024xf32, #tpu.memory_space<hbm>>) target(%arg8 : memref<32x1024xf32, #tpu.memory_space<vmem>>) target_semaphore(%arg26 : memref<!tpu.dma_semaphore, #tpu.memory_space<semaphore_mem>>)
    %eq3A = arith.constant 0 : i32
    %eq3A_6 = arith.cmpi eq, %arg1, %eq3A : i32
    %convert_element_type3A = arith.extui %eq3A_6 : i1 to i32
    %cond3A = arith.constant 0 : i32
    %cond3A_7 = arith.cmpi ne, %convert_element_type3A, %cond3A : i32
    scf.if %cond3A_7 {
      "tpu.region"() ({
        %run_scoped3A = tpu.sem_alloc : memref<!tpu.dma_semaphore, #tpu.memory_space<semaphore_mem>>
        tpu.enqueue_dma source(%arg5 : memref<100000xf32, #tpu.memory_space<hbm>>) target(%arg11 : memref<100000xf32, #tpu.memory_space<vmem_shared>>) target_semaphore(%run_scoped3A : memref<!tpu.dma_semaphore, #tpu.memory_space<semaphore_mem>>)
        tpu.wait_dma2 semaphore(%run_scoped3A : memref<!tpu.dma_semaphore, #tpu.memory_space<semaphore_mem>>) src(%arg5 : memref<100000xf32, #tpu.memory_space<hbm>>) dst(%arg11 : memref<100000xf32, #tpu.memory_space<vmem_shared>>)
        tpu.yield
      }) : () -> ()
    } else {
    }
    %barrier3A = arith.constant 0 : index
    tpu.barrier barrier_id(%barrier3A)
    %shift_right_logical3A = arith.constant 0 : i32
    %shift_right_logical3A_8 = arith.constant 1 : i32
    %shift_right_logical3A_9 = arith.shrui %shift_right_logical3A, %shift_right_logical3A_8 : i32
    %and3A = arith.constant 0 : i32
    %and3A_10 = arith.constant 1 : i32
    %and3A_11 = arith.andi %and3A, %and3A_10 : i32
    %mul3A_12 = arith.constant 16 : i32
    %mul3A_13 = arith.muli %and3A_11, %mul3A_12 : i32
    %get3A = arith.index_cast %shift_right_logical3A_9 : i32 to index
    %get3A_14 = arith.index_cast %mul3A_13 : i32 to index
    %get3A_15 = tpu.vector_load %arg7[%get3A, %get3A_14] {strides = array<i32>} : memref<32x32xi32, #tpu.memory_space<vmem>>, vector<16xi32>,
    %shift_right_logical3A_16 = arith.constant 0 : i32
    %shift_right_logical3A_17 = arith.constant 1 : i32
    %shift_right_logical3A_18 = arith.shrui %shift_right_logical3A_16, %shift_right_logical3A_17 : i32
    %and3A_19 = arith.constant 0 : i32
    %and3A_20 = arith.constant 1 : i32
    %and3A_21 = arith.andi %and3A_19, %and3A_20 : i32
    %mul3A_22 = arith.constant 16 : i32
    %mul3A_23 = arith.muli %and3A_21, %mul3A_22 : i32
    %dma_start3A_24 = arith.constant 0 : i32
    %dma_start3A_25 = arith.constant 0 : i32
    %dma_start3A_26 = arith.constant 0 : i32
    %dma_start3A_27 = tpu.memref_slice %arg9[%dma_start3A_24, %dma_start3A_25, %dma_start3A_26] : memref<4x16x1024xf32, #tpu.memory_space<vmem>> -> memref<1x8x1024xf32, #tpu.memory_space<vmem>>
    %dma_start3A_28 = tpu.memref_squeeze %dma_start3A_27 : memref<1x8x1024xf32, #tpu.memory_space<vmem>> -> memref<8x1024xf32, #tpu.memory_space<vmem>>
    %dma_start3A_29 = tpu.memref_slice %arg7[%shift_right_logical3A_18, %mul3A_23] : memref<32x32xi32, #tpu.memory_space<vmem>> -> memref<1x8xi32, #tpu.memory_space<vmem>>
    %dma_start3A_30 = tpu.memref_squeeze %dma_start3A_29 : memref<1x8xi32, #tpu.memory_space<vmem>> -> memref<8xi32, #tpu.memory_space<vmem>>
    %dma_start3A_31 = arith.constant 0 : i32
    %dma_start3A_32 = arith.constant 0 : i32
    %dma_start3A_33 = tpu.memref_slice %arg4[%dma_start3A_31, %dma_start3A_32] : memref<100000x1024xf32, #tpu.memory_space<hbm>> -> memref<100000x1024xf32, #tpu.memory_space<hbm>>
    tpu.enqueue_indirect_dma source(%dma_start3A_33 : memref<100000x1024xf32, #tpu.memory_space<hbm>>) target(%dma_start3A_28 : memref<8x1024xf32, #tpu.memory_space<vmem>>) offsets(%dma_start3A_30 : memref<8xi32, #tpu.memory_space<vmem>>) semaphore(%arg14 : memref<!tpu.dma_semaphore, #tpu.memory_space<semaphore_mem>>)
    %add3A_34 = arith.constant 8 : i32
    %add3A_35 = arith.addi %mul3A_23, %add3A_34 : i32
    %dma_start3A_36 = arith.constant 0 : i32
    %dma_start3A_37 = arith.constant 8 : i32
    %dma_start3A_38 = arith.constant 0 : i32
    %dma_start3A_39 = tpu.memref_slice %arg9[%dma_start3A_36, %dma_start3A_37, %dma_start3A_38] : memref<4x16x1024xf32, #tpu.memory_space<vmem>> -> memref<1x8x1024xf32, #tpu.memory_space<vmem>>
    %dma_start3A_40 = tpu.memref_squeeze %dma_start3A_39 : memref<1x8x1024xf32, #tpu.memory_space<vmem>> -> memref<8x1024xf32, #tpu.memory_space<vmem>>
    %dma_start3A_41 = tpu.memref_slice %arg7[%shift_right_logical3A_18, %add3A_35] : memref<32x32xi32, #tpu.memory_space<vmem>> -> memref<1x8xi32, #tpu.memory_space<vmem>>
    %dma_start3A_42 = tpu.memref_squeeze %dma_start3A_41 : memref<1x8xi32, #tpu.memory_space<vmem>> -> memref<8xi32, #tpu.memory_space<vmem>>
    %dma_start3A_43 = arith.constant 0 : i32
    %dma_start3A_44 = arith.constant 0 : i32
    %dma_start3A_45 = tpu.memref_slice %arg4[%dma_start3A_43, %dma_start3A_44] : memref<100000x1024xf32, #tpu.memory_space<hbm>> -> memref<100000x1024xf32, #tpu.memory_space<hbm>>
    tpu.enqueue_indirect_dma source(%dma_start3A_45 : memref<100000x1024xf32, #tpu.memory_space<hbm>>) target(%dma_start3A_40 : memref<8x1024xf32, #tpu.memory_space<vmem>>) offsets(%dma_start3A_42 : memref<8xi32, #tpu.memory_space<vmem>>) semaphore(%arg18 : memref<!tpu.dma_semaphore, #tpu.memory_space<semaphore_mem>>)
    %dma_start3A_46 = arith.constant 0 : i32
    %dma_start3A_47 = arith.constant 0 : i32
    %dma_start3A_48 = tpu.memref_slice %arg10[%dma_start3A_46, %dma_start3A_47] : memref<4x16xf32, #tpu.memory_space<vmem>> -> memref<1x16xf32, #tpu.memory_space<vmem>>
    %dma_start3A_49 = tpu.memref_squeeze %dma_start3A_48 : memref<1x16xf32, #tpu.memory_space<vmem>> -> memref<16xf32, #tpu.memory_space<vmem>>
    %dma_start3A_50 = arith.constant 0 : i32
    %dma_start3A_51 = tpu.memref_slice %arg11[%dma_start3A_50] : memref<100000xf32, #tpu.memory_space<vmem_shared>> -> memref<100000xf32, #tpu.memory_space<vmem_shared>>
    tpu.enqueue_indirect_dma source(%dma_start3A_51 : memref<100000xf32, #tpu.memory_space<vmem_shared>>) target(%dma_start3A_49 : memref<16xf32, #tpu.memory_space<vmem>>) offsets(%get3A_15 : vector<16xi32>) semaphore(%arg22 : memref<!tpu.dma_semaphore, #tpu.memory_space<semaphore_mem>>)
    %shift_right_logical3A_52 = arith.constant 1 : i32
    %shift_right_logical3A_53 = arith.constant 1 : i32
    %shift_right_logical3A_54 = arith.shrui %shift_right_logical3A_52, %shift_right_logical3A_53 : i32
    %and3A_55 = arith.constant 1 : i32
    %and3A_56 = arith.constant 1 : i32
    %and3A_57 = arith.andi %and3A_55, %and3A_56 : i32
    %mul3A_58 = arith.constant 16 : i32
    %mul3A_59 = arith.muli %and3A_57, %mul3A_58 : i32
    %get3A_60 = arith.index_cast %shift_right_logical3A_54 : i32 to index
    %get3A_61 = arith.index_cast %mul3A_59 : i32 to index
    %get3A_62 = tpu.vector_load %arg7[%get3A_60, %get3A_61] {strides = array<i32>} : memref<32x32xi32, #tpu.memory_space<vmem>>, vector<16xi32>,
    %shift_right_logical3A_63 = arith.constant 1 : i32
    %shift_right_logical3A_64 = arith.constant 1 : i32
    %shift_right_logical3A_65 = arith.shrui %shift_right_logical3A_63, %shift_right_logical3A_64 : i32
    %and3A_66 = arith.constant 1 : i32
    %and3A_67 = arith.constant 1 : i32
    %and3A_68 = arith.andi %and3A_66, %and3A_67 : i32
    %mul3A_69 = arith.constant 16 : i32
    %mul3A_70 = arith.muli %and3A_68, %mul3A_69 : i32
    %dma_start3A_71 = arith.constant 1 : i32
    %dma_start3A_72 = arith.constant 0 : i32
    %dma_start3A_73 = arith.constant 0 : i32
    %dma_start3A_74 = tpu.memref_slice %arg9[%dma_start3A_71, %dma_start3A_72, %dma_start3A_73] : memref<4x16x1024xf32, #tpu.memory_space<vmem>> -> memref<1x8x1024xf32, #tpu.memory_space<vmem>>
    %dma_start3A_75 = tpu.memref_squeeze %dma_start3A_74 : memref<1x8x1024xf32, #tpu.memory_space<vmem>> -> memref<8x1024xf32, #tpu.memory_space<vmem>>
    %dma_start3A_76 = tpu.memref_slice %arg7[%shift_right_logical3A_65, %mul3A_70] : memref<32x32xi32, #tpu.memory_space<vmem>> -> memref<1x8xi32, #tpu.memory_space<vmem>>
    %dma_start3A_77 = tpu.memref_squeeze %dma_start3A_76 : memref<1x8xi32, #tpu.memory_space<vmem>> -> memref<8xi32, #tpu.memory_space<vmem>>
    %dma_start3A_78 = arith.constant 0 : i32
    %dma_start3A_79 = arith.constant 0 : i32
    %dma_start3A_80 = tpu.memref_slice %arg4[%dma_start3A_78, %dma_start3A_79] : memref<100000x1024xf32, #tpu.memory_space<hbm>> -> memref<100000x1024xf32, #tpu.memory_space<hbm>>
    tpu.enqueue_indirect_dma source(%dma_start3A_80 : memref<100000x1024xf32, #tpu.memory_space<hbm>>) target(%dma_start3A_75 : memref<8x1024xf32, #tpu.memory_space<vmem>>) offsets(%dma_start3A_77 : memref<8xi32, #tpu.memory_space<vmem>>) semaphore(%arg15 : memref<!tpu.dma_semaphore, #tpu.memory_space<semaphore_mem>>)
    %add3A_81 = arith.constant 8 : i32
    %add3A_82 = arith.addi %mul3A_70, %add3A_81 : i32
    %dma_start3A_83 = arith.constant 1 : i32
    %dma_start3A_84 = arith.constant 8 : i32
    %dma_start3A_85 = arith.constant 0 : i32
    %dma_start3A_86 = tpu.memref_slice %arg9[%dma_start3A_83, %dma_start3A_84, %dma_start3A_85] : memref<4x16x1024xf32, #tpu.memory_space<vmem>> -> memref<1x8x1024xf32, #tpu.memory_space<vmem>>
    %dma_start3A_87 = tpu.memref_squeeze %dma_start3A_86 : memref<1x8x1024xf32, #tpu.memory_space<vmem>> -> memref<8x1024xf32, #tpu.memory_space<vmem>>
    %dma_start3A_88 = tpu.memref_slice %arg7[%shift_right_logical3A_65, %add3A_82] : memref<32x32xi32, #tpu.memory_space<vmem>> -> memref<1x8xi32, #tpu.memory_space<vmem>>
    %dma_start3A_89 = tpu.memref_squeeze %dma_start3A_88 : memref<1x8xi32, #tpu.memory_space<vmem>> -> memref<8xi32, #tpu.memory_space<vmem>>
    %dma_start3A_90 = arith.constant 0 : i32
    %dma_start3A_91 = arith.constant 0 : i32
    %dma_start3A_92 = tpu.memref_slice %arg4[%dma_start3A_90, %dma_start3A_91] : memref<100000x1024xf32, #tpu.memory_space<hbm>> -> memref<100000x1024xf32, #tpu.memory_space<hbm>>
    tpu.enqueue_indirect_dma source(%dma_start3A_92 : memref<100000x1024xf32, #tpu.memory_space<hbm>>) target(%dma_start3A_87 : memref<8x1024xf32, #tpu.memory_space<vmem>>) offsets(%dma_start3A_89 : memref<8xi32, #tpu.memory_space<vmem>>) semaphore(%arg19 : memref<!tpu.dma_semaphore, #tpu.memory_space<semaphore_mem>>)
    %dma_start3A_93 = arith.constant 1 : i32
    %dma_start3A_94 = arith.constant 0 : i32
    %dma_start3A_95 = tpu.memref_slice %arg10[%dma_start3A_93, %dma_start3A_94] : memref<4x16xf32, #tpu.memory_space<vmem>> -> memref<1x16xf32, #tpu.memory_space<vmem>>
    %dma_start3A_96 = tpu.memref_squeeze %dma_start3A_95 : memref<1x16xf32, #tpu.memory_space<vmem>> -> memref<16xf32, #tpu.memory_space<vmem>>
    %dma_start3A_97 = arith.constant 0 : i32
    %dma_start3A_98 = tpu.memref_slice %arg11[%dma_start3A_97] : memref<100000xf32, #tpu.memory_space<vmem_shared>> -> memref<100000xf32, #tpu.memory_space<vmem_shared>>
    tpu.enqueue_indirect_dma source(%dma_start3A_98 : memref<100000xf32, #tpu.memory_space<vmem_shared>>) target(%dma_start3A_96 : memref<16xf32, #tpu.memory_space<vmem>>) offsets(%get3A_62 : vector<16xi32>) semaphore(%arg23 : memref<!tpu.dma_semaphore, #tpu.memory_space<semaphore_mem>>)
    %shift_right_logical3A_99 = arith.constant 2 : i32
    %shift_right_logical3A_100 = arith.constant 1 : i32
    %shift_right_logical3A_101 = arith.shrui %shift_right_logical3A_99, %shift_right_logical3A_100 : i32
    %and3A_102 = arith.constant 2 : i32
    %and3A_103 = arith.constant 1 : i32
    %and3A_104 = arith.andi %and3A_102, %and3A_103 : i32
    %mul3A_105 = arith.constant 16 : i32
    %mul3A_106 = arith.muli %and3A_104, %mul3A_105 : i32
    %get3A_107 = arith.index_cast %shift_right_logical3A_101 : i32 to index
    %get3A_108 = arith.index_cast %mul3A_106 : i32 to index
    %get3A_109 = tpu.vector_load %arg7[%get3A_107, %get3A_108] {strides = array<i32>} : memref<32x32xi32, #tpu.memory_space<vmem>>, vector<16xi32>,
    %shift_right_logical3A_110 = arith.constant 2 : i32
    %shift_right_logical3A_111 = arith.constant 1 : i32
    %shift_right_logical3A_112 = arith.shrui %shift_right_logical3A_110, %shift_right_logical3A_111 : i32
    %and3A_113 = arith.constant 2 : i32
    %and3A_114 = arith.constant 1 : i32
    %and3A_115 = arith.andi %and3A_113, %and3A_114 : i32
    %mul3A_116 = arith.constant 16 : i32
    %mul3A_117 = arith.muli %and3A_115, %mul3A_116 : i32
    %dma_start3A_118 = arith.constant 2 : i32
    %dma_start3A_119 = arith.constant 0 : i32
    %dma_start3A_120 = arith.constant 0 : i32
    %dma_start3A_121 = tpu.memref_slice %arg9[%dma_start3A_118, %dma_start3A_119, %dma_start3A_120] : memref<4x16x1024xf32, #tpu.memory_space<vmem>> -> memref<1x8x1024xf32, #tpu.memory_space<vmem>>
    %dma_start3A_122 = tpu.memref_squeeze %dma_start3A_121 : memref<1x8x1024xf32, #tpu.memory_space<vmem>> -> memref<8x1024xf32, #tpu.memory_space<vmem>>
    %dma_start3A_123 = tpu.memref_slice %arg7[%shift_right_logical3A_112, %mul3A_117] : memref<32x32xi32, #tpu.memory_space<vmem>> -> memref<1x8xi32, #tpu.memory_space<vmem>>
    %dma_start3A_124 = tpu.memref_squeeze %dma_start3A_123 : memref<1x8xi32, #tpu.memory_space<vmem>> -> memref<8xi32, #tpu.memory_space<vmem>>
    %dma_start3A_125 = arith.constant 0 : i32
    %dma_start3A_126 = arith.constant 0 : i32
    %dma_start3A_127 = tpu.memref_slice %arg4[%dma_start3A_125, %dma_start3A_126] : memref<100000x1024xf32, #tpu.memory_space<hbm>> -> memref<100000x1024xf32, #tpu.memory_space<hbm>>
    tpu.enqueue_indirect_dma source(%dma_start3A_127 : memref<100000x1024xf32, #tpu.memory_space<hbm>>) target(%dma_start3A_122 : memref<8x1024xf32, #tpu.memory_space<vmem>>) offsets(%dma_start3A_124 : memref<8xi32, #tpu.memory_space<vmem>>) semaphore(%arg16 : memref<!tpu.dma_semaphore, #tpu.memory_space<semaphore_mem>>)
    %add3A_128 = arith.constant 8 : i32
    %add3A_129 = arith.addi %mul3A_117, %add3A_128 : i32
    %dma_start3A_130 = arith.constant 2 : i32
    %dma_start3A_131 = arith.constant 8 : i32
    %dma_start3A_132 = arith.constant 0 : i32
    %dma_start3A_133 = tpu.memref_slice %arg9[%dma_start3A_130, %dma_start3A_131, %dma_start3A_132] : memref<4x16x1024xf32, #tpu.memory_space<vmem>> -> memref<1x8x1024xf32, #tpu.memory_space<vmem>>
    %dma_start3A_134 = tpu.memref_squeeze %dma_start3A_133 : memref<1x8x1024xf32, #tpu.memory_space<vmem>> -> memref<8x1024xf32, #tpu.memory_space<vmem>>
    %dma_start3A_135 = tpu.memref_slice %arg7[%shift_right_logical3A_112, %add3A_129] : memref<32x32xi32, #tpu.memory_space<vmem>> -> memref<1x8xi32, #tpu.memory_space<vmem>>
    %dma_start3A_136 = tpu.memref_squeeze %dma_start3A_135 : memref<1x8xi32, #tpu.memory_space<vmem>> -> memref<8xi32, #tpu.memory_space<vmem>>
    %dma_start3A_137 = arith.constant 0 : i32
    %dma_start3A_138 = arith.constant 0 : i32
    %dma_start3A_139 = tpu.memref_slice %arg4[%dma_start3A_137, %dma_start3A_138] : memref<100000x1024xf32, #tpu.memory_space<hbm>> -> memref<100000x1024xf32, #tpu.memory_space<hbm>>
    tpu.enqueue_indirect_dma source(%dma_start3A_139 : memref<100000x1024xf32, #tpu.memory_space<hbm>>) target(%dma_start3A_134 : memref<8x1024xf32, #tpu.memory_space<vmem>>) offsets(%dma_start3A_136 : memref<8xi32, #tpu.memory_space<vmem>>) semaphore(%arg20 : memref<!tpu.dma_semaphore, #tpu.memory_space<semaphore_mem>>)
    %dma_start3A_140 = arith.constant 2 : i32
    %dma_start3A_141 = arith.constant 0 : i32
    %dma_start3A_142 = tpu.memref_slice %arg10[%dma_start3A_140, %dma_start3A_141] : memref<4x16xf32, #tpu.memory_space<vmem>> -> memref<1x16xf32, #tpu.memory_space<vmem>>
    %dma_start3A_143 = tpu.memref_squeeze %dma_start3A_142 : memref<1x16xf32, #tpu.memory_space<vmem>> -> memref<16xf32, #tpu.memory_space<vmem>>
    %dma_start3A_144 = arith.constant 0 : i32
    %dma_start3A_145 = tpu.memref_slice %arg11[%dma_start3A_144] : memref<100000xf32, #tpu.memory_space<vmem_shared>> -> memref<100000xf32, #tpu.memory_space<vmem_shared>>
    tpu.enqueue_indirect_dma source(%dma_start3A_145 : memref<100000xf32, #tpu.memory_space<vmem_shared>>) target(%dma_start3A_143 : memref<16xf32, #tpu.memory_space<vmem>>) offsets(%get3A_109 : vector<16xi32>) semaphore(%arg24 : memref<!tpu.dma_semaphore, #tpu.memory_space<semaphore_mem>>)
    %shift_right_logical3A_146 = arith.constant 3 : i32
    %shift_right_logical3A_147 = arith.constant 1 : i32
    %shift_right_logical3A_148 = arith.shrui %shift_right_logical3A_146, %shift_right_logical3A_147 : i32
    %and3A_149 = arith.constant 3 : i32
    %and3A_150 = arith.constant 1 : i32
    %and3A_151 = arith.andi %and3A_149, %and3A_150 : i32
    %mul3A_152 = arith.constant 16 : i32
    %mul3A_153 = arith.muli %and3A_151, %mul3A_152 : i32
    %get3A_154 = arith.index_cast %shift_right_logical3A_148 : i32 to index
    %get3A_155 = arith.index_cast %mul3A_153 : i32 to index
    %get3A_156 = tpu.vector_load %arg7[%get3A_154, %get3A_155] {strides = array<i32>} : memref<32x32xi32, #tpu.memory_space<vmem>>, vector<16xi32>,
    %shift_right_logical3A_157 = arith.constant 3 : i32
    %shift_right_logical3A_158 = arith.constant 1 : i32
    %shift_right_logical3A_159 = arith.shrui %shift_right_logical3A_157, %shift_right_logical3A_158 : i32
    %and3A_160 = arith.constant 3 : i32
    %and3A_161 = arith.constant 1 : i32
    %and3A_162 = arith.andi %and3A_160, %and3A_161 : i32
    %mul3A_163 = arith.constant 16 : i32
    %mul3A_164 = arith.muli %and3A_162, %mul3A_163 : i32
    %dma_start3A_165 = arith.constant 3 : i32
    %dma_start3A_166 = arith.constant 0 : i32
    %dma_start3A_167 = arith.constant 0 : i32
    %dma_start3A_168 = tpu.memref_slice %arg9[%dma_start3A_165, %dma_start3A_166, %dma_start3A_167] : memref<4x16x1024xf32, #tpu.memory_space<vmem>> -> memref<1x8x1024xf32, #tpu.memory_space<vmem>>
    %dma_start3A_169 = tpu.memref_squeeze %dma_start3A_168 : memref<1x8x1024xf32, #tpu.memory_space<vmem>> -> memref<8x1024xf32, #tpu.memory_space<vmem>>
    %dma_start3A_170 = tpu.memref_slice %arg7[%shift_right_logical3A_159, %mul3A_164] : memref<32x32xi32, #tpu.memory_space<vmem>> -> memref<1x8xi32, #tpu.memory_space<vmem>>
    %dma_start3A_171 = tpu.memref_squeeze %dma_start3A_170 : memref<1x8xi32, #tpu.memory_space<vmem>> -> memref<8xi32, #tpu.memory_space<vmem>>
    %dma_start3A_172 = arith.constant 0 : i32
    %dma_start3A_173 = arith.constant 0 : i32
    %dma_start3A_174 = tpu.memref_slice %arg4[%dma_start3A_172, %dma_start3A_173] : memref<100000x1024xf32, #tpu.memory_space<hbm>> -> memref<100000x1024xf32, #tpu.memory_space<hbm>>
    tpu.enqueue_indirect_dma source(%dma_start3A_174 : memref<100000x1024xf32, #tpu.memory_space<hbm>>) target(%dma_start3A_169 : memref<8x1024xf32, #tpu.memory_space<vmem>>) offsets(%dma_start3A_171 : memref<8xi32, #tpu.memory_space<vmem>>) semaphore(%arg17 : memref<!tpu.dma_semaphore, #tpu.memory_space<semaphore_mem>>)
    %add3A_175 = arith.constant 8 : i32
    %add3A_176 = arith.addi %mul3A_164, %add3A_175 : i32
    %dma_start3A_177 = arith.constant 3 : i32
    %dma_start3A_178 = arith.constant 8 : i32
    %dma_start3A_179 = arith.constant 0 : i32
    %dma_start3A_180 = tpu.memref_slice %arg9[%dma_start3A_177, %dma_start3A_178, %dma_start3A_179] : memref<4x16x1024xf32, #tpu.memory_space<vmem>> -> memref<1x8x1024xf32, #tpu.memory_space<vmem>>
    %dma_start3A_181 = tpu.memref_squeeze %dma_start3A_180 : memref<1x8x1024xf32, #tpu.memory_space<vmem>> -> memref<8x1024xf32, #tpu.memory_space<vmem>>
    %dma_start3A_182 = tpu.memref_slice %arg7[%shift_right_logical3A_159, %add3A_176] : memref<32x32xi32, #tpu.memory_space<vmem>> -> memref<1x8xi32, #tpu.memory_space<vmem>>
    %dma_start3A_183 = tpu.memref_squeeze %dma_start3A_182 : memref<1x8xi32, #tpu.memory_space<vmem>> -> memref<8xi32, #tpu.memory_space<vmem>>
    %dma_start3A_184 = arith.constant 0 : i32
    %dma_start3A_185 = arith.constant 0 : i32
    %dma_start3A_186 = tpu.memref_slice %arg4[%dma_start3A_184, %dma_start3A_185] : memref<100000x1024xf32, #tpu.memory_space<hbm>> -> memref<100000x1024xf32, #tpu.memory_space<hbm>>
    tpu.enqueue_indirect_dma source(%dma_start3A_186 : memref<100000x1024xf32, #tpu.memory_space<hbm>>) target(%dma_start3A_181 : memref<8x1024xf32, #tpu.memory_space<vmem>>) offsets(%dma_start3A_183 : memref<8xi32, #tpu.memory_space<vmem>>) semaphore(%arg21 : memref<!tpu.dma_semaphore, #tpu.memory_space<semaphore_mem>>)
    %dma_start3A_187 = arith.constant 3 : i32
    %dma_start3A_188 = arith.constant 0 : i32
    %dma_start3A_189 = tpu.memref_slice %arg10[%dma_start3A_187, %dma_start3A_188] : memref<4x16xf32, #tpu.memory_space<vmem>> -> memref<1x16xf32, #tpu.memory_space<vmem>>
    %dma_start3A_190 = tpu.memref_squeeze %dma_start3A_189 : memref<1x16xf32, #tpu.memory_space<vmem>> -> memref<16xf32, #tpu.memory_space<vmem>>
    %dma_start3A_191 = arith.constant 0 : i32
    %dma_start3A_192 = tpu.memref_slice %arg11[%dma_start3A_191] : memref<100000xf32, #tpu.memory_space<vmem_shared>> -> memref<100000xf32, #tpu.memory_space<vmem_shared>>
    tpu.enqueue_indirect_dma source(%dma_start3A_192 : memref<100000xf32, #tpu.memory_space<vmem_shared>>) target(%dma_start3A_190 : memref<16xf32, #tpu.memory_space<vmem>>) offsets(%get3A_156 : vector<16xi32>) semaphore(%arg25 : memref<!tpu.dma_semaphore, #tpu.memory_space<semaphore_mem>>)
    %dma_wait3A = arith.constant 0 : i32
    %dma_wait3A_193 = tpu.memref_slice %arg2[%multiple_of3A, %dma_wait3A] : memref<1024x1024xf32, #tpu.memory_space<hbm>> -> memref<32x1024xf32, #tpu.memory_space<hbm>>
    %dma_wait3A_194 = arith.constant 0 : i32
    %dma_wait3A_195 = tpu.memref_slice %arg2[%multiple_of3A, %dma_wait3A_194] : memref<1024x1024xf32, #tpu.memory_space<hbm>> -> memref<32x1024xf32, #tpu.memory_space<hbm>>
    tpu.wait_dma2 semaphore(%arg26 : memref<!tpu.dma_semaphore, #tpu.memory_space<semaphore_mem>>) src(%dma_wait3A_195 : memref<32x1024xf32, #tpu.memory_space<hbm>>) dst(%arg8 : memref<32x1024xf32, #tpu.memory_space<vmem>>)
    %iota3A = tpu.iota {dimensions = array<i32: 0>} : vector<16xi32>
    %scan3A = arith.constant 0 : i32
    %scan3A_196 = arith.constant 0 : i32
    %scan3A_197 = arith.constant 16 : i32
    %scan3A_198 = arith.addi %scan3A_196, %scan3A_197 : i32
    %scan3A_199 = arith.constant 1 : i32
    scf.for %scan3A_201 = %scan3A_196 to %scan3A_198 step %scan3A_199  : i32 {
      %mul3A_202 = arith.constant 4 : i32
      %mul3A_203 = arith.muli %scan3A_201, %mul3A_202 : i32
      %add3A_204 = arith.constant 0 : i32
      %add3A_205 = arith.addi %mul3A_203, %add3A_204 : i32
      %broadcast_in_dim3A = arith.constant 0 : i32
      %broadcast_in_dim3A_206 = vector.broadcast %broadcast_in_dim3A : i32 to vector<8xi32>
      %dma_wait3A_207 = arith.constant 0 : i32
      %dma_wait3A_208 = arith.constant 0 : i32
      %dma_wait3A_209 = arith.constant 0 : i32
      %dma_wait3A_210 = tpu.memref_slice %arg9[%dma_wait3A_207, %dma_wait3A_208, %dma_wait3A_209] : memref<4x16x1024xf32, #tpu.memory_space<vmem>> -> memref<1x8x1024xf32, #tpu.memory_space<vmem>>
      %dma_wait3A_211 = tpu.memref_squeeze %dma_wait3A_210 : memref<1x8x1024xf32, #tpu.memory_space<vmem>> -> memref<8x1024xf32, #tpu.memory_space<vmem>>
      %dma_wait3A_212 = arith.constant 0 : i32
      %dma_wait3A_213 = arith.constant 0 : i32
      %dma_wait3A_214 = tpu.memref_slice %arg4[%dma_wait3A_212, %dma_wait3A_213] : memref<100000x1024xf32, #tpu.memory_space<hbm>> -> memref<100000x1024xf32, #tpu.memory_space<hbm>>
      tpu.wait_indirect_dma semaphore(%arg14 : memref<!tpu.dma_semaphore, #tpu.memory_space<semaphore_mem>>) src(%dma_wait3A_214 : memref<100000x1024xf32, #tpu.memory_space<hbm>>) dst(%dma_wait3A_211 : memref<8x1024xf32, #tpu.memory_space<vmem>>)
      %dma_wait3A_215 = arith.constant 0 : i32
      %dma_wait3A_216 = arith.constant 8 : i32
      %dma_wait3A_217 = arith.constant 0 : i32
      %dma_wait3A_218 = tpu.memref_slice %arg9[%dma_wait3A_215, %dma_wait3A_216, %dma_wait3A_217] : memref<4x16x1024xf32, #tpu.memory_space<vmem>> -> memref<1x8x1024xf32, #tpu.memory_space<vmem>>
      %dma_wait3A_219 = tpu.memref_squeeze %dma_wait3A_218 : memref<1x8x1024xf32, #tpu.memory_space<vmem>> -> memref<8x1024xf32, #tpu.memory_space<vmem>>
      %dma_wait3A_220 = arith.constant 0 : i32
      %dma_wait3A_221 = arith.constant 0 : i32
      %dma_wait3A_222 = tpu.memref_slice %arg4[%dma_wait3A_220, %dma_wait3A_221] : memref<100000x1024xf32, #tpu.memory_space<hbm>> -> memref<100000x1024xf32, #tpu.memory_space<hbm>>
      tpu.wait_indirect_dma semaphore(%arg18 : memref<!tpu.dma_semaphore, #tpu.memory_space<semaphore_mem>>) src(%dma_wait3A_222 : memref<100000x1024xf32, #tpu.memory_space<hbm>>) dst(%dma_wait3A_219 : memref<8x1024xf32, #tpu.memory_space<vmem>>)
      %shift_right_logical3A_223 = arith.constant 1 : i32
      %shift_right_logical3A_224 = arith.shrui %add3A_205, %shift_right_logical3A_223 : i32
      %and3A_225 = arith.constant 1 : i32
      %and3A_226 = arith.andi %add3A_205, %and3A_225 : i32
      %mul3A_227 = arith.constant 16 : i32
      %mul3A_228 = arith.muli %and3A_226, %mul3A_227 : i32
      %broadcast_in_dim3A_229 = arith.constant 0.000000e+00 : f32
      %broadcast_in_dim3A_230 = vector.broadcast %broadcast_in_dim3A_229 : f32 to vector<16xf32>
      %broadcast_in_dim3A_231 = arith.constant 0.000000e+00 : f32
      %broadcast_in_dim3A_232 = vector.broadcast %broadcast_in_dim3A_231 : f32 to vector<16xf32>
      %broadcast_in_dim3A_233 = arith.constant 0.000000e+00 : f32
      %broadcast_in_dim3A_234 = vector.broadcast %broadcast_in_dim3A_233 : f32 to vector<16xf32>
      %broadcast_in_dim3A_235 = arith.constant 0.000000e+00 : f32
      %broadcast_in_dim3A_236 = vector.broadcast %broadcast_in_dim3A_235 : f32 to vector<16xf32>
      %broadcast_in_dim3A_237 = arith.constant 0.000000e+00 : f32
      %broadcast_in_dim3A_238 = vector.broadcast %broadcast_in_dim3A_237 : f32 to vector<16xf32>
      %broadcast_in_dim3A_239 = arith.constant 0.000000e+00 : f32
      %broadcast_in_dim3A_240 = vector.broadcast %broadcast_in_dim3A_239 : f32 to vector<16xf32>
      %broadcast_in_dim3A_241 = arith.constant 0.000000e+00 : f32
      %broadcast_in_dim3A_242 = vector.broadcast %broadcast_in_dim3A_241 : f32 to vector<16xf32>
      %broadcast_in_dim3A_243 = arith.constant 0.000000e+00 : f32
      %broadcast_in_dim3A_244 = vector.broadcast %broadcast_in_dim3A_243 : f32 to vector<16xf32>
      %scan3A_245 = arith.constant 0 : i32
      %scan3A_246 = arith.constant 64 : i32
      %scan3A_247 = arith.addi %scan3A_245, %scan3A_246 : i32
      %scan3A_248 = arith.constant 1 : i32
      %scan3A_249:8 = scf.for %scan3A_1157 = %scan3A_245 to %scan3A_247 step %scan3A_248 iter_args(%scan3A_1158 = %broadcast_in_dim3A_230, %scan3A_1159 = %broadcast_in_dim3A_232, %scan3A_1160 = %broadcast_in_dim3A_234, %scan3A_1161 = %broadcast_in_dim3A_236, %scan3A_1162 = %broadcast_in_dim3A_238, %scan3A_1163 = %broadcast_in_dim3A_240, %scan3A_1164 = %broadcast_in_dim3A_242, %scan3A_1165 = %broadcast_in_dim3A_244) -> (vector<16xf32>, vector<16xf32>, vector<16xf32>, vector<16xf32>, vector<16xf32>, vector<16xf32>, vector<16xf32>, vector<16xf32>)  : i32 {
        %mul3A_1166 = arith.constant 16 : i32
        %mul3A_1167 = arith.muli %scan3A_1157, %mul3A_1166 : i32
        %multiple_of3A_1168 = tpu.assume_multiple %mul3A_1167, 16 : i32
        %get3A_1169 = arith.index_cast %shift_right_logical3A_224 : i32 to index
        %get3A_1170 = arith.index_cast %multiple_of3A_1168 : i32 to index
        %get3A_1171 = tpu.vector_load %arg8[%get3A_1169, %get3A_1170] {strides = array<i32>} : memref<32x1024xf32, #tpu.memory_space<vmem>>, vector<16xf32>,
        %get3A_1172 = arith.constant 0 : i32
        %get3A_1173 = arith.constant 0 : i32
        %get3A_1174 = arith.index_cast %get3A_1172 : i32 to index
        %get3A_1175 = arith.index_cast %get3A_1173 : i32 to index
        %get3A_1176 = arith.index_cast %multiple_of3A_1168 : i32 to index
        %get3A_1177 = tpu.vector_load %arg9[%get3A_1174, %get3A_1175, %get3A_1176] {strides = array<i32>} : memref<4x16x1024xf32, #tpu.memory_space<vmem>>, vector<16xf32>,
        %mul3A_1178 = arith.mulf %get3A_1177, %get3A_1171 : vector<16xf32>
        %add3A_1179 = arith.addf %scan3A_1158, %mul3A_1178 : vector<16xf32>
        %get3A_1180 = arith.constant 0 : i32
        %get3A_1181 = arith.constant 1 : i32
        %get3A_1182 = arith.index_cast %get3A_1180 : i32 to index
        %get3A_1183 = arith.index_cast %get3A_1181 : i32 to index
        %get3A_1184 = arith.index_cast %multiple_of3A_1168 : i32 to index
        %get3A_1185 = tpu.vector_load %arg9[%get3A_1182, %get3A_1183, %get3A_1184] {strides = array<i32>} : memref<4x16x1024xf32, #tpu.memory_space<vmem>>, vector<16xf32>,
        %mul3A_1186 = arith.mulf %get3A_1185, %get3A_1171 : vector<16xf32>
        %add3A_1187 = arith.addf %scan3A_1159, %mul3A_1186 : vector<16xf32>
        %get3A_1188 = arith.constant 0 : i32
        %get3A_1189 = arith.constant 2 : i32
        %get3A_1190 = arith.index_cast %get3A_1188 : i32 to index
        %get3A_1191 = arith.index_cast %get3A_1189 : i32 to index
        %get3A_1192 = arith.index_cast %multiple_of3A_1168 : i32 to index
        %get3A_1193 = tpu.vector_load %arg9[%get3A_1190, %get3A_1191, %get3A_1192] {strides = array<i32>} : memref<4x16x1024xf32, #tpu.memory_space<vmem>>, vector<16xf32>,
        %mul3A_1194 = arith.mulf %get3A_1193, %get3A_1171 : vector<16xf32>
        %add3A_1195 = arith.addf %scan3A_1160, %mul3A_1194 : vector<16xf32>
        %get3A_1196 = arith.constant 0 : i32
        %get3A_1197 = arith.constant 3 : i32
        %get3A_1198 = arith.index_cast %get3A_1196 : i32 to index
        %get3A_1199 = arith.index_cast %get3A_1197 : i32 to index
        %get3A_1200 = arith.index_cast %multiple_of3A_1168 : i32 to index
        %get3A_1201 = tpu.vector_load %arg9[%get3A_1198, %get3A_1199, %get3A_1200] {strides = array<i32>} : memref<4x16x1024xf32, #tpu.memory_space<vmem>>, vector<16xf32>,
        %mul3A_1202 = arith.mulf %get3A_1201, %get3A_1171 : vector<16xf32>
        %add3A_1203 = arith.addf %scan3A_1161, %mul3A_1202 : vector<16xf32>
        %get3A_1204 = arith.constant 0 : i32
        %get3A_1205 = arith.constant 4 : i32
        %get3A_1206 = arith.index_cast %get3A_1204 : i32 to index
        %get3A_1207 = arith.index_cast %get3A_1205 : i32 to index
        %get3A_1208 = arith.index_cast %multiple_of3A_1168 : i32 to index
        %get3A_1209 = tpu.vector_load %arg9[%get3A_1206, %get3A_1207, %get3A_1208] {strides = array<i32>} : memref<4x16x1024xf32, #tpu.memory_space<vmem>>, vector<16xf32>,
        %mul3A_1210 = arith.mulf %get3A_1209, %get3A_1171 : vector<16xf32>
        %add3A_1211 = arith.addf %scan3A_1162, %mul3A_1210 : vector<16xf32>
        %get3A_1212 = arith.constant 0 : i32
        %get3A_1213 = arith.constant 5 : i32
        %get3A_1214 = arith.index_cast %get3A_1212 : i32 to index
        %get3A_1215 = arith.index_cast %get3A_1213 : i32 to index
        %get3A_1216 = arith.index_cast %multiple_of3A_1168 : i32 to index
        %get3A_1217 = tpu.vector_load %arg9[%get3A_1214, %get3A_1215, %get3A_1216] {strides = array<i32>} : memref<4x16x1024xf32, #tpu.memory_space<vmem>>, vector<16xf32>,
        %mul3A_1218 = arith.mulf %get3A_1217, %get3A_1171 : vector<16xf32>
        %add3A_1219 = arith.addf %scan3A_1163, %mul3A_1218 : vector<16xf32>
        %get3A_1220 = arith.constant 0 : i32
        %get3A_1221 = arith.constant 6 : i32
        %get3A_1222 = arith.index_cast %get3A_1220 : i32 to index
        %get3A_1223 = arith.index_cast %get3A_1221 : i32 to index
        %get3A_1224 = arith.index_cast %multiple_of3A_1168 : i32 to index
        %get3A_1225 = tpu.vector_load %arg9[%get3A_1222, %get3A_1223, %get3A_1224] {strides = array<i32>} : memref<4x16x1024xf32, #tpu.memory_space<vmem>>, vector<16xf32>,
        %mul3A_1226 = arith.mulf %get3A_1225, %get3A_1171 : vector<16xf32>
        %add3A_1227 = arith.addf %scan3A_1164, %mul3A_1226 : vector<16xf32>
        %get3A_1228 = arith.constant 0 : i32
        %get3A_1229 = arith.constant 7 : i32
        %get3A_1230 = arith.index_cast %get3A_1228 : i32 to index
        %get3A_1231 = arith.index_cast %get3A_1229 : i32 to index
        %get3A_1232 = arith.index_cast %multiple_of3A_1168 : i32 to index
        %get3A_1233 = tpu.vector_load %arg9[%get3A_1230, %get3A_1231, %get3A_1232] {strides = array<i32>} : memref<4x16x1024xf32, #tpu.memory_space<vmem>>, vector<16xf32>,
        %mul3A_1234 = arith.mulf %get3A_1233, %get3A_1171 : vector<16xf32>
        %add3A_1235 = arith.addf %scan3A_1165, %mul3A_1234 : vector<16xf32>
        scf.yield %add3A_1179, %add3A_1187, %add3A_1195, %add3A_1203, %add3A_1211, %add3A_1219, %add3A_1227, %add3A_1235 : vector<16xf32>, vector<16xf32>, vector<16xf32>, vector<16xf32>, vector<16xf32>, vector<16xf32>, vector<16xf32>, vector<16xf32>
      }
      %scan3A_250 = arith.constant 64 : i32
      %broadcast_in_dim3A_251 = arith.constant 0.000000e+00 : f32
      %broadcast_in_dim3A_252 = vector.broadcast %broadcast_in_dim3A_251 : f32 to vector<16xf32>
      %broadcast_in_dim3A_253 = arith.constant 0.000000e+00 : f32
      %broadcast_in_dim3A_254 = vector.broadcast %broadcast_in_dim3A_253 : f32 to vector<16xf32>
      %broadcast_in_dim3A_255 = arith.constant 0.000000e+00 : f32
      %broadcast_in_dim3A_256 = vector.broadcast %broadcast_in_dim3A_255 : f32 to vector<16xf32>
      %broadcast_in_dim3A_257 = arith.constant 0.000000e+00 : f32
      %broadcast_in_dim3A_258 = vector.broadcast %broadcast_in_dim3A_257 : f32 to vector<16xf32>
      %broadcast_in_dim3A_259 = arith.constant 0.000000e+00 : f32
      %broadcast_in_dim3A_260 = vector.broadcast %broadcast_in_dim3A_259 : f32 to vector<16xf32>
      %broadcast_in_dim3A_261 = arith.constant 0.000000e+00 : f32
      %broadcast_in_dim3A_262 = vector.broadcast %broadcast_in_dim3A_261 : f32 to vector<16xf32>
      %broadcast_in_dim3A_263 = arith.constant 0.000000e+00 : f32
      %broadcast_in_dim3A_264 = vector.broadcast %broadcast_in_dim3A_263 : f32 to vector<16xf32>
      %broadcast_in_dim3A_265 = arith.constant 0.000000e+00 : f32
      %broadcast_in_dim3A_266 = vector.broadcast %broadcast_in_dim3A_265 : f32 to vector<16xf32>
      %scan3A_267 = arith.constant 0 : i32
      %scan3A_268 = arith.constant 64 : i32
      %scan3A_269 = arith.addi %scan3A_267, %scan3A_268 : i32
      %scan3A_270 = arith.constant 1 : i32
      %scan3A_271:8 = scf.for %scan3A_1157 = %scan3A_267 to %scan3A_269 step %scan3A_270 iter_args(%scan3A_1158 = %broadcast_in_dim3A_252, %scan3A_1159 = %broadcast_in_dim3A_254, %scan3A_1160 = %broadcast_in_dim3A_256, %scan3A_1161 = %broadcast_in_dim3A_258, %scan3A_1162 = %broadcast_in_dim3A_260, %scan3A_1163 = %broadcast_in_dim3A_262, %scan3A_1164 = %broadcast_in_dim3A_264, %scan3A_1165 = %broadcast_in_dim3A_266) -> (vector<16xf32>, vector<16xf32>, vector<16xf32>, vector<16xf32>, vector<16xf32>, vector<16xf32>, vector<16xf32>, vector<16xf32>)  : i32 {
        %mul3A_1166 = arith.constant 16 : i32
        %mul3A_1167 = arith.muli %scan3A_1157, %mul3A_1166 : i32
        %multiple_of3A_1168 = tpu.assume_multiple %mul3A_1167, 16 : i32
        %get3A_1169 = arith.index_cast %shift_right_logical3A_224 : i32 to index
        %get3A_1170 = arith.index_cast %multiple_of3A_1168 : i32 to index
        %get3A_1171 = tpu.vector_load %arg8[%get3A_1169, %get3A_1170] {strides = array<i32>} : memref<32x1024xf32, #tpu.memory_space<vmem>>, vector<16xf32>,
        %get3A_1172 = arith.constant 0 : i32
        %get3A_1173 = arith.constant 8 : i32
        %get3A_1174 = arith.index_cast %get3A_1172 : i32 to index
        %get3A_1175 = arith.index_cast %get3A_1173 : i32 to index
        %get3A_1176 = arith.index_cast %multiple_of3A_1168 : i32 to index
        %get3A_1177 = tpu.vector_load %arg9[%get3A_1174, %get3A_1175, %get3A_1176] {strides = array<i32>} : memref<4x16x1024xf32, #tpu.memory_space<vmem>>, vector<16xf32>,
        %mul3A_1178 = arith.mulf %get3A_1177, %get3A_1171 : vector<16xf32>
        %add3A_1179 = arith.addf %scan3A_1158, %mul3A_1178 : vector<16xf32>
        %get3A_1180 = arith.constant 0 : i32
        %get3A_1181 = arith.constant 9 : i32
        %get3A_1182 = arith.index_cast %get3A_1180 : i32 to index
        %get3A_1183 = arith.index_cast %get3A_1181 : i32 to index
        %get3A_1184 = arith.index_cast %multiple_of3A_1168 : i32 to index
        %get3A_1185 = tpu.vector_load %arg9[%get3A_1182, %get3A_1183, %get3A_1184] {strides = array<i32>} : memref<4x16x1024xf32, #tpu.memory_space<vmem>>, vector<16xf32>,
        %mul3A_1186 = arith.mulf %get3A_1185, %get3A_1171 : vector<16xf32>
        %add3A_1187 = arith.addf %scan3A_1159, %mul3A_1186 : vector<16xf32>
        %get3A_1188 = arith.constant 0 : i32
        %get3A_1189 = arith.constant 10 : i32
        %get3A_1190 = arith.index_cast %get3A_1188 : i32 to index
        %get3A_1191 = arith.index_cast %get3A_1189 : i32 to index
        %get3A_1192 = arith.index_cast %multiple_of3A_1168 : i32 to index
        %get3A_1193 = tpu.vector_load %arg9[%get3A_1190, %get3A_1191, %get3A_1192] {strides = array<i32>} : memref<4x16x1024xf32, #tpu.memory_space<vmem>>, vector<16xf32>,
        %mul3A_1194 = arith.mulf %get3A_1193, %get3A_1171 : vector<16xf32>
        %add3A_1195 = arith.addf %scan3A_1160, %mul3A_1194 : vector<16xf32>
        %get3A_1196 = arith.constant 0 : i32
        %get3A_1197 = arith.constant 11 : i32
        %get3A_1198 = arith.index_cast %get3A_1196 : i32 to index
        %get3A_1199 = arith.index_cast %get3A_1197 : i32 to index
        %get3A_1200 = arith.index_cast %multiple_of3A_1168 : i32 to index
        %get3A_1201 = tpu.vector_load %arg9[%get3A_1198, %get3A_1199, %get3A_1200] {strides = array<i32>} : memref<4x16x1024xf32, #tpu.memory_space<vmem>>, vector<16xf32>,
        %mul3A_1202 = arith.mulf %get3A_1201, %get3A_1171 : vector<16xf32>
        %add3A_1203 = arith.addf %scan3A_1161, %mul3A_1202 : vector<16xf32>
        %get3A_1204 = arith.constant 0 : i32
        %get3A_1205 = arith.constant 12 : i32
        %get3A_1206 = arith.index_cast %get3A_1204 : i32 to index
        %get3A_1207 = arith.index_cast %get3A_1205 : i32 to index
        %get3A_1208 = arith.index_cast %multiple_of3A_1168 : i32 to index
        %get3A_1209 = tpu.vector_load %arg9[%get3A_1206, %get3A_1207, %get3A_1208] {strides = array<i32>} : memref<4x16x1024xf32, #tpu.memory_space<vmem>>, vector<16xf32>,
        %mul3A_1210 = arith.mulf %get3A_1209, %get3A_1171 : vector<16xf32>
        %add3A_1211 = arith.addf %scan3A_1162, %mul3A_1210 : vector<16xf32>
        %get3A_1212 = arith.constant 0 : i32
        %get3A_1213 = arith.constant 13 : i32
        %get3A_1214 = arith.index_cast %get3A_1212 : i32 to index
        %get3A_1215 = arith.index_cast %get3A_1213 : i32 to index
        %get3A_1216 = arith.index_cast %multiple_of3A_1168 : i32 to index
        %get3A_1217 = tpu.vector_load %arg9[%get3A_1214, %get3A_1215, %get3A_1216] {strides = array<i32>} : memref<4x16x1024xf32, #tpu.memory_space<vmem>>, vector<16xf32>,
        %mul3A_1218 = arith.mulf %get3A_1217, %get3A_1171 : vector<16xf32>
        %add3A_1219 = arith.addf %scan3A_1163, %mul3A_1218 : vector<16xf32>
        %get3A_1220 = arith.constant 0 : i32
        %get3A_1221 = arith.constant 14 : i32
        %get3A_1222 = arith.index_cast %get3A_1220 : i32 to index
        %get3A_1223 = arith.index_cast %get3A_1221 : i32 to index
        %get3A_1224 = arith.index_cast %multiple_of3A_1168 : i32 to index
        %get3A_1225 = tpu.vector_load %arg9[%get3A_1222, %get3A_1223, %get3A_1224] {strides = array<i32>} : memref<4x16x1024xf32, #tpu.memory_space<vmem>>, vector<16xf32>,
        %mul3A_1226 = arith.mulf %get3A_1225, %get3A_1171 : vector<16xf32>
        %add3A_1227 = arith.addf %scan3A_1164, %mul3A_1226 : vector<16xf32>
        %get3A_1228 = arith.constant 0 : i32
        %get3A_1229 = arith.constant 15 : i32
        %get3A_1230 = arith.index_cast %get3A_1228 : i32 to index
        %get3A_1231 = arith.index_cast %get3A_1229 : i32 to index
        %get3A_1232 = arith.index_cast %multiple_of3A_1168 : i32 to index
        %get3A_1233 = tpu.vector_load %arg9[%get3A_1230, %get3A_1231, %get3A_1232] {strides = array<i32>} : memref<4x16x1024xf32, #tpu.memory_space<vmem>>, vector<16xf32>,
        %mul3A_1234 = arith.mulf %get3A_1233, %get3A_1171 : vector<16xf32>
        %add3A_1235 = arith.addf %scan3A_1165, %mul3A_1234 : vector<16xf32>
        scf.yield %add3A_1179, %add3A_1187, %add3A_1195, %add3A_1203, %add3A_1211, %add3A_1219, %add3A_1227, %add3A_1235 : vector<16xf32>, vector<16xf32>, vector<16xf32>, vector<16xf32>, vector<16xf32>, vector<16xf32>, vector<16xf32>, vector<16xf32>
      }
      %scan3A_272 = arith.constant 64 : i32
      %swap3A = arith.constant 0 : i32
      %swap3A_273 = arith.index_cast %swap3A : i32 to index
      %swap3A_274 = arith.constant 0 : index
      %swap3A_275 = tpu.vector_load %arg13[%swap3A_273, %swap3A_274] {strides = array<i32>} : memref<32x16xf32, #tpu.memory_space<vmem>>, vector<16xf32>,
      tpu.vector_store %arg13[%swap3A_273, %swap3A_274], %scan3A_249#0 {strides = array<i32>} : memref<32x16xf32, #tpu.memory_space<vmem>>, vector<16xf32>,
      %swap3A_276 = arith.constant 1 : i32
      %swap3A_277 = arith.index_cast %swap3A_276 : i32 to index
      %swap3A_278 = arith.constant 0 : index
      %swap3A_279 = tpu.vector_load %arg13[%swap3A_277, %swap3A_278] {strides = array<i32>} : memref<32x16xf32, #tpu.memory_space<vmem>>, vector<16xf32>,
      tpu.vector_store %arg13[%swap3A_277, %swap3A_278], %scan3A_249#1 {strides = array<i32>} : memref<32x16xf32, #tpu.memory_space<vmem>>, vector<16xf32>,
      %swap3A_280 = arith.constant 2 : i32
      %swap3A_281 = arith.index_cast %swap3A_280 : i32 to index
      %swap3A_282 = arith.constant 0 : index
      %swap3A_283 = tpu.vector_load %arg13[%swap3A_281, %swap3A_282] {strides = array<i32>} : memref<32x16xf32, #tpu.memory_space<vmem>>, vector<16xf32>,
      tpu.vector_store %arg13[%swap3A_281, %swap3A_282], %scan3A_249#2 {strides = array<i32>} : memref<32x16xf32, #tpu.memory_space<vmem>>, vector<16xf32>,
      %swap3A_284 = arith.constant 3 : i32
      %swap3A_285 = arith.index_cast %swap3A_284 : i32 to index
      %swap3A_286 = arith.constant 0 : index
      %swap3A_287 = tpu.vector_load %arg13[%swap3A_285, %swap3A_286] {strides = array<i32>} : memref<32x16xf32, #tpu.memory_space<vmem>>, vector<16xf32>,
      tpu.vector_store %arg13[%swap3A_285, %swap3A_286], %scan3A_249#3 {strides = array<i32>} : memref<32x16xf32, #tpu.memory_space<vmem>>, vector<16xf32>,
      %swap3A_288 = arith.constant 4 : i32
      %swap3A_289 = arith.index_cast %swap3A_288 : i32 to index
      %swap3A_290 = arith.constant 0 : index
      %swap3A_291 = tpu.vector_load %arg13[%swap3A_289, %swap3A_290] {strides = array<i32>} : memref<32x16xf32, #tpu.memory_space<vmem>>, vector<16xf32>,
      tpu.vector_store %arg13[%swap3A_289, %swap3A_290], %scan3A_249#4 {strides = array<i32>} : memref<32x16xf32, #tpu.memory_space<vmem>>, vector<16xf32>,
      %swap3A_292 = arith.constant 5 : i32
      %swap3A_293 = arith.index_cast %swap3A_292 : i32 to index
      %swap3A_294 = arith.constant 0 : index
      %swap3A_295 = tpu.vector_load %arg13[%swap3A_293, %swap3A_294] {strides = array<i32>} : memref<32x16xf32, #tpu.memory_space<vmem>>, vector<16xf32>,
      tpu.vector_store %arg13[%swap3A_293, %swap3A_294], %scan3A_249#5 {strides = array<i32>} : memref<32x16xf32, #tpu.memory_space<vmem>>, vector<16xf32>,
      %swap3A_296 = arith.constant 6 : i32
      %swap3A_297 = arith.index_cast %swap3A_296 : i32 to index
      %swap3A_298 = arith.constant 0 : index
      %swap3A_299 = tpu.vector_load %arg13[%swap3A_297, %swap3A_298] {strides = array<i32>} : memref<32x16xf32, #tpu.memory_space<vmem>>, vector<16xf32>,
      tpu.vector_store %arg13[%swap3A_297, %swap3A_298], %scan3A_249#6 {strides = array<i32>} : memref<32x16xf32, #tpu.memory_space<vmem>>, vector<16xf32>,
      %swap3A_300 = arith.constant 7 : i32
      %swap3A_301 = arith.index_cast %swap3A_300 : i32 to index
      %swap3A_302 = arith.constant 0 : index
      %swap3A_303 = tpu.vector_load %arg13[%swap3A_301, %swap3A_302] {strides = array<i32>} : memref<32x16xf32, #tpu.memory_space<vmem>>, vector<16xf32>,
      tpu.vector_store %arg13[%swap3A_301, %swap3A_302], %scan3A_249#7 {strides = array<i32>} : memref<32x16xf32, #tpu.memory_space<vmem>>, vector<16xf32>,
      %swap3A_304 = arith.constant 8 : i32
      %swap3A_305 = arith.index_cast %swap3A_304 : i32 to index
      %swap3A_306 = arith.constant 0 : index
      %swap3A_307 = tpu.vector_load %arg13[%swap3A_305, %swap3A_306] {strides = array<i32>} : memref<32x16xf32, #tpu.memory_space<vmem>>, vector<16xf32>,
      tpu.vector_store %arg13[%swap3A_305, %swap3A_306], %scan3A_271#0 {strides = array<i32>} : memref<32x16xf32, #tpu.memory_space<vmem>>, vector<16xf32>,
      %swap3A_308 = arith.constant 9 : i32
      %swap3A_309 = arith.index_cast %swap3A_308 : i32 to index
      %swap3A_310 = arith.constant 0 : index
      %swap3A_311 = tpu.vector_load %arg13[%swap3A_309, %swap3A_310] {strides = array<i32>} : memref<32x16xf32, #tpu.memory_space<vmem>>, vector<16xf32>,
      tpu.vector_store %arg13[%swap3A_309, %swap3A_310], %scan3A_271#1 {strides = array<i32>} : memref<32x16xf32, #tpu.memory_space<vmem>>, vector<16xf32>,
      %swap3A_312 = arith.constant 10 : i32
      %swap3A_313 = arith.index_cast %swap3A_312 : i32 to index
      %swap3A_314 = arith.constant 0 : index
      %swap3A_315 = tpu.vector_load %arg13[%swap3A_313, %swap3A_314] {strides = array<i32>} : memref<32x16xf32, #tpu.memory_space<vmem>>, vector<16xf32>,
      tpu.vector_store %arg13[%swap3A_313, %swap3A_314], %scan3A_271#2 {strides = array<i32>} : memref<32x16xf32, #tpu.memory_space<vmem>>, vector<16xf32>,
      %swap3A_316 = arith.constant 11 : i32
      %swap3A_317 = arith.index_cast %swap3A_316 : i32 to index
      %swap3A_318 = arith.constant 0 : index
      %swap3A_319 = tpu.vector_load %arg13[%swap3A_317, %swap3A_318] {strides = array<i32>} : memref<32x16xf32, #tpu.memory_space<vmem>>, vector<16xf32>,
      tpu.vector_store %arg13[%swap3A_317, %swap3A_318], %scan3A_271#3 {strides = array<i32>} : memref<32x16xf32, #tpu.memory_space<vmem>>, vector<16xf32>,
      %swap3A_320 = arith.constant 12 : i32
      %swap3A_321 = arith.index_cast %swap3A_320 : i32 to index
      %swap3A_322 = arith.constant 0 : index
      %swap3A_323 = tpu.vector_load %arg13[%swap3A_321, %swap3A_322] {strides = array<i32>} : memref<32x16xf32, #tpu.memory_space<vmem>>, vector<16xf32>,
      tpu.vector_store %arg13[%swap3A_321, %swap3A_322], %scan3A_271#4 {strides = array<i32>} : memref<32x16xf32, #tpu.memory_space<vmem>>, vector<16xf32>,
      %swap3A_324 = arith.constant 13 : i32
      %swap3A_325 = arith.index_cast %swap3A_324 : i32 to index
      %swap3A_326 = arith.constant 0 : index
      %swap3A_327 = tpu.vector_load %arg13[%swap3A_325, %swap3A_326] {strides = array<i32>} : memref<32x16xf32, #tpu.memory_space<vmem>>, vector<16xf32>,
      tpu.vector_store %arg13[%swap3A_325, %swap3A_326], %scan3A_271#5 {strides = array<i32>} : memref<32x16xf32, #tpu.memory_space<vmem>>, vector<16xf32>,
      %swap3A_328 = arith.constant 14 : i32
      %swap3A_329 = arith.index_cast %swap3A_328 : i32 to index
      %swap3A_330 = arith.constant 0 : index
      %swap3A_331 = tpu.vector_load %arg13[%swap3A_329, %swap3A_330] {strides = array<i32>} : memref<32x16xf32, #tpu.memory_space<vmem>>, vector<16xf32>,
      tpu.vector_store %arg13[%swap3A_329, %swap3A_330], %scan3A_271#6 {strides = array<i32>} : memref<32x16xf32, #tpu.memory_space<vmem>>, vector<16xf32>,
      %swap3A_332 = arith.constant 15 : i32
      %swap3A_333 = arith.index_cast %swap3A_332 : i32 to index
      %swap3A_334 = arith.constant 0 : index
      %swap3A_335 = tpu.vector_load %arg13[%swap3A_333, %swap3A_334] {strides = array<i32>} : memref<32x16xf32, #tpu.memory_space<vmem>>, vector<16xf32>,
      tpu.vector_store %arg13[%swap3A_333, %swap3A_334], %scan3A_271#7 {strides = array<i32>} : memref<32x16xf32, #tpu.memory_space<vmem>>, vector<16xf32>,
      %broadcast_in_dim3A_336 = arith.constant 0 : i32
      %broadcast_in_dim3A_337 = vector.broadcast %broadcast_in_dim3A_336 : i32 to vector<16xi32>
      %gather3A = tpu.vector_load_idx %arg13[%iota3A, %broadcast_in_dim3A_337] : memref<32x16xf32, #tpu.memory_space<vmem>>[vector<16xi32>, vector<16xi32>], vector<16xf32>,
      %broadcast_in_dim3A_338 = arith.constant 1 : i32
      %broadcast_in_dim3A_339 = vector.broadcast %broadcast_in_dim3A_338 : i32 to vector<16xi32>
      %gather3A_340 = tpu.vector_load_idx %arg13[%iota3A, %broadcast_in_dim3A_339] : memref<32x16xf32, #tpu.memory_space<vmem>>[vector<16xi32>, vector<16xi32>], vector<16xf32>,
      %broadcast_in_dim3A_341 = arith.constant 2 : i32
      %broadcast_in_dim3A_342 = vector.broadcast %broadcast_in_dim3A_341 : i32 to vector<16xi32>
      %gather3A_343 = tpu.vector_load_idx %arg13[%iota3A, %broadcast_in_dim3A_342] : memref<32x16xf32, #tpu.memory_space<vmem>>[vector<16xi32>, vector<16xi32>], vector<16xf32>,
      %broadcast_in_dim3A_344 = arith.constant 3 : i32
      %broadcast_in_dim3A_345 = vector.broadcast %broadcast_in_dim3A_344 : i32 to vector<16xi32>
      %gather3A_346 = tpu.vector_load_idx %arg13[%iota3A, %broadcast_in_dim3A_345] : memref<32x16xf32, #tpu.memory_space<vmem>>[vector<16xi32>, vector<16xi32>], vector<16xf32>,
      %broadcast_in_dim3A_347 = arith.constant 4 : i32
      %broadcast_in_dim3A_348 = vector.broadcast %broadcast_in_dim3A_347 : i32 to vector<16xi32>
      %gather3A_349 = tpu.vector_load_idx %arg13[%iota3A, %broadcast_in_dim3A_348] : memref<32x16xf32, #tpu.memory_space<vmem>>[vector<16xi32>, vector<16xi32>], vector<16xf32>,
      %broadcast_in_dim3A_350 = arith.constant 5 : i32
      %broadcast_in_dim3A_351 = vector.broadcast %broadcast_in_dim3A_350 : i32 to vector<16xi32>
      %gather3A_352 = tpu.vector_load_idx %arg13[%iota3A, %broadcast_in_dim3A_351] : memref<32x16xf32, #tpu.memory_space<vmem>>[vector<16xi32>, vector<16xi32>], vector<16xf32>,
      %broadcast_in_dim3A_353 = arith.constant 6 : i32
      %broadcast_in_dim3A_354 = vector.broadcast %broadcast_in_dim3A_353 : i32 to vector<16xi32>
      %gather3A_355 = tpu.vector_load_idx %arg13[%iota3A, %broadcast_in_dim3A_354] : memref<32x16xf32, #tpu.memory_space<vmem>>[vector<16xi32>, vector<16xi32>], vector<16xf32>,
      %broadcast_in_dim3A_356 = arith.constant 7 : i32
      %broadcast_in_dim3A_357 = vector.broadcast %broadcast_in_dim3A_356 : i32 to vector<16xi32>
      %gather3A_358 = tpu.vector_load_idx %arg13[%iota3A, %broadcast_in_dim3A_357] : memref<32x16xf32, #tpu.memory_space<vmem>>[vector<16xi32>, vector<16xi32>], vector<16xf32>,
      %broadcast_in_dim3A_359 = arith.constant 8 : i32
      %broadcast_in_dim3A_360 = vector.broadcast %broadcast_in_dim3A_359 : i32 to vector<16xi32>
      %gather3A_361 = tpu.vector_load_idx %arg13[%iota3A, %broadcast_in_dim3A_360] : memref<32x16xf32, #tpu.memory_space<vmem>>[vector<16xi32>, vector<16xi32>], vector<16xf32>,
      %broadcast_in_dim3A_362 = arith.constant 9 : i32
      %broadcast_in_dim3A_363 = vector.broadcast %broadcast_in_dim3A_362 : i32 to vector<16xi32>
      %gather3A_364 = tpu.vector_load_idx %arg13[%iota3A, %broadcast_in_dim3A_363] : memref<32x16xf32, #tpu.memory_space<vmem>>[vector<16xi32>, vector<16xi32>], vector<16xf32>,
      %broadcast_in_dim3A_365 = arith.constant 10 : i32
      %broadcast_in_dim3A_366 = vector.broadcast %broadcast_in_dim3A_365 : i32 to vector<16xi32>
      %gather3A_367 = tpu.vector_load_idx %arg13[%iota3A, %broadcast_in_dim3A_366] : memref<32x16xf32, #tpu.memory_space<vmem>>[vector<16xi32>, vector<16xi32>], vector<16xf32>,
      %broadcast_in_dim3A_368 = arith.constant 11 : i32
      %broadcast_in_dim3A_369 = vector.broadcast %broadcast_in_dim3A_368 : i32 to vector<16xi32>
      %gather3A_370 = tpu.vector_load_idx %arg13[%iota3A, %broadcast_in_dim3A_369] : memref<32x16xf32, #tpu.memory_space<vmem>>[vector<16xi32>, vector<16xi32>], vector<16xf32>,
      %broadcast_in_dim3A_371 = arith.constant 12 : i32
      %broadcast_in_dim3A_372 = vector.broadcast %broadcast_in_dim3A_371 : i32 to vector<16xi32>
      %gather3A_373 = tpu.vector_load_idx %arg13[%iota3A, %broadcast_in_dim3A_372] : memref<32x16xf32, #tpu.memory_space<vmem>>[vector<16xi32>, vector<16xi32>], vector<16xf32>,
      %broadcast_in_dim3A_374 = arith.constant 13 : i32
      %broadcast_in_dim3A_375 = vector.broadcast %broadcast_in_dim3A_374 : i32 to vector<16xi32>
      %gather3A_376 = tpu.vector_load_idx %arg13[%iota3A, %broadcast_in_dim3A_375] : memref<32x16xf32, #tpu.memory_space<vmem>>[vector<16xi32>, vector<16xi32>], vector<16xf32>,
      %broadcast_in_dim3A_377 = arith.constant 14 : i32
      %broadcast_in_dim3A_378 = vector.broadcast %broadcast_in_dim3A_377 : i32 to vector<16xi32>
      %gather3A_379 = tpu.vector_load_idx %arg13[%iota3A, %broadcast_in_dim3A_378] : memref<32x16xf32, #tpu.memory_space<vmem>>[vector<16xi32>, vector<16xi32>], vector<16xf32>,
      %broadcast_in_dim3A_380 = arith.constant 15 : i32
      %broadcast_in_dim3A_381 = vector.broadcast %broadcast_in_dim3A_380 : i32 to vector<16xi32>
      %gather3A_382 = tpu.vector_load_idx %arg13[%iota3A, %broadcast_in_dim3A_381] : memref<32x16xf32, #tpu.memory_space<vmem>>[vector<16xi32>, vector<16xi32>], vector<16xf32>,
      %add3A_383 = arith.addf %gather3A, %gather3A_340 : vector<16xf32>
      %add3A_384 = arith.addf %gather3A_343, %gather3A_346 : vector<16xf32>
      %add3A_385 = arith.addf %gather3A_349, %gather3A_352 : vector<16xf32>
      %add3A_386 = arith.addf %gather3A_355, %gather3A_358 : vector<16xf32>
      %add3A_387 = arith.addf %gather3A_361, %gather3A_364 : vector<16xf32>
      %add3A_388 = arith.addf %gather3A_367, %gather3A_370 : vector<16xf32>
      %add3A_389 = arith.addf %gather3A_373, %gather3A_376 : vector<16xf32>
      %add3A_390 = arith.addf %gather3A_379, %gather3A_382 : vector<16xf32>
      %add3A_391 = arith.addf %add3A_383, %add3A_384 : vector<16xf32>
      %add3A_392 = arith.addf %add3A_385, %add3A_386 : vector<16xf32>
      %add3A_393 = arith.addf %add3A_387, %add3A_388 : vector<16xf32>
      %add3A_394 = arith.addf %add3A_389, %add3A_390 : vector<16xf32>
      %add3A_395 = arith.addf %add3A_391, %add3A_392 : vector<16xf32>
      %add3A_396 = arith.addf %add3A_393, %add3A_394 : vector<16xf32>
      %add3A_397 = arith.addf %add3A_395, %add3A_396 : vector<16xf32>
      %shift_right_logical3A_398 = arith.constant 1 : i32
      %shift_right_logical3A_399 = arith.shrui %add3A_205, %shift_right_logical3A_398 : i32
      %and3A_400 = arith.constant 1 : i32
      %and3A_401 = arith.andi %add3A_205, %and3A_400 : i32
      %mul3A_402 = arith.constant 16 : i32
      %mul3A_403 = arith.muli %and3A_401, %mul3A_402 : i32
      %get3A_404 = arith.index_cast %shift_right_logical3A_399 : i32 to index
      %get3A_405 = arith.index_cast %mul3A_403 : i32 to index
      %get3A_406 = tpu.vector_load %arg7[%get3A_404, %get3A_405] {strides = array<i32>} : memref<32x32xi32, #tpu.memory_space<vmem>>, vector<16xi32>,
      %broadcast_in_dim3A_407 = arith.constant 0 : i32
      %broadcast_in_dim3A_408 = vector.broadcast %broadcast_in_dim3A_407 : i32 to vector<16xi32>
      %dma_wait3A_409 = arith.constant 0 : i32
      %dma_wait3A_410 = arith.constant 0 : i32
      %dma_wait3A_411 = tpu.memref_slice %arg10[%dma_wait3A_409, %dma_wait3A_410] : memref<4x16xf32, #tpu.memory_space<vmem>> -> memref<1x16xf32, #tpu.memory_space<vmem>>
      %dma_wait3A_412 = tpu.memref_squeeze %dma_wait3A_411 : memref<1x16xf32, #tpu.memory_space<vmem>> -> memref<16xf32, #tpu.memory_space<vmem>>
      %dma_wait3A_413 = arith.constant 0 : i32
      %dma_wait3A_414 = tpu.memref_slice %arg11[%dma_wait3A_413] : memref<100000xf32, #tpu.memory_space<vmem_shared>> -> memref<100000xf32, #tpu.memory_space<vmem_shared>>
      tpu.wait_indirect_dma semaphore(%arg22 : memref<!tpu.dma_semaphore, #tpu.memory_space<semaphore_mem>>) src(%dma_wait3A_414 : memref<100000xf32, #tpu.memory_space<vmem_shared>>) dst(%dma_wait3A_412 : memref<16xf32, #tpu.memory_space<vmem>>)
      %get3A_415 = arith.constant 0 : i32
      %get3A_416 = arith.index_cast %get3A_415 : i32 to index
      %get3A_417 = arith.constant 0 : index
      %get3A_418 = tpu.vector_load %arg10[%get3A_416, %get3A_417] {strides = array<i32>} : memref<4x16xf32, #tpu.memory_space<vmem>>, vector<16xf32>,
      %eq3A_419 = arith.constant 0 : i32
      %eq3A_420 = vector.broadcast %eq3A_419 : i32 to vector<16xi32>
      %eq3A_421 = arith.cmpi eq, %get3A_406, %eq3A_420 : vector<16xi32>
      %broadcast_in_dim3A_422 = arith.constant -1.000000e+04 : f32
      %broadcast_in_dim3A_423 = vector.broadcast %broadcast_in_dim3A_422 : f32 to vector<16xf32>
      %broadcast_in_dim3A_424 = arith.constant 0.000000e+00 : f32
      %broadcast_in_dim3A_425 = vector.broadcast %broadcast_in_dim3A_424 : f32 to vector<16xf32>
      %select_n3A = arith.select %eq3A_421, %broadcast_in_dim3A_423, %broadcast_in_dim3A_425 : vector<16xi1>, vector<16xf32>
      %add3A_426 = arith.addf %add3A_397, %get3A_418 : vector<16xf32>
      %add3A_427 = arith.addf %add3A_426, %select_n3A : vector<16xf32>
      %swap3A_428 = arith.index_cast %shift_right_logical3A_224 : i32 to index
      %swap3A_429 = arith.index_cast %mul3A_228 : i32 to index
      %swap3A_430 = tpu.vector_load %arg12[%swap3A_428, %swap3A_429] {strides = array<i32>} : memref<32x32xf32, #tpu.memory_space<vmem>>, vector<16xf32>,
      tpu.vector_store %arg12[%swap3A_428, %swap3A_429], %add3A_427 {strides = array<i32>} : memref<32x32xf32, #tpu.memory_space<vmem>>, vector<16xf32>,
      %add3A_431 = arith.constant 4 : i32
      %add3A_432 = arith.addi %add3A_205, %add3A_431 : i32
      %lt3A = arith.constant 64 : i32
      %lt3A_433 = arith.cmpi slt, %add3A_432, %lt3A : i32
      %convert_element_type3A_434 = arith.extui %lt3A_433 : i1 to i32
      %cond3A_435 = arith.constant 0 : i32
      %cond3A_436 = arith.cmpi ne, %convert_element_type3A_434, %cond3A_435 : i32
      scf.if %cond3A_436 {
        %add3A_1157 = arith.constant 4 : i32
        %add3A_1158 = arith.addi %add3A_205, %add3A_1157 : i32
        %shift_right_logical3A_1159 = arith.constant 1 : i32
        %shift_right_logical3A_1160 = arith.shrui %add3A_1158, %shift_right_logical3A_1159 : i32
        %and3A_1161 = arith.constant 1 : i32
        %and3A_1162 = arith.andi %add3A_1158, %and3A_1161 : i32
        %mul3A_1163 = arith.constant 16 : i32
        %mul3A_1164 = arith.muli %and3A_1162, %mul3A_1163 : i32
        %get3A_1165 = arith.index_cast %shift_right_logical3A_1160 : i32 to index
        %get3A_1166 = arith.index_cast %mul3A_1164 : i32 to index
        %get3A_1167 = tpu.vector_load %arg7[%get3A_1165, %get3A_1166] {strides = array<i32>} : memref<32x32xi32, #tpu.memory_space<vmem>>, vector<16xi32>,
        %shift_right_logical3A_1168 = arith.constant 1 : i32
        %shift_right_logical3A_1169 = arith.shrui %add3A_1158, %shift_right_logical3A_1168 : i32
        %and3A_1170 = arith.constant 1 : i32
        %and3A_1171 = arith.andi %add3A_1158, %and3A_1170 : i32
        %mul3A_1172 = arith.constant 16 : i32
        %mul3A_1173 = arith.muli %and3A_1171, %mul3A_1172 : i32
        %dma_start3A_1174 = arith.constant 0 : i32
        %dma_start3A_1175 = arith.constant 0 : i32
        %dma_start3A_1176 = arith.constant 0 : i32
        %dma_start3A_1177 = tpu.memref_slice %arg9[%dma_start3A_1174, %dma_start3A_1175, %dma_start3A_1176] : memref<4x16x1024xf32, #tpu.memory_space<vmem>> -> memref<1x8x1024xf32, #tpu.memory_space<vmem>>
        %dma_start3A_1178 = tpu.memref_squeeze %dma_start3A_1177 : memref<1x8x1024xf32, #tpu.memory_space<vmem>> -> memref<8x1024xf32, #tpu.memory_space<vmem>>
        %dma_start3A_1179 = tpu.memref_slice %arg7[%shift_right_logical3A_1169, %mul3A_1173] : memref<32x32xi32, #tpu.memory_space<vmem>> -> memref<1x8xi32, #tpu.memory_space<vmem>>
        %dma_start3A_1180 = tpu.memref_squeeze %dma_start3A_1179 : memref<1x8xi32, #tpu.memory_space<vmem>> -> memref<8xi32, #tpu.memory_space<vmem>>
        %dma_start3A_1181 = arith.constant 0 : i32
        %dma_start3A_1182 = arith.constant 0 : i32
        %dma_start3A_1183 = tpu.memref_slice %arg4[%dma_start3A_1181, %dma_start3A_1182] : memref<100000x1024xf32, #tpu.memory_space<hbm>> -> memref<100000x1024xf32, #tpu.memory_space<hbm>>
        tpu.enqueue_indirect_dma source(%dma_start3A_1183 : memref<100000x1024xf32, #tpu.memory_space<hbm>>) target(%dma_start3A_1178 : memref<8x1024xf32, #tpu.memory_space<vmem>>) offsets(%dma_start3A_1180 : memref<8xi32, #tpu.memory_space<vmem>>) semaphore(%arg14 : memref<!tpu.dma_semaphore, #tpu.memory_space<semaphore_mem>>)
        %add3A_1184 = arith.constant 8 : i32
        %add3A_1185 = arith.addi %mul3A_1173, %add3A_1184 : i32
        %dma_start3A_1186 = arith.constant 0 : i32
        %dma_start3A_1187 = arith.constant 8 : i32
        %dma_start3A_1188 = arith.constant 0 : i32
        %dma_start3A_1189 = tpu.memref_slice %arg9[%dma_start3A_1186, %dma_start3A_1187, %dma_start3A_1188] : memref<4x16x1024xf32, #tpu.memory_space<vmem>> -> memref<1x8x1024xf32, #tpu.memory_space<vmem>>
        %dma_start3A_1190 = tpu.memref_squeeze %dma_start3A_1189 : memref<1x8x1024xf32, #tpu.memory_space<vmem>> -> memref<8x1024xf32, #tpu.memory_space<vmem>>
        %dma_start3A_1191 = tpu.memref_slice %arg7[%shift_right_logical3A_1169, %add3A_1185] : memref<32x32xi32, #tpu.memory_space<vmem>> -> memref<1x8xi32, #tpu.memory_space<vmem>>
        %dma_start3A_1192 = tpu.memref_squeeze %dma_start3A_1191 : memref<1x8xi32, #tpu.memory_space<vmem>> -> memref<8xi32, #tpu.memory_space<vmem>>
        %dma_start3A_1193 = arith.constant 0 : i32
        %dma_start3A_1194 = arith.constant 0 : i32
        %dma_start3A_1195 = tpu.memref_slice %arg4[%dma_start3A_1193, %dma_start3A_1194] : memref<100000x1024xf32, #tpu.memory_space<hbm>> -> memref<100000x1024xf32, #tpu.memory_space<hbm>>
        tpu.enqueue_indirect_dma source(%dma_start3A_1195 : memref<100000x1024xf32, #tpu.memory_space<hbm>>) target(%dma_start3A_1190 : memref<8x1024xf32, #tpu.memory_space<vmem>>) offsets(%dma_start3A_1192 : memref<8xi32, #tpu.memory_space<vmem>>) semaphore(%arg18 : memref<!tpu.dma_semaphore, #tpu.memory_space<semaphore_mem>>)
        %dma_start3A_1196 = arith.constant 0 : i32
        %dma_start3A_1197 = arith.constant 0 : i32
        %dma_start3A_1198 = tpu.memref_slice %arg10[%dma_start3A_1196, %dma_start3A_1197] : memref<4x16xf32, #tpu.memory_space<vmem>> -> memref<1x16xf32, #tpu.memory_space<vmem>>
        %dma_start3A_1199 = tpu.memref_squeeze %dma_start3A_1198 : memref<1x16xf32, #tpu.memory_space<vmem>> -> memref<16xf32, #tpu.memory_space<vmem>>
        %dma_start3A_1200 = arith.constant 0 : i32
        %dma_start3A_1201 = tpu.memref_slice %arg11[%dma_start3A_1200] : memref<100000xf32, #tpu.memory_space<vmem_shared>> -> memref<100000xf32, #tpu.memory_space<vmem_shared>>
        tpu.enqueue_indirect_dma source(%dma_start3A_1201 : memref<100000xf32, #tpu.memory_space<vmem_shared>>) target(%dma_start3A_1199 : memref<16xf32, #tpu.memory_space<vmem>>) offsets(%get3A_1167 : vector<16xi32>) semaphore(%arg22 : memref<!tpu.dma_semaphore, #tpu.memory_space<semaphore_mem>>)
      } else {
      }
      %mul3A_437 = arith.constant 4 : i32
      %mul3A_438 = arith.muli %scan3A_201, %mul3A_437 : i32
      %add3A_439 = arith.constant 1 : i32
      %add3A_440 = arith.addi %mul3A_438, %add3A_439 : i32
      %broadcast_in_dim3A_441 = arith.constant 0 : i32
      %broadcast_in_dim3A_442 = vector.broadcast %broadcast_in_dim3A_441 : i32 to vector<8xi32>
      %dma_wait3A_443 = arith.constant 1 : i32
      %dma_wait3A_444 = arith.constant 0 : i32
      %dma_wait3A_445 = arith.constant 0 : i32
      %dma_wait3A_446 = tpu.memref_slice %arg9[%dma_wait3A_443, %dma_wait3A_444, %dma_wait3A_445] : memref<4x16x1024xf32, #tpu.memory_space<vmem>> -> memref<1x8x1024xf32, #tpu.memory_space<vmem>>
      %dma_wait3A_447 = tpu.memref_squeeze %dma_wait3A_446 : memref<1x8x1024xf32, #tpu.memory_space<vmem>> -> memref<8x1024xf32, #tpu.memory_space<vmem>>
      %dma_wait3A_448 = arith.constant 0 : i32
      %dma_wait3A_449 = arith.constant 0 : i32
      %dma_wait3A_450 = tpu.memref_slice %arg4[%dma_wait3A_448, %dma_wait3A_449] : memref<100000x1024xf32, #tpu.memory_space<hbm>> -> memref<100000x1024xf32, #tpu.memory_space<hbm>>
      tpu.wait_indirect_dma semaphore(%arg15 : memref<!tpu.dma_semaphore, #tpu.memory_space<semaphore_mem>>) src(%dma_wait3A_450 : memref<100000x1024xf32, #tpu.memory_space<hbm>>) dst(%dma_wait3A_447 : memref<8x1024xf32, #tpu.memory_space<vmem>>)
      %dma_wait3A_451 = arith.constant 1 : i32
      %dma_wait3A_452 = arith.constant 8 : i32
      %dma_wait3A_453 = arith.constant 0 : i32
      %dma_wait3A_454 = tpu.memref_slice %arg9[%dma_wait3A_451, %dma_wait3A_452, %dma_wait3A_453] : memref<4x16x1024xf32, #tpu.memory_space<vmem>> -> memref<1x8x1024xf32, #tpu.memory_space<vmem>>
      %dma_wait3A_455 = tpu.memref_squeeze %dma_wait3A_454 : memref<1x8x1024xf32, #tpu.memory_space<vmem>> -> memref<8x1024xf32, #tpu.memory_space<vmem>>
      %dma_wait3A_456 = arith.constant 0 : i32
      %dma_wait3A_457 = arith.constant 0 : i32
      %dma_wait3A_458 = tpu.memref_slice %arg4[%dma_wait3A_456, %dma_wait3A_457] : memref<100000x1024xf32, #tpu.memory_space<hbm>> -> memref<100000x1024xf32, #tpu.memory_space<hbm>>
      tpu.wait_indirect_dma semaphore(%arg19 : memref<!tpu.dma_semaphore, #tpu.memory_space<semaphore_mem>>) src(%dma_wait3A_458 : memref<100000x1024xf32, #tpu.memory_space<hbm>>) dst(%dma_wait3A_455 : memref<8x1024xf32, #tpu.memory_space<vmem>>)
      %shift_right_logical3A_459 = arith.constant 1 : i32
      %shift_right_logical3A_460 = arith.shrui %add3A_440, %shift_right_logical3A_459 : i32
      %and3A_461 = arith.constant 1 : i32
      %and3A_462 = arith.andi %add3A_440, %and3A_461 : i32
      %mul3A_463 = arith.constant 16 : i32
      %mul3A_464 = arith.muli %and3A_462, %mul3A_463 : i32
      %broadcast_in_dim3A_465 = arith.constant 0.000000e+00 : f32
      %broadcast_in_dim3A_466 = vector.broadcast %broadcast_in_dim3A_465 : f32 to vector<16xf32>
      %broadcast_in_dim3A_467 = arith.constant 0.000000e+00 : f32
      %broadcast_in_dim3A_468 = vector.broadcast %broadcast_in_dim3A_467 : f32 to vector<16xf32>
      %broadcast_in_dim3A_469 = arith.constant 0.000000e+00 : f32
      %broadcast_in_dim3A_470 = vector.broadcast %broadcast_in_dim3A_469 : f32 to vector<16xf32>
      %broadcast_in_dim3A_471 = arith.constant 0.000000e+00 : f32
      %broadcast_in_dim3A_472 = vector.broadcast %broadcast_in_dim3A_471 : f32 to vector<16xf32>
      %broadcast_in_dim3A_473 = arith.constant 0.000000e+00 : f32
      %broadcast_in_dim3A_474 = vector.broadcast %broadcast_in_dim3A_473 : f32 to vector<16xf32>
      %broadcast_in_dim3A_475 = arith.constant 0.000000e+00 : f32
      %broadcast_in_dim3A_476 = vector.broadcast %broadcast_in_dim3A_475 : f32 to vector<16xf32>
      %broadcast_in_dim3A_477 = arith.constant 0.000000e+00 : f32
      %broadcast_in_dim3A_478 = vector.broadcast %broadcast_in_dim3A_477 : f32 to vector<16xf32>
      %broadcast_in_dim3A_479 = arith.constant 0.000000e+00 : f32
      %broadcast_in_dim3A_480 = vector.broadcast %broadcast_in_dim3A_479 : f32 to vector<16xf32>
      %scan3A_481 = arith.constant 0 : i32
      %scan3A_482 = arith.constant 64 : i32
      %scan3A_483 = arith.addi %scan3A_481, %scan3A_482 : i32
      %scan3A_484 = arith.constant 1 : i32
      %scan3A_485:8 = scf.for %scan3A_1157 = %scan3A_481 to %scan3A_483 step %scan3A_484 iter_args(%scan3A_1158 = %broadcast_in_dim3A_466, %scan3A_1159 = %broadcast_in_dim3A_468, %scan3A_1160 = %broadcast_in_dim3A_470, %scan3A_1161 = %broadcast_in_dim3A_472, %scan3A_1162 = %broadcast_in_dim3A_474, %scan3A_1163 = %broadcast_in_dim3A_476, %scan3A_1164 = %broadcast_in_dim3A_478, %scan3A_1165 = %broadcast_in_dim3A_480) -> (vector<16xf32>, vector<16xf32>, vector<16xf32>, vector<16xf32>, vector<16xf32>, vector<16xf32>, vector<16xf32>, vector<16xf32>)  : i32 {
        %mul3A_1166 = arith.constant 16 : i32
        %mul3A_1167 = arith.muli %scan3A_1157, %mul3A_1166 : i32
        %multiple_of3A_1168 = tpu.assume_multiple %mul3A_1167, 16 : i32
        %get3A_1169 = arith.index_cast %shift_right_logical3A_460 : i32 to index
        %get3A_1170 = arith.index_cast %multiple_of3A_1168 : i32 to index
        %get3A_1171 = tpu.vector_load %arg8[%get3A_1169, %get3A_1170] {strides = array<i32>} : memref<32x1024xf32, #tpu.memory_space<vmem>>, vector<16xf32>,
        %get3A_1172 = arith.constant 1 : i32
        %get3A_1173 = arith.constant 0 : i32
        %get3A_1174 = arith.index_cast %get3A_1172 : i32 to index
        %get3A_1175 = arith.index_cast %get3A_1173 : i32 to index
        %get3A_1176 = arith.index_cast %multiple_of3A_1168 : i32 to index
        %get3A_1177 = tpu.vector_load %arg9[%get3A_1174, %get3A_1175, %get3A_1176] {strides = array<i32>} : memref<4x16x1024xf32, #tpu.memory_space<vmem>>, vector<16xf32>,
        %mul3A_1178 = arith.mulf %get3A_1177, %get3A_1171 : vector<16xf32>
        %add3A_1179 = arith.addf %scan3A_1158, %mul3A_1178 : vector<16xf32>
        %get3A_1180 = arith.constant 1 : i32
        %get3A_1181 = arith.constant 1 : i32
        %get3A_1182 = arith.index_cast %get3A_1180 : i32 to index
        %get3A_1183 = arith.index_cast %get3A_1181 : i32 to index
        %get3A_1184 = arith.index_cast %multiple_of3A_1168 : i32 to index
        %get3A_1185 = tpu.vector_load %arg9[%get3A_1182, %get3A_1183, %get3A_1184] {strides = array<i32>} : memref<4x16x1024xf32, #tpu.memory_space<vmem>>, vector<16xf32>,
        %mul3A_1186 = arith.mulf %get3A_1185, %get3A_1171 : vector<16xf32>
        %add3A_1187 = arith.addf %scan3A_1159, %mul3A_1186 : vector<16xf32>
        %get3A_1188 = arith.constant 1 : i32
        %get3A_1189 = arith.constant 2 : i32
        %get3A_1190 = arith.index_cast %get3A_1188 : i32 to index
        %get3A_1191 = arith.index_cast %get3A_1189 : i32 to index
        %get3A_1192 = arith.index_cast %multiple_of3A_1168 : i32 to index
        %get3A_1193 = tpu.vector_load %arg9[%get3A_1190, %get3A_1191, %get3A_1192] {strides = array<i32>} : memref<4x16x1024xf32, #tpu.memory_space<vmem>>, vector<16xf32>,
        %mul3A_1194 = arith.mulf %get3A_1193, %get3A_1171 : vector<16xf32>
        %add3A_1195 = arith.addf %scan3A_1160, %mul3A_1194 : vector<16xf32>
        %get3A_1196 = arith.constant 1 : i32
        %get3A_1197 = arith.constant 3 : i32
        %get3A_1198 = arith.index_cast %get3A_1196 : i32 to index
        %get3A_1199 = arith.index_cast %get3A_1197 : i32 to index
        %get3A_1200 = arith.index_cast %multiple_of3A_1168 : i32 to index
        %get3A_1201 = tpu.vector_load %arg9[%get3A_1198, %get3A_1199, %get3A_1200] {strides = array<i32>} : memref<4x16x1024xf32, #tpu.memory_space<vmem>>, vector<16xf32>,
        %mul3A_1202 = arith.mulf %get3A_1201, %get3A_1171 : vector<16xf32>
        %add3A_1203 = arith.addf %scan3A_1161, %mul3A_1202 : vector<16xf32>
        %get3A_1204 = arith.constant 1 : i32
        %get3A_1205 = arith.constant 4 : i32
        %get3A_1206 = arith.index_cast %get3A_1204 : i32 to index
        %get3A_1207 = arith.index_cast %get3A_1205 : i32 to index
        %get3A_1208 = arith.index_cast %multiple_of3A_1168 : i32 to index
        %get3A_1209 = tpu.vector_load %arg9[%get3A_1206, %get3A_1207, %get3A_1208] {strides = array<i32>} : memref<4x16x1024xf32, #tpu.memory_space<vmem>>, vector<16xf32>,
        %mul3A_1210 = arith.mulf %get3A_1209, %get3A_1171 : vector<16xf32>
        %add3A_1211 = arith.addf %scan3A_1162, %mul3A_1210 : vector<16xf32>
        %get3A_1212 = arith.constant 1 : i32
        %get3A_1213 = arith.constant 5 : i32
        %get3A_1214 = arith.index_cast %get3A_1212 : i32 to index
        %get3A_1215 = arith.index_cast %get3A_1213 : i32 to index
        %get3A_1216 = arith.index_cast %multiple_of3A_1168 : i32 to index
        %get3A_1217 = tpu.vector_load %arg9[%get3A_1214, %get3A_1215, %get3A_1216] {strides = array<i32>} : memref<4x16x1024xf32, #tpu.memory_space<vmem>>, vector<16xf32>,
        %mul3A_1218 = arith.mulf %get3A_1217, %get3A_1171 : vector<16xf32>
        %add3A_1219 = arith.addf %scan3A_1163, %mul3A_1218 : vector<16xf32>
        %get3A_1220 = arith.constant 1 : i32
        %get3A_1221 = arith.constant 6 : i32
        %get3A_1222 = arith.index_cast %get3A_1220 : i32 to index
        %get3A_1223 = arith.index_cast %get3A_1221 : i32 to index
        %get3A_1224 = arith.index_cast %multiple_of3A_1168 : i32 to index
        %get3A_1225 = tpu.vector_load %arg9[%get3A_1222, %get3A_1223, %get3A_1224] {strides = array<i32>} : memref<4x16x1024xf32, #tpu.memory_space<vmem>>, vector<16xf32>,
        %mul3A_1226 = arith.mulf %get3A_1225, %get3A_1171 : vector<16xf32>
        %add3A_1227 = arith.addf %scan3A_1164, %mul3A_1226 : vector<16xf32>
        %get3A_1228 = arith.constant 1 : i32
        %get3A_1229 = arith.constant 7 : i32
        %get3A_1230 = arith.index_cast %get3A_1228 : i32 to index
        %get3A_1231 = arith.index_cast %get3A_1229 : i32 to index
        %get3A_1232 = arith.index_cast %multiple_of3A_1168 : i32 to index
        %get3A_1233 = tpu.vector_load %arg9[%get3A_1230, %get3A_1231, %get3A_1232] {strides = array<i32>} : memref<4x16x1024xf32, #tpu.memory_space<vmem>>, vector<16xf32>,
        %mul3A_1234 = arith.mulf %get3A_1233, %get3A_1171 : vector<16xf32>
        %add3A_1235 = arith.addf %scan3A_1165, %mul3A_1234 : vector<16xf32>
        scf.yield %add3A_1179, %add3A_1187, %add3A_1195, %add3A_1203, %add3A_1211, %add3A_1219, %add3A_1227, %add3A_1235 : vector<16xf32>, vector<16xf32>, vector<16xf32>, vector<16xf32>, vector<16xf32>, vector<16xf32>, vector<16xf32>, vector<16xf32>
      }
      %scan3A_486 = arith.constant 64 : i32
      %broadcast_in_dim3A_487 = arith.constant 0.000000e+00 : f32
      %broadcast_in_dim3A_488 = vector.broadcast %broadcast_in_dim3A_487 : f32 to vector<16xf32>
      %broadcast_in_dim3A_489 = arith.constant 0.000000e+00 : f32
      %broadcast_in_dim3A_490 = vector.broadcast %broadcast_in_dim3A_489 : f32 to vector<16xf32>
      %broadcast_in_dim3A_491 = arith.constant 0.000000e+00 : f32
      %broadcast_in_dim3A_492 = vector.broadcast %broadcast_in_dim3A_491 : f32 to vector<16xf32>
      %broadcast_in_dim3A_493 = arith.constant 0.000000e+00 : f32
      %broadcast_in_dim3A_494 = vector.broadcast %broadcast_in_dim3A_493 : f32 to vector<16xf32>
      %broadcast_in_dim3A_495 = arith.constant 0.000000e+00 : f32
      %broadcast_in_dim3A_496 = vector.broadcast %broadcast_in_dim3A_495 : f32 to vector<16xf32>
      %broadcast_in_dim3A_497 = arith.constant 0.000000e+00 : f32
      %broadcast_in_dim3A_498 = vector.broadcast %broadcast_in_dim3A_497 : f32 to vector<16xf32>
      %broadcast_in_dim3A_499 = arith.constant 0.000000e+00 : f32
      %broadcast_in_dim3A_500 = vector.broadcast %broadcast_in_dim3A_499 : f32 to vector<16xf32>
      %broadcast_in_dim3A_501 = arith.constant 0.000000e+00 : f32
      %broadcast_in_dim3A_502 = vector.broadcast %broadcast_in_dim3A_501 : f32 to vector<16xf32>
      %scan3A_503 = arith.constant 0 : i32
      %scan3A_504 = arith.constant 64 : i32
      %scan3A_505 = arith.addi %scan3A_503, %scan3A_504 : i32
      %scan3A_506 = arith.constant 1 : i32
      %scan3A_507:8 = scf.for %scan3A_1157 = %scan3A_503 to %scan3A_505 step %scan3A_506 iter_args(%scan3A_1158 = %broadcast_in_dim3A_488, %scan3A_1159 = %broadcast_in_dim3A_490, %scan3A_1160 = %broadcast_in_dim3A_492, %scan3A_1161 = %broadcast_in_dim3A_494, %scan3A_1162 = %broadcast_in_dim3A_496, %scan3A_1163 = %broadcast_in_dim3A_498, %scan3A_1164 = %broadcast_in_dim3A_500, %scan3A_1165 = %broadcast_in_dim3A_502) -> (vector<16xf32>, vector<16xf32>, vector<16xf32>, vector<16xf32>, vector<16xf32>, vector<16xf32>, vector<16xf32>, vector<16xf32>)  : i32 {
        %mul3A_1166 = arith.constant 16 : i32
        %mul3A_1167 = arith.muli %scan3A_1157, %mul3A_1166 : i32
        %multiple_of3A_1168 = tpu.assume_multiple %mul3A_1167, 16 : i32
        %get3A_1169 = arith.index_cast %shift_right_logical3A_460 : i32 to index
        %get3A_1170 = arith.index_cast %multiple_of3A_1168 : i32 to index
        %get3A_1171 = tpu.vector_load %arg8[%get3A_1169, %get3A_1170] {strides = array<i32>} : memref<32x1024xf32, #tpu.memory_space<vmem>>, vector<16xf32>,
        %get3A_1172 = arith.constant 1 : i32
        %get3A_1173 = arith.constant 8 : i32
        %get3A_1174 = arith.index_cast %get3A_1172 : i32 to index
        %get3A_1175 = arith.index_cast %get3A_1173 : i32 to index
        %get3A_1176 = arith.index_cast %multiple_of3A_1168 : i32 to index
        %get3A_1177 = tpu.vector_load %arg9[%get3A_1174, %get3A_1175, %get3A_1176] {strides = array<i32>} : memref<4x16x1024xf32, #tpu.memory_space<vmem>>, vector<16xf32>,
        %mul3A_1178 = arith.mulf %get3A_1177, %get3A_1171 : vector<16xf32>
        %add3A_1179 = arith.addf %scan3A_1158, %mul3A_1178 : vector<16xf32>
        %get3A_1180 = arith.constant 1 : i32
        %get3A_1181 = arith.constant 9 : i32
        %get3A_1182 = arith.index_cast %get3A_1180 : i32 to index
        %get3A_1183 = arith.index_cast %get3A_1181 : i32 to index
        %get3A_1184 = arith.index_cast %multiple_of3A_1168 : i32 to index
        %get3A_1185 = tpu.vector_load %arg9[%get3A_1182, %get3A_1183, %get3A_1184] {strides = array<i32>} : memref<4x16x1024xf32, #tpu.memory_space<vmem>>, vector<16xf32>,
        %mul3A_1186 = arith.mulf %get3A_1185, %get3A_1171 : vector<16xf32>
        %add3A_1187 = arith.addf %scan3A_1159, %mul3A_1186 : vector<16xf32>
        %get3A_1188 = arith.constant 1 : i32
        %get3A_1189 = arith.constant 10 : i32
        %get3A_1190 = arith.index_cast %get3A_1188 : i32 to index
        %get3A_1191 = arith.index_cast %get3A_1189 : i32 to index
        %get3A_1192 = arith.index_cast %multiple_of3A_1168 : i32 to index
        %get3A_1193 = tpu.vector_load %arg9[%get3A_1190, %get3A_1191, %get3A_1192] {strides = array<i32>} : memref<4x16x1024xf32, #tpu.memory_space<vmem>>, vector<16xf32>,
        %mul3A_1194 = arith.mulf %get3A_1193, %get3A_1171 : vector<16xf32>
        %add3A_1195 = arith.addf %scan3A_1160, %mul3A_1194 : vector<16xf32>
        %get3A_1196 = arith.constant 1 : i32
        %get3A_1197 = arith.constant 11 : i32
        %get3A_1198 = arith.index_cast %get3A_1196 : i32 to index
        %get3A_1199 = arith.index_cast %get3A_1197 : i32 to index
        %get3A_1200 = arith.index_cast %multiple_of3A_1168 : i32 to index
        %get3A_1201 = tpu.vector_load %arg9[%get3A_1198, %get3A_1199, %get3A_1200] {strides = array<i32>} : memref<4x16x1024xf32, #tpu.memory_space<vmem>>, vector<16xf32>,
        %mul3A_1202 = arith.mulf %get3A_1201, %get3A_1171 : vector<16xf32>
        %add3A_1203 = arith.addf %scan3A_1161, %mul3A_1202 : vector<16xf32>
        %get3A_1204 = arith.constant 1 : i32
        %get3A_1205 = arith.constant 12 : i32
        %get3A_1206 = arith.index_cast %get3A_1204 : i32 to index
        %get3A_1207 = arith.index_cast %get3A_1205 : i32 to index
        %get3A_1208 = arith.index_cast %multiple_of3A_1168 : i32 to index
        %get3A_1209 = tpu.vector_load %arg9[%get3A_1206, %get3A_1207, %get3A_1208] {strides = array<i32>} : memref<4x16x1024xf32, #tpu.memory_space<vmem>>, vector<16xf32>,
        %mul3A_1210 = arith.mulf %get3A_1209, %get3A_1171 : vector<16xf32>
        %add3A_1211 = arith.addf %scan3A_1162, %mul3A_1210 : vector<16xf32>
        %get3A_1212 = arith.constant 1 : i32
        %get3A_1213 = arith.constant 13 : i32
        %get3A_1214 = arith.index_cast %get3A_1212 : i32 to index
        %get3A_1215 = arith.index_cast %get3A_1213 : i32 to index
        %get3A_1216 = arith.index_cast %multiple_of3A_1168 : i32 to index
        %get3A_1217 = tpu.vector_load %arg9[%get3A_1214, %get3A_1215, %get3A_1216] {strides = array<i32>} : memref<4x16x1024xf32, #tpu.memory_space<vmem>>, vector<16xf32>,
        %mul3A_1218 = arith.mulf %get3A_1217, %get3A_1171 : vector<16xf32>
        %add3A_1219 = arith.addf %scan3A_1163, %mul3A_1218 : vector<16xf32>
        %get3A_1220 = arith.constant 1 : i32
        %get3A_1221 = arith.constant 14 : i32
        %get3A_1222 = arith.index_cast %get3A_1220 : i32 to index
        %get3A_1223 = arith.index_cast %get3A_1221 : i32 to index
        %get3A_1224 = arith.index_cast %multiple_of3A_1168 : i32 to index
        %get3A_1225 = tpu.vector_load %arg9[%get3A_1222, %get3A_1223, %get3A_1224] {strides = array<i32>} : memref<4x16x1024xf32, #tpu.memory_space<vmem>>, vector<16xf32>,
        %mul3A_1226 = arith.mulf %get3A_1225, %get3A_1171 : vector<16xf32>
        %add3A_1227 = arith.addf %scan3A_1164, %mul3A_1226 : vector<16xf32>
        %get3A_1228 = arith.constant 1 : i32
        %get3A_1229 = arith.constant 15 : i32
        %get3A_1230 = arith.index_cast %get3A_1228 : i32 to index
        %get3A_1231 = arith.index_cast %get3A_1229 : i32 to index
        %get3A_1232 = arith.index_cast %multiple_of3A_1168 : i32 to index
        %get3A_1233 = tpu.vector_load %arg9[%get3A_1230, %get3A_1231, %get3A_1232] {strides = array<i32>} : memref<4x16x1024xf32, #tpu.memory_space<vmem>>, vector<16xf32>,
        %mul3A_1234 = arith.mulf %get3A_1233, %get3A_1171 : vector<16xf32>
        %add3A_1235 = arith.addf %scan3A_1165, %mul3A_1234 : vector<16xf32>
        scf.yield %add3A_1179, %add3A_1187, %add3A_1195, %add3A_1203, %add3A_1211, %add3A_1219, %add3A_1227, %add3A_1235 : vector<16xf32>, vector<16xf32>, vector<16xf32>, vector<16xf32>, vector<16xf32>, vector<16xf32>, vector<16xf32>, vector<16xf32>
      }
      %scan3A_508 = arith.constant 64 : i32
      %swap3A_509 = arith.constant 0 : i32
      %swap3A_510 = arith.index_cast %swap3A_509 : i32 to index
      %swap3A_511 = arith.constant 0 : index
      %swap3A_512 = tpu.vector_load %arg13[%swap3A_510, %swap3A_511] {strides = array<i32>} : memref<32x16xf32, #tpu.memory_space<vmem>>, vector<16xf32>,
      tpu.vector_store %arg13[%swap3A_510, %swap3A_511], %scan3A_485#0 {strides = array<i32>} : memref<32x16xf32, #tpu.memory_space<vmem>>, vector<16xf32>,
      %swap3A_513 = arith.constant 1 : i32
      %swap3A_514 = arith.index_cast %swap3A_513 : i32 to index
      %swap3A_515 = arith.constant 0 : index
      %swap3A_516 = tpu.vector_load %arg13[%swap3A_514, %swap3A_515] {strides = array<i32>} : memref<32x16xf32, #tpu.memory_space<vmem>>, vector<16xf32>,
      tpu.vector_store %arg13[%swap3A_514, %swap3A_515], %scan3A_485#1 {strides = array<i32>} : memref<32x16xf32, #tpu.memory_space<vmem>>, vector<16xf32>,
      %swap3A_517 = arith.constant 2 : i32
      %swap3A_518 = arith.index_cast %swap3A_517 : i32 to index
      %swap3A_519 = arith.constant 0 : index
      %swap3A_520 = tpu.vector_load %arg13[%swap3A_518, %swap3A_519] {strides = array<i32>} : memref<32x16xf32, #tpu.memory_space<vmem>>, vector<16xf32>,
      tpu.vector_store %arg13[%swap3A_518, %swap3A_519], %scan3A_485#2 {strides = array<i32>} : memref<32x16xf32, #tpu.memory_space<vmem>>, vector<16xf32>,
      %swap3A_521 = arith.constant 3 : i32
      %swap3A_522 = arith.index_cast %swap3A_521 : i32 to index
      %swap3A_523 = arith.constant 0 : index
      %swap3A_524 = tpu.vector_load %arg13[%swap3A_522, %swap3A_523] {strides = array<i32>} : memref<32x16xf32, #tpu.memory_space<vmem>>, vector<16xf32>,
      tpu.vector_store %arg13[%swap3A_522, %swap3A_523], %scan3A_485#3 {strides = array<i32>} : memref<32x16xf32, #tpu.memory_space<vmem>>, vector<16xf32>,
      %swap3A_525 = arith.constant 4 : i32
      %swap3A_526 = arith.index_cast %swap3A_525 : i32 to index
      %swap3A_527 = arith.constant 0 : index
      %swap3A_528 = tpu.vector_load %arg13[%swap3A_526, %swap3A_527] {strides = array<i32>} : memref<32x16xf32, #tpu.memory_space<vmem>>, vector<16xf32>,
      tpu.vector_store %arg13[%swap3A_526, %swap3A_527], %scan3A_485#4 {strides = array<i32>} : memref<32x16xf32, #tpu.memory_space<vmem>>, vector<16xf32>,
      %swap3A_529 = arith.constant 5 : i32
      %swap3A_530 = arith.index_cast %swap3A_529 : i32 to index
      %swap3A_531 = arith.constant 0 : index
      %swap3A_532 = tpu.vector_load %arg13[%swap3A_530, %swap3A_531] {strides = array<i32>} : memref<32x16xf32, #tpu.memory_space<vmem>>, vector<16xf32>,
      tpu.vector_store %arg13[%swap3A_530, %swap3A_531], %scan3A_485#5 {strides = array<i32>} : memref<32x16xf32, #tpu.memory_space<vmem>>, vector<16xf32>,
      %swap3A_533 = arith.constant 6 : i32
      %swap3A_534 = arith.index_cast %swap3A_533 : i32 to index
      %swap3A_535 = arith.constant 0 : index
      %swap3A_536 = tpu.vector_load %arg13[%swap3A_534, %swap3A_535] {strides = array<i32>} : memref<32x16xf32, #tpu.memory_space<vmem>>, vector<16xf32>,
      tpu.vector_store %arg13[%swap3A_534, %swap3A_535], %scan3A_485#6 {strides = array<i32>} : memref<32x16xf32, #tpu.memory_space<vmem>>, vector<16xf32>,
      %swap3A_537 = arith.constant 7 : i32
      %swap3A_538 = arith.index_cast %swap3A_537 : i32 to index
      %swap3A_539 = arith.constant 0 : index
      %swap3A_540 = tpu.vector_load %arg13[%swap3A_538, %swap3A_539] {strides = array<i32>} : memref<32x16xf32, #tpu.memory_space<vmem>>, vector<16xf32>,
      tpu.vector_store %arg13[%swap3A_538, %swap3A_539], %scan3A_485#7 {strides = array<i32>} : memref<32x16xf32, #tpu.memory_space<vmem>>, vector<16xf32>,
      %swap3A_541 = arith.constant 8 : i32
      %swap3A_542 = arith.index_cast %swap3A_541 : i32 to index
      %swap3A_543 = arith.constant 0 : index
      %swap3A_544 = tpu.vector_load %arg13[%swap3A_542, %swap3A_543] {strides = array<i32>} : memref<32x16xf32, #tpu.memory_space<vmem>>, vector<16xf32>,
      tpu.vector_store %arg13[%swap3A_542, %swap3A_543], %scan3A_507#0 {strides = array<i32>} : memref<32x16xf32, #tpu.memory_space<vmem>>, vector<16xf32>,
      %swap3A_545 = arith.constant 9 : i32
      %swap3A_546 = arith.index_cast %swap3A_545 : i32 to index
      %swap3A_547 = arith.constant 0 : index
      %swap3A_548 = tpu.vector_load %arg13[%swap3A_546, %swap3A_547] {strides = array<i32>} : memref<32x16xf32, #tpu.memory_space<vmem>>, vector<16xf32>,
      tpu.vector_store %arg13[%swap3A_546, %swap3A_547], %scan3A_507#1 {strides = array<i32>} : memref<32x16xf32, #tpu.memory_space<vmem>>, vector<16xf32>,
      %swap3A_549 = arith.constant 10 : i32
      %swap3A_550 = arith.index_cast %swap3A_549 : i32 to index
      %swap3A_551 = arith.constant 0 : index
      %swap3A_552 = tpu.vector_load %arg13[%swap3A_550, %swap3A_551] {strides = array<i32>} : memref<32x16xf32, #tpu.memory_space<vmem>>, vector<16xf32>,
      tpu.vector_store %arg13[%swap3A_550, %swap3A_551], %scan3A_507#2 {strides = array<i32>} : memref<32x16xf32, #tpu.memory_space<vmem>>, vector<16xf32>,
      %swap3A_553 = arith.constant 11 : i32
      %swap3A_554 = arith.index_cast %swap3A_553 : i32 to index
      %swap3A_555 = arith.constant 0 : index
      %swap3A_556 = tpu.vector_load %arg13[%swap3A_554, %swap3A_555] {strides = array<i32>} : memref<32x16xf32, #tpu.memory_space<vmem>>, vector<16xf32>,
      tpu.vector_store %arg13[%swap3A_554, %swap3A_555], %scan3A_507#3 {strides = array<i32>} : memref<32x16xf32, #tpu.memory_space<vmem>>, vector<16xf32>,
      %swap3A_557 = arith.constant 12 : i32
      %swap3A_558 = arith.index_cast %swap3A_557 : i32 to index
      %swap3A_559 = arith.constant 0 : index
      %swap3A_560 = tpu.vector_load %arg13[%swap3A_558, %swap3A_559] {strides = array<i32>} : memref<32x16xf32, #tpu.memory_space<vmem>>, vector<16xf32>,
      tpu.vector_store %arg13[%swap3A_558, %swap3A_559], %scan3A_507#4 {strides = array<i32>} : memref<32x16xf32, #tpu.memory_space<vmem>>, vector<16xf32>,
      %swap3A_561 = arith.constant 13 : i32
      %swap3A_562 = arith.index_cast %swap3A_561 : i32 to index
      %swap3A_563 = arith.constant 0 : index
      %swap3A_564 = tpu.vector_load %arg13[%swap3A_562, %swap3A_563] {strides = array<i32>} : memref<32x16xf32, #tpu.memory_space<vmem>>, vector<16xf32>,
      tpu.vector_store %arg13[%swap3A_562, %swap3A_563], %scan3A_507#5 {strides = array<i32>} : memref<32x16xf32, #tpu.memory_space<vmem>>, vector<16xf32>,
      %swap3A_565 = arith.constant 14 : i32
      %swap3A_566 = arith.index_cast %swap3A_565 : i32 to index
      %swap3A_567 = arith.constant 0 : index
      %swap3A_568 = tpu.vector_load %arg13[%swap3A_566, %swap3A_567] {strides = array<i32>} : memref<32x16xf32, #tpu.memory_space<vmem>>, vector<16xf32>,
      tpu.vector_store %arg13[%swap3A_566, %swap3A_567], %scan3A_507#6 {strides = array<i32>} : memref<32x16xf32, #tpu.memory_space<vmem>>, vector<16xf32>,
      %swap3A_569 = arith.constant 15 : i32
      %swap3A_570 = arith.index_cast %swap3A_569 : i32 to index
      %swap3A_571 = arith.constant 0 : index
      %swap3A_572 = tpu.vector_load %arg13[%swap3A_570, %swap3A_571] {strides = array<i32>} : memref<32x16xf32, #tpu.memory_space<vmem>>, vector<16xf32>,
      tpu.vector_store %arg13[%swap3A_570, %swap3A_571], %scan3A_507#7 {strides = array<i32>} : memref<32x16xf32, #tpu.memory_space<vmem>>, vector<16xf32>,
      %broadcast_in_dim3A_573 = arith.constant 0 : i32
      %broadcast_in_dim3A_574 = vector.broadcast %broadcast_in_dim3A_573 : i32 to vector<16xi32>
      %gather3A_575 = tpu.vector_load_idx %arg13[%iota3A, %broadcast_in_dim3A_574] : memref<32x16xf32, #tpu.memory_space<vmem>>[vector<16xi32>, vector<16xi32>], vector<16xf32>,
      %broadcast_in_dim3A_576 = arith.constant 1 : i32
      %broadcast_in_dim3A_577 = vector.broadcast %broadcast_in_dim3A_576 : i32 to vector<16xi32>
      %gather3A_578 = tpu.vector_load_idx %arg13[%iota3A, %broadcast_in_dim3A_577] : memref<32x16xf32, #tpu.memory_space<vmem>>[vector<16xi32>, vector<16xi32>], vector<16xf32>,
      %broadcast_in_dim3A_579 = arith.constant 2 : i32
      %broadcast_in_dim3A_580 = vector.broadcast %broadcast_in_dim3A_579 : i32 to vector<16xi32>
      %gather3A_581 = tpu.vector_load_idx %arg13[%iota3A, %broadcast_in_dim3A_580] : memref<32x16xf32, #tpu.memory_space<vmem>>[vector<16xi32>, vector<16xi32>], vector<16xf32>,
      %broadcast_in_dim3A_582 = arith.constant 3 : i32
      %broadcast_in_dim3A_583 = vector.broadcast %broadcast_in_dim3A_582 : i32 to vector<16xi32>
      %gather3A_584 = tpu.vector_load_idx %arg13[%iota3A, %broadcast_in_dim3A_583] : memref<32x16xf32, #tpu.memory_space<vmem>>[vector<16xi32>, vector<16xi32>], vector<16xf32>,
      %broadcast_in_dim3A_585 = arith.constant 4 : i32
      %broadcast_in_dim3A_586 = vector.broadcast %broadcast_in_dim3A_585 : i32 to vector<16xi32>
      %gather3A_587 = tpu.vector_load_idx %arg13[%iota3A, %broadcast_in_dim3A_586] : memref<32x16xf32, #tpu.memory_space<vmem>>[vector<16xi32>, vector<16xi32>], vector<16xf32>,
      %broadcast_in_dim3A_588 = arith.constant 5 : i32
      %broadcast_in_dim3A_589 = vector.broadcast %broadcast_in_dim3A_588 : i32 to vector<16xi32>
      %gather3A_590 = tpu.vector_load_idx %arg13[%iota3A, %broadcast_in_dim3A_589] : memref<32x16xf32, #tpu.memory_space<vmem>>[vector<16xi32>, vector<16xi32>], vector<16xf32>,
      %broadcast_in_dim3A_591 = arith.constant 6 : i32
      %broadcast_in_dim3A_592 = vector.broadcast %broadcast_in_dim3A_591 : i32 to vector<16xi32>
      %gather3A_593 = tpu.vector_load_idx %arg13[%iota3A, %broadcast_in_dim3A_592] : memref<32x16xf32, #tpu.memory_space<vmem>>[vector<16xi32>, vector<16xi32>], vector<16xf32>,
      %broadcast_in_dim3A_594 = arith.constant 7 : i32
      %broadcast_in_dim3A_595 = vector.broadcast %broadcast_in_dim3A_594 : i32 to vector<16xi32>
      %gather3A_596 = tpu.vector_load_idx %arg13[%iota3A, %broadcast_in_dim3A_595] : memref<32x16xf32, #tpu.memory_space<vmem>>[vector<16xi32>, vector<16xi32>], vector<16xf32>,
      %broadcast_in_dim3A_597 = arith.constant 8 : i32
      %broadcast_in_dim3A_598 = vector.broadcast %broadcast_in_dim3A_597 : i32 to vector<16xi32>
      %gather3A_599 = tpu.vector_load_idx %arg13[%iota3A, %broadcast_in_dim3A_598] : memref<32x16xf32, #tpu.memory_space<vmem>>[vector<16xi32>, vector<16xi32>], vector<16xf32>,
      %broadcast_in_dim3A_600 = arith.constant 9 : i32
      %broadcast_in_dim3A_601 = vector.broadcast %broadcast_in_dim3A_600 : i32 to vector<16xi32>
      %gather3A_602 = tpu.vector_load_idx %arg13[%iota3A, %broadcast_in_dim3A_601] : memref<32x16xf32, #tpu.memory_space<vmem>>[vector<16xi32>, vector<16xi32>], vector<16xf32>,
      %broadcast_in_dim3A_603 = arith.constant 10 : i32
      %broadcast_in_dim3A_604 = vector.broadcast %broadcast_in_dim3A_603 : i32 to vector<16xi32>
      %gather3A_605 = tpu.vector_load_idx %arg13[%iota3A, %broadcast_in_dim3A_604] : memref<32x16xf32, #tpu.memory_space<vmem>>[vector<16xi32>, vector<16xi32>], vector<16xf32>,
      %broadcast_in_dim3A_606 = arith.constant 11 : i32
      %broadcast_in_dim3A_607 = vector.broadcast %broadcast_in_dim3A_606 : i32 to vector<16xi32>
      %gather3A_608 = tpu.vector_load_idx %arg13[%iota3A, %broadcast_in_dim3A_607] : memref<32x16xf32, #tpu.memory_space<vmem>>[vector<16xi32>, vector<16xi32>], vector<16xf32>,
      %broadcast_in_dim3A_609 = arith.constant 12 : i32
      %broadcast_in_dim3A_610 = vector.broadcast %broadcast_in_dim3A_609 : i32 to vector<16xi32>
      %gather3A_611 = tpu.vector_load_idx %arg13[%iota3A, %broadcast_in_dim3A_610] : memref<32x16xf32, #tpu.memory_space<vmem>>[vector<16xi32>, vector<16xi32>], vector<16xf32>,
      %broadcast_in_dim3A_612 = arith.constant 13 : i32
      %broadcast_in_dim3A_613 = vector.broadcast %broadcast_in_dim3A_612 : i32 to vector<16xi32>
      %gather3A_614 = tpu.vector_load_idx %arg13[%iota3A, %broadcast_in_dim3A_613] : memref<32x16xf32, #tpu.memory_space<vmem>>[vector<16xi32>, vector<16xi32>], vector<16xf32>,
      %broadcast_in_dim3A_615 = arith.constant 14 : i32
      %broadcast_in_dim3A_616 = vector.broadcast %broadcast_in_dim3A_615 : i32 to vector<16xi32>
      %gather3A_617 = tpu.vector_load_idx %arg13[%iota3A, %broadcast_in_dim3A_616] : memref<32x16xf32, #tpu.memory_space<vmem>>[vector<16xi32>, vector<16xi32>], vector<16xf32>,
      %broadcast_in_dim3A_618 = arith.constant 15 : i32
      %broadcast_in_dim3A_619 = vector.broadcast %broadcast_in_dim3A_618 : i32 to vector<16xi32>
      %gather3A_620 = tpu.vector_load_idx %arg13[%iota3A, %broadcast_in_dim3A_619] : memref<32x16xf32, #tpu.memory_space<vmem>>[vector<16xi32>, vector<16xi32>], vector<16xf32>,
      %add3A_621 = arith.addf %gather3A_575, %gather3A_578 : vector<16xf32>
      %add3A_622 = arith.addf %gather3A_581, %gather3A_584 : vector<16xf32>
      %add3A_623 = arith.addf %gather3A_587, %gather3A_590 : vector<16xf32>
      %add3A_624 = arith.addf %gather3A_593, %gather3A_596 : vector<16xf32>
      %add3A_625 = arith.addf %gather3A_599, %gather3A_602 : vector<16xf32>
      %add3A_626 = arith.addf %gather3A_605, %gather3A_608 : vector<16xf32>
      %add3A_627 = arith.addf %gather3A_611, %gather3A_614 : vector<16xf32>
      %add3A_628 = arith.addf %gather3A_617, %gather3A_620 : vector<16xf32>
      %add3A_629 = arith.addf %add3A_621, %add3A_622 : vector<16xf32>
      %add3A_630 = arith.addf %add3A_623, %add3A_624 : vector<16xf32>
      %add3A_631 = arith.addf %add3A_625, %add3A_626 : vector<16xf32>
      %add3A_632 = arith.addf %add3A_627, %add3A_628 : vector<16xf32>
      %add3A_633 = arith.addf %add3A_629, %add3A_630 : vector<16xf32>
      %add3A_634 = arith.addf %add3A_631, %add3A_632 : vector<16xf32>
      %add3A_635 = arith.addf %add3A_633, %add3A_634 : vector<16xf32>
      %shift_right_logical3A_636 = arith.constant 1 : i32
      %shift_right_logical3A_637 = arith.shrui %add3A_440, %shift_right_logical3A_636 : i32
      %and3A_638 = arith.constant 1 : i32
      %and3A_639 = arith.andi %add3A_440, %and3A_638 : i32
      %mul3A_640 = arith.constant 16 : i32
      %mul3A_641 = arith.muli %and3A_639, %mul3A_640 : i32
      %get3A_642 = arith.index_cast %shift_right_logical3A_637 : i32 to index
      %get3A_643 = arith.index_cast %mul3A_641 : i32 to index
      %get3A_644 = tpu.vector_load %arg7[%get3A_642, %get3A_643] {strides = array<i32>} : memref<32x32xi32, #tpu.memory_space<vmem>>, vector<16xi32>,
      %broadcast_in_dim3A_645 = arith.constant 0 : i32
      %broadcast_in_dim3A_646 = vector.broadcast %broadcast_in_dim3A_645 : i32 to vector<16xi32>
      %dma_wait3A_647 = arith.constant 1 : i32
      %dma_wait3A_648 = arith.constant 0 : i32
      %dma_wait3A_649 = tpu.memref_slice %arg10[%dma_wait3A_647, %dma_wait3A_648] : memref<4x16xf32, #tpu.memory_space<vmem>> -> memref<1x16xf32, #tpu.memory_space<vmem>>
      %dma_wait3A_650 = tpu.memref_squeeze %dma_wait3A_649 : memref<1x16xf32, #tpu.memory_space<vmem>> -> memref<16xf32, #tpu.memory_space<vmem>>
      %dma_wait3A_651 = arith.constant 0 : i32
      %dma_wait3A_652 = tpu.memref_slice %arg11[%dma_wait3A_651] : memref<100000xf32, #tpu.memory_space<vmem_shared>> -> memref<100000xf32, #tpu.memory_space<vmem_shared>>
      tpu.wait_indirect_dma semaphore(%arg23 : memref<!tpu.dma_semaphore, #tpu.memory_space<semaphore_mem>>) src(%dma_wait3A_652 : memref<100000xf32, #tpu.memory_space<vmem_shared>>) dst(%dma_wait3A_650 : memref<16xf32, #tpu.memory_space<vmem>>)
      %get3A_653 = arith.constant 1 : i32
      %get3A_654 = arith.index_cast %get3A_653 : i32 to index
      %get3A_655 = arith.constant 0 : index
      %get3A_656 = tpu.vector_load %arg10[%get3A_654, %get3A_655] {strides = array<i32>} : memref<4x16xf32, #tpu.memory_space<vmem>>, vector<16xf32>,
      %eq3A_657 = arith.constant 0 : i32
      %eq3A_658 = vector.broadcast %eq3A_657 : i32 to vector<16xi32>
      %eq3A_659 = arith.cmpi eq, %get3A_644, %eq3A_658 : vector<16xi32>
      %broadcast_in_dim3A_660 = arith.constant -1.000000e+04 : f32
      %broadcast_in_dim3A_661 = vector.broadcast %broadcast_in_dim3A_660 : f32 to vector<16xf32>
      %broadcast_in_dim3A_662 = arith.constant 0.000000e+00 : f32
      %broadcast_in_dim3A_663 = vector.broadcast %broadcast_in_dim3A_662 : f32 to vector<16xf32>
      %select_n3A_664 = arith.select %eq3A_659, %broadcast_in_dim3A_661, %broadcast_in_dim3A_663 : vector<16xi1>, vector<16xf32>
      %add3A_665 = arith.addf %add3A_635, %get3A_656 : vector<16xf32>
      %add3A_666 = arith.addf %add3A_665, %select_n3A_664 : vector<16xf32>
      %swap3A_667 = arith.index_cast %shift_right_logical3A_460 : i32 to index
      %swap3A_668 = arith.index_cast %mul3A_464 : i32 to index
      %swap3A_669 = tpu.vector_load %arg12[%swap3A_667, %swap3A_668] {strides = array<i32>} : memref<32x32xf32, #tpu.memory_space<vmem>>, vector<16xf32>,
      tpu.vector_store %arg12[%swap3A_667, %swap3A_668], %add3A_666 {strides = array<i32>} : memref<32x32xf32, #tpu.memory_space<vmem>>, vector<16xf32>,
      %add3A_670 = arith.constant 4 : i32
      %add3A_671 = arith.addi %add3A_440, %add3A_670 : i32
      %lt3A_672 = arith.constant 64 : i32
      %lt3A_673 = arith.cmpi slt, %add3A_671, %lt3A_672 : i32
      %convert_element_type3A_674 = arith.extui %lt3A_673 : i1 to i32
      %cond3A_675 = arith.constant 0 : i32
      %cond3A_676 = arith.cmpi ne, %convert_element_type3A_674, %cond3A_675 : i32
      scf.if %cond3A_676 {
        %add3A_1157 = arith.constant 4 : i32
        %add3A_1158 = arith.addi %add3A_440, %add3A_1157 : i32
        %shift_right_logical3A_1159 = arith.constant 1 : i32
        %shift_right_logical3A_1160 = arith.shrui %add3A_1158, %shift_right_logical3A_1159 : i32
        %and3A_1161 = arith.constant 1 : i32
        %and3A_1162 = arith.andi %add3A_1158, %and3A_1161 : i32
        %mul3A_1163 = arith.constant 16 : i32
        %mul3A_1164 = arith.muli %and3A_1162, %mul3A_1163 : i32
        %get3A_1165 = arith.index_cast %shift_right_logical3A_1160 : i32 to index
        %get3A_1166 = arith.index_cast %mul3A_1164 : i32 to index
        %get3A_1167 = tpu.vector_load %arg7[%get3A_1165, %get3A_1166] {strides = array<i32>} : memref<32x32xi32, #tpu.memory_space<vmem>>, vector<16xi32>,
        %shift_right_logical3A_1168 = arith.constant 1 : i32
        %shift_right_logical3A_1169 = arith.shrui %add3A_1158, %shift_right_logical3A_1168 : i32
        %and3A_1170 = arith.constant 1 : i32
        %and3A_1171 = arith.andi %add3A_1158, %and3A_1170 : i32
        %mul3A_1172 = arith.constant 16 : i32
        %mul3A_1173 = arith.muli %and3A_1171, %mul3A_1172 : i32
        %dma_start3A_1174 = arith.constant 1 : i32
        %dma_start3A_1175 = arith.constant 0 : i32
        %dma_start3A_1176 = arith.constant 0 : i32
        %dma_start3A_1177 = tpu.memref_slice %arg9[%dma_start3A_1174, %dma_start3A_1175, %dma_start3A_1176] : memref<4x16x1024xf32, #tpu.memory_space<vmem>> -> memref<1x8x1024xf32, #tpu.memory_space<vmem>>
        %dma_start3A_1178 = tpu.memref_squeeze %dma_start3A_1177 : memref<1x8x1024xf32, #tpu.memory_space<vmem>> -> memref<8x1024xf32, #tpu.memory_space<vmem>>
        %dma_start3A_1179 = tpu.memref_slice %arg7[%shift_right_logical3A_1169, %mul3A_1173] : memref<32x32xi32, #tpu.memory_space<vmem>> -> memref<1x8xi32, #tpu.memory_space<vmem>>
        %dma_start3A_1180 = tpu.memref_squeeze %dma_start3A_1179 : memref<1x8xi32, #tpu.memory_space<vmem>> -> memref<8xi32, #tpu.memory_space<vmem>>
        %dma_start3A_1181 = arith.constant 0 : i32
        %dma_start3A_1182 = arith.constant 0 : i32
        %dma_start3A_1183 = tpu.memref_slice %arg4[%dma_start3A_1181, %dma_start3A_1182] : memref<100000x1024xf32, #tpu.memory_space<hbm>> -> memref<100000x1024xf32, #tpu.memory_space<hbm>>
        tpu.enqueue_indirect_dma source(%dma_start3A_1183 : memref<100000x1024xf32, #tpu.memory_space<hbm>>) target(%dma_start3A_1178 : memref<8x1024xf32, #tpu.memory_space<vmem>>) offsets(%dma_start3A_1180 : memref<8xi32, #tpu.memory_space<vmem>>) semaphore(%arg15 : memref<!tpu.dma_semaphore, #tpu.memory_space<semaphore_mem>>)
        %add3A_1184 = arith.constant 8 : i32
        %add3A_1185 = arith.addi %mul3A_1173, %add3A_1184 : i32
        %dma_start3A_1186 = arith.constant 1 : i32
        %dma_start3A_1187 = arith.constant 8 : i32
        %dma_start3A_1188 = arith.constant 0 : i32
        %dma_start3A_1189 = tpu.memref_slice %arg9[%dma_start3A_1186, %dma_start3A_1187, %dma_start3A_1188] : memref<4x16x1024xf32, #tpu.memory_space<vmem>> -> memref<1x8x1024xf32, #tpu.memory_space<vmem>>
        %dma_start3A_1190 = tpu.memref_squeeze %dma_start3A_1189 : memref<1x8x1024xf32, #tpu.memory_space<vmem>> -> memref<8x1024xf32, #tpu.memory_space<vmem>>
        %dma_start3A_1191 = tpu.memref_slice %arg7[%shift_right_logical3A_1169, %add3A_1185] : memref<32x32xi32, #tpu.memory_space<vmem>> -> memref<1x8xi32, #tpu.memory_space<vmem>>
        %dma_start3A_1192 = tpu.memref_squeeze %dma_start3A_1191 : memref<1x8xi32, #tpu.memory_space<vmem>> -> memref<8xi32, #tpu.memory_space<vmem>>
        %dma_start3A_1193 = arith.constant 0 : i32
        %dma_start3A_1194 = arith.constant 0 : i32
        %dma_start3A_1195 = tpu.memref_slice %arg4[%dma_start3A_1193, %dma_start3A_1194] : memref<100000x1024xf32, #tpu.memory_space<hbm>> -> memref<100000x1024xf32, #tpu.memory_space<hbm>>
        tpu.enqueue_indirect_dma source(%dma_start3A_1195 : memref<100000x1024xf32, #tpu.memory_space<hbm>>) target(%dma_start3A_1190 : memref<8x1024xf32, #tpu.memory_space<vmem>>) offsets(%dma_start3A_1192 : memref<8xi32, #tpu.memory_space<vmem>>) semaphore(%arg19 : memref<!tpu.dma_semaphore, #tpu.memory_space<semaphore_mem>>)
        %dma_start3A_1196 = arith.constant 1 : i32
        %dma_start3A_1197 = arith.constant 0 : i32
        %dma_start3A_1198 = tpu.memref_slice %arg10[%dma_start3A_1196, %dma_start3A_1197] : memref<4x16xf32, #tpu.memory_space<vmem>> -> memref<1x16xf32, #tpu.memory_space<vmem>>
        %dma_start3A_1199 = tpu.memref_squeeze %dma_start3A_1198 : memref<1x16xf32, #tpu.memory_space<vmem>> -> memref<16xf32, #tpu.memory_space<vmem>>
        %dma_start3A_1200 = arith.constant 0 : i32
        %dma_start3A_1201 = tpu.memref_slice %arg11[%dma_start3A_1200] : memref<100000xf32, #tpu.memory_space<vmem_shared>> -> memref<100000xf32, #tpu.memory_space<vmem_shared>>
        tpu.enqueue_indirect_dma source(%dma_start3A_1201 : memref<100000xf32, #tpu.memory_space<vmem_shared>>) target(%dma_start3A_1199 : memref<16xf32, #tpu.memory_space<vmem>>) offsets(%get3A_1167 : vector<16xi32>) semaphore(%arg23 : memref<!tpu.dma_semaphore, #tpu.memory_space<semaphore_mem>>)
      } else {
      }
      %mul3A_677 = arith.constant 4 : i32
      %mul3A_678 = arith.muli %scan3A_201, %mul3A_677 : i32
      %add3A_679 = arith.constant 2 : i32
      %add3A_680 = arith.addi %mul3A_678, %add3A_679 : i32
      %broadcast_in_dim3A_681 = arith.constant 0 : i32
      %broadcast_in_dim3A_682 = vector.broadcast %broadcast_in_dim3A_681 : i32 to vector<8xi32>
      %dma_wait3A_683 = arith.constant 2 : i32
      %dma_wait3A_684 = arith.constant 0 : i32
      %dma_wait3A_685 = arith.constant 0 : i32
      %dma_wait3A_686 = tpu.memref_slice %arg9[%dma_wait3A_683, %dma_wait3A_684, %dma_wait3A_685] : memref<4x16x1024xf32, #tpu.memory_space<vmem>> -> memref<1x8x1024xf32, #tpu.memory_space<vmem>>
      %dma_wait3A_687 = tpu.memref_squeeze %dma_wait3A_686 : memref<1x8x1024xf32, #tpu.memory_space<vmem>> -> memref<8x1024xf32, #tpu.memory_space<vmem>>
      %dma_wait3A_688 = arith.constant 0 : i32
      %dma_wait3A_689 = arith.constant 0 : i32
      %dma_wait3A_690 = tpu.memref_slice %arg4[%dma_wait3A_688, %dma_wait3A_689] : memref<100000x1024xf32, #tpu.memory_space<hbm>> -> memref<100000x1024xf32, #tpu.memory_space<hbm>>
      tpu.wait_indirect_dma semaphore(%arg16 : memref<!tpu.dma_semaphore, #tpu.memory_space<semaphore_mem>>) src(%dma_wait3A_690 : memref<100000x1024xf32, #tpu.memory_space<hbm>>) dst(%dma_wait3A_687 : memref<8x1024xf32, #tpu.memory_space<vmem>>)
      %dma_wait3A_691 = arith.constant 2 : i32
      %dma_wait3A_692 = arith.constant 8 : i32
      %dma_wait3A_693 = arith.constant 0 : i32
      %dma_wait3A_694 = tpu.memref_slice %arg9[%dma_wait3A_691, %dma_wait3A_692, %dma_wait3A_693] : memref<4x16x1024xf32, #tpu.memory_space<vmem>> -> memref<1x8x1024xf32, #tpu.memory_space<vmem>>
      %dma_wait3A_695 = tpu.memref_squeeze %dma_wait3A_694 : memref<1x8x1024xf32, #tpu.memory_space<vmem>> -> memref<8x1024xf32, #tpu.memory_space<vmem>>
      %dma_wait3A_696 = arith.constant 0 : i32
      %dma_wait3A_697 = arith.constant 0 : i32
      %dma_wait3A_698 = tpu.memref_slice %arg4[%dma_wait3A_696, %dma_wait3A_697] : memref<100000x1024xf32, #tpu.memory_space<hbm>> -> memref<100000x1024xf32, #tpu.memory_space<hbm>>
      tpu.wait_indirect_dma semaphore(%arg20 : memref<!tpu.dma_semaphore, #tpu.memory_space<semaphore_mem>>) src(%dma_wait3A_698 : memref<100000x1024xf32, #tpu.memory_space<hbm>>) dst(%dma_wait3A_695 : memref<8x1024xf32, #tpu.memory_space<vmem>>)
      %shift_right_logical3A_699 = arith.constant 1 : i32
      %shift_right_logical3A_700 = arith.shrui %add3A_680, %shift_right_logical3A_699 : i32
      %and3A_701 = arith.constant 1 : i32
      %and3A_702 = arith.andi %add3A_680, %and3A_701 : i32
      %mul3A_703 = arith.constant 16 : i32
      %mul3A_704 = arith.muli %and3A_702, %mul3A_703 : i32
      %broadcast_in_dim3A_705 = arith.constant 0.000000e+00 : f32
      %broadcast_in_dim3A_706 = vector.broadcast %broadcast_in_dim3A_705 : f32 to vector<16xf32>
      %broadcast_in_dim3A_707 = arith.constant 0.000000e+00 : f32
      %broadcast_in_dim3A_708 = vector.broadcast %broadcast_in_dim3A_707 : f32 to vector<16xf32>
      %broadcast_in_dim3A_709 = arith.constant 0.000000e+00 : f32
      %broadcast_in_dim3A_710 = vector.broadcast %broadcast_in_dim3A_709 : f32 to vector<16xf32>
      %broadcast_in_dim3A_711 = arith.constant 0.000000e+00 : f32
      %broadcast_in_dim3A_712 = vector.broadcast %broadcast_in_dim3A_711 : f32 to vector<16xf32>
      %broadcast_in_dim3A_713 = arith.constant 0.000000e+00 : f32
      %broadcast_in_dim3A_714 = vector.broadcast %broadcast_in_dim3A_713 : f32 to vector<16xf32>
      %broadcast_in_dim3A_715 = arith.constant 0.000000e+00 : f32
      %broadcast_in_dim3A_716 = vector.broadcast %broadcast_in_dim3A_715 : f32 to vector<16xf32>
      %broadcast_in_dim3A_717 = arith.constant 0.000000e+00 : f32
      %broadcast_in_dim3A_718 = vector.broadcast %broadcast_in_dim3A_717 : f32 to vector<16xf32>
      %broadcast_in_dim3A_719 = arith.constant 0.000000e+00 : f32
      %broadcast_in_dim3A_720 = vector.broadcast %broadcast_in_dim3A_719 : f32 to vector<16xf32>
      %scan3A_721 = arith.constant 0 : i32
      %scan3A_722 = arith.constant 64 : i32
      %scan3A_723 = arith.addi %scan3A_721, %scan3A_722 : i32
      %scan3A_724 = arith.constant 1 : i32
      %scan3A_725:8 = scf.for %scan3A_1157 = %scan3A_721 to %scan3A_723 step %scan3A_724 iter_args(%scan3A_1158 = %broadcast_in_dim3A_706, %scan3A_1159 = %broadcast_in_dim3A_708, %scan3A_1160 = %broadcast_in_dim3A_710, %scan3A_1161 = %broadcast_in_dim3A_712, %scan3A_1162 = %broadcast_in_dim3A_714, %scan3A_1163 = %broadcast_in_dim3A_716, %scan3A_1164 = %broadcast_in_dim3A_718, %scan3A_1165 = %broadcast_in_dim3A_720) -> (vector<16xf32>, vector<16xf32>, vector<16xf32>, vector<16xf32>, vector<16xf32>, vector<16xf32>, vector<16xf32>, vector<16xf32>)  : i32 {
        %mul3A_1166 = arith.constant 16 : i32
        %mul3A_1167 = arith.muli %scan3A_1157, %mul3A_1166 : i32
        %multiple_of3A_1168 = tpu.assume_multiple %mul3A_1167, 16 : i32
        %get3A_1169 = arith.index_cast %shift_right_logical3A_700 : i32 to index
        %get3A_1170 = arith.index_cast %multiple_of3A_1168 : i32 to index
        %get3A_1171 = tpu.vector_load %arg8[%get3A_1169, %get3A_1170] {strides = array<i32>} : memref<32x1024xf32, #tpu.memory_space<vmem>>, vector<16xf32>,
        %get3A_1172 = arith.constant 2 : i32
        %get3A_1173 = arith.constant 0 : i32
        %get3A_1174 = arith.index_cast %get3A_1172 : i32 to index
        %get3A_1175 = arith.index_cast %get3A_1173 : i32 to index
        %get3A_1176 = arith.index_cast %multiple_of3A_1168 : i32 to index
        %get3A_1177 = tpu.vector_load %arg9[%get3A_1174, %get3A_1175, %get3A_1176] {strides = array<i32>} : memref<4x16x1024xf32, #tpu.memory_space<vmem>>, vector<16xf32>,
        %mul3A_1178 = arith.mulf %get3A_1177, %get3A_1171 : vector<16xf32>
        %add3A_1179 = arith.addf %scan3A_1158, %mul3A_1178 : vector<16xf32>
        %get3A_1180 = arith.constant 2 : i32
        %get3A_1181 = arith.constant 1 : i32
        %get3A_1182 = arith.index_cast %get3A_1180 : i32 to index
        %get3A_1183 = arith.index_cast %get3A_1181 : i32 to index
        %get3A_1184 = arith.index_cast %multiple_of3A_1168 : i32 to index
        %get3A_1185 = tpu.vector_load %arg9[%get3A_1182, %get3A_1183, %get3A_1184] {strides = array<i32>} : memref<4x16x1024xf32, #tpu.memory_space<vmem>>, vector<16xf32>,
        %mul3A_1186 = arith.mulf %get3A_1185, %get3A_1171 : vector<16xf32>
        %add3A_1187 = arith.addf %scan3A_1159, %mul3A_1186 : vector<16xf32>
        %get3A_1188 = arith.constant 2 : i32
        %get3A_1189 = arith.constant 2 : i32
        %get3A_1190 = arith.index_cast %get3A_1188 : i32 to index
        %get3A_1191 = arith.index_cast %get3A_1189 : i32 to index
        %get3A_1192 = arith.index_cast %multiple_of3A_1168 : i32 to index
        %get3A_1193 = tpu.vector_load %arg9[%get3A_1190, %get3A_1191, %get3A_1192] {strides = array<i32>} : memref<4x16x1024xf32, #tpu.memory_space<vmem>>, vector<16xf32>,
        %mul3A_1194 = arith.mulf %get3A_1193, %get3A_1171 : vector<16xf32>
        %add3A_1195 = arith.addf %scan3A_1160, %mul3A_1194 : vector<16xf32>
        %get3A_1196 = arith.constant 2 : i32
        %get3A_1197 = arith.constant 3 : i32
        %get3A_1198 = arith.index_cast %get3A_1196 : i32 to index
        %get3A_1199 = arith.index_cast %get3A_1197 : i32 to index
        %get3A_1200 = arith.index_cast %multiple_of3A_1168 : i32 to index
        %get3A_1201 = tpu.vector_load %arg9[%get3A_1198, %get3A_1199, %get3A_1200] {strides = array<i32>} : memref<4x16x1024xf32, #tpu.memory_space<vmem>>, vector<16xf32>,
        %mul3A_1202 = arith.mulf %get3A_1201, %get3A_1171 : vector<16xf32>
        %add3A_1203 = arith.addf %scan3A_1161, %mul3A_1202 : vector<16xf32>
        %get3A_1204 = arith.constant 2 : i32
        %get3A_1205 = arith.constant 4 : i32
        %get3A_1206 = arith.index_cast %get3A_1204 : i32 to index
        %get3A_1207 = arith.index_cast %get3A_1205 : i32 to index
        %get3A_1208 = arith.index_cast %multiple_of3A_1168 : i32 to index
        %get3A_1209 = tpu.vector_load %arg9[%get3A_1206, %get3A_1207, %get3A_1208] {strides = array<i32>} : memref<4x16x1024xf32, #tpu.memory_space<vmem>>, vector<16xf32>,
        %mul3A_1210 = arith.mulf %get3A_1209, %get3A_1171 : vector<16xf32>
        %add3A_1211 = arith.addf %scan3A_1162, %mul3A_1210 : vector<16xf32>
        %get3A_1212 = arith.constant 2 : i32
        %get3A_1213 = arith.constant 5 : i32
        %get3A_1214 = arith.index_cast %get3A_1212 : i32 to index
        %get3A_1215 = arith.index_cast %get3A_1213 : i32 to index
        %get3A_1216 = arith.index_cast %multiple_of3A_1168 : i32 to index
        %get3A_1217 = tpu.vector_load %arg9[%get3A_1214, %get3A_1215, %get3A_1216] {strides = array<i32>} : memref<4x16x1024xf32, #tpu.memory_space<vmem>>, vector<16xf32>,
        %mul3A_1218 = arith.mulf %get3A_1217, %get3A_1171 : vector<16xf32>
        %add3A_1219 = arith.addf %scan3A_1163, %mul3A_1218 : vector<16xf32>
        %get3A_1220 = arith.constant 2 : i32
        %get3A_1221 = arith.constant 6 : i32
        %get3A_1222 = arith.index_cast %get3A_1220 : i32 to index
        %get3A_1223 = arith.index_cast %get3A_1221 : i32 to index
        %get3A_1224 = arith.index_cast %multiple_of3A_1168 : i32 to index
        %get3A_1225 = tpu.vector_load %arg9[%get3A_1222, %get3A_1223, %get3A_1224] {strides = array<i32>} : memref<4x16x1024xf32, #tpu.memory_space<vmem>>, vector<16xf32>,
        %mul3A_1226 = arith.mulf %get3A_1225, %get3A_1171 : vector<16xf32>
        %add3A_1227 = arith.addf %scan3A_1164, %mul3A_1226 : vector<16xf32>
        %get3A_1228 = arith.constant 2 : i32
        %get3A_1229 = arith.constant 7 : i32
        %get3A_1230 = arith.index_cast %get3A_1228 : i32 to index
        %get3A_1231 = arith.index_cast %get3A_1229 : i32 to index
        %get3A_1232 = arith.index_cast %multiple_of3A_1168 : i32 to index
        %get3A_1233 = tpu.vector_load %arg9[%get3A_1230, %get3A_1231, %get3A_1232] {strides = array<i32>} : memref<4x16x1024xf32, #tpu.memory_space<vmem>>, vector<16xf32>,
        %mul3A_1234 = arith.mulf %get3A_1233, %get3A_1171 : vector<16xf32>
        %add3A_1235 = arith.addf %scan3A_1165, %mul3A_1234 : vector<16xf32>
        scf.yield %add3A_1179, %add3A_1187, %add3A_1195, %add3A_1203, %add3A_1211, %add3A_1219, %add3A_1227, %add3A_1235 : vector<16xf32>, vector<16xf32>, vector<16xf32>, vector<16xf32>, vector<16xf32>, vector<16xf32>, vector<16xf32>, vector<16xf32>
      }
      %scan3A_726 = arith.constant 64 : i32
      %broadcast_in_dim3A_727 = arith.constant 0.000000e+00 : f32
      %broadcast_in_dim3A_728 = vector.broadcast %broadcast_in_dim3A_727 : f32 to vector<16xf32>
      %broadcast_in_dim3A_729 = arith.constant 0.000000e+00 : f32
      %broadcast_in_dim3A_730 = vector.broadcast %broadcast_in_dim3A_729 : f32 to vector<16xf32>
      %broadcast_in_dim3A_731 = arith.constant 0.000000e+00 : f32
      %broadcast_in_dim3A_732 = vector.broadcast %broadcast_in_dim3A_731 : f32 to vector<16xf32>
      %broadcast_in_dim3A_733 = arith.constant 0.000000e+00 : f32
      %broadcast_in_dim3A_734 = vector.broadcast %broadcast_in_dim3A_733 : f32 to vector<16xf32>
      %broadcast_in_dim3A_735 = arith.constant 0.000000e+00 : f32
      %broadcast_in_dim3A_736 = vector.broadcast %broadcast_in_dim3A_735 : f32 to vector<16xf32>
      %broadcast_in_dim3A_737 = arith.constant 0.000000e+00 : f32
      %broadcast_in_dim3A_738 = vector.broadcast %broadcast_in_dim3A_737 : f32 to vector<16xf32>
      %broadcast_in_dim3A_739 = arith.constant 0.000000e+00 : f32
      %broadcast_in_dim3A_740 = vector.broadcast %broadcast_in_dim3A_739 : f32 to vector<16xf32>
      %broadcast_in_dim3A_741 = arith.constant 0.000000e+00 : f32
      %broadcast_in_dim3A_742 = vector.broadcast %broadcast_in_dim3A_741 : f32 to vector<16xf32>
      %scan3A_743 = arith.constant 0 : i32
      %scan3A_744 = arith.constant 64 : i32
      %scan3A_745 = arith.addi %scan3A_743, %scan3A_744 : i32
      %scan3A_746 = arith.constant 1 : i32
      %scan3A_747:8 = scf.for %scan3A_1157 = %scan3A_743 to %scan3A_745 step %scan3A_746 iter_args(%scan3A_1158 = %broadcast_in_dim3A_728, %scan3A_1159 = %broadcast_in_dim3A_730, %scan3A_1160 = %broadcast_in_dim3A_732, %scan3A_1161 = %broadcast_in_dim3A_734, %scan3A_1162 = %broadcast_in_dim3A_736, %scan3A_1163 = %broadcast_in_dim3A_738, %scan3A_1164 = %broadcast_in_dim3A_740, %scan3A_1165 = %broadcast_in_dim3A_742) -> (vector<16xf32>, vector<16xf32>, vector<16xf32>, vector<16xf32>, vector<16xf32>, vector<16xf32>, vector<16xf32>, vector<16xf32>)  : i32 {
        %mul3A_1166 = arith.constant 16 : i32
        %mul3A_1167 = arith.muli %scan3A_1157, %mul3A_1166 : i32
        %multiple_of3A_1168 = tpu.assume_multiple %mul3A_1167, 16 : i32
        %get3A_1169 = arith.index_cast %shift_right_logical3A_700 : i32 to index
        %get3A_1170 = arith.index_cast %multiple_of3A_1168 : i32 to index
        %get3A_1171 = tpu.vector_load %arg8[%get3A_1169, %get3A_1170] {strides = array<i32>} : memref<32x1024xf32, #tpu.memory_space<vmem>>, vector<16xf32>,
        %get3A_1172 = arith.constant 2 : i32
        %get3A_1173 = arith.constant 8 : i32
        %get3A_1174 = arith.index_cast %get3A_1172 : i32 to index
        %get3A_1175 = arith.index_cast %get3A_1173 : i32 to index
        %get3A_1176 = arith.index_cast %multiple_of3A_1168 : i32 to index
        %get3A_1177 = tpu.vector_load %arg9[%get3A_1174, %get3A_1175, %get3A_1176] {strides = array<i32>} : memref<4x16x1024xf32, #tpu.memory_space<vmem>>, vector<16xf32>,
        %mul3A_1178 = arith.mulf %get3A_1177, %get3A_1171 : vector<16xf32>
        %add3A_1179 = arith.addf %scan3A_1158, %mul3A_1178 : vector<16xf32>
        %get3A_1180 = arith.constant 2 : i32
        %get3A_1181 = arith.constant 9 : i32
        %get3A_1182 = arith.index_cast %get3A_1180 : i32 to index
        %get3A_1183 = arith.index_cast %get3A_1181 : i32 to index
        %get3A_1184 = arith.index_cast %multiple_of3A_1168 : i32 to index
        %get3A_1185 = tpu.vector_load %arg9[%get3A_1182, %get3A_1183, %get3A_1184] {strides = array<i32>} : memref<4x16x1024xf32, #tpu.memory_space<vmem>>, vector<16xf32>,
        %mul3A_1186 = arith.mulf %get3A_1185, %get3A_1171 : vector<16xf32>
        %add3A_1187 = arith.addf %scan3A_1159, %mul3A_1186 : vector<16xf32>
        %get3A_1188 = arith.constant 2 : i32
        %get3A_1189 = arith.constant 10 : i32
        %get3A_1190 = arith.index_cast %get3A_1188 : i32 to index
        %get3A_1191 = arith.index_cast %get3A_1189 : i32 to index
        %get3A_1192 = arith.index_cast %multiple_of3A_1168 : i32 to index
        %get3A_1193 = tpu.vector_load %arg9[%get3A_1190, %get3A_1191, %get3A_1192] {strides = array<i32>} : memref<4x16x1024xf32, #tpu.memory_space<vmem>>, vector<16xf32>,
        %mul3A_1194 = arith.mulf %get3A_1193, %get3A_1171 : vector<16xf32>
        %add3A_1195 = arith.addf %scan3A_1160, %mul3A_1194 : vector<16xf32>
        %get3A_1196 = arith.constant 2 : i32
        %get3A_1197 = arith.constant 11 : i32
        %get3A_1198 = arith.index_cast %get3A_1196 : i32 to index
        %get3A_1199 = arith.index_cast %get3A_1197 : i32 to index
        %get3A_1200 = arith.index_cast %multiple_of3A_1168 : i32 to index
        %get3A_1201 = tpu.vector_load %arg9[%get3A_1198, %get3A_1199, %get3A_1200] {strides = array<i32>} : memref<4x16x1024xf32, #tpu.memory_space<vmem>>, vector<16xf32>,
        %mul3A_1202 = arith.mulf %get3A_1201, %get3A_1171 : vector<16xf32>
        %add3A_1203 = arith.addf %scan3A_1161, %mul3A_1202 : vector<16xf32>
        %get3A_1204 = arith.constant 2 : i32
        %get3A_1205 = arith.constant 12 : i32
        %get3A_1206 = arith.index_cast %get3A_1204 : i32 to index
        %get3A_1207 = arith.index_cast %get3A_1205 : i32 to index
        %get3A_1208 = arith.index_cast %multiple_of3A_1168 : i32 to index
        %get3A_1209 = tpu.vector_load %arg9[%get3A_1206, %get3A_1207, %get3A_1208] {strides = array<i32>} : memref<4x16x1024xf32, #tpu.memory_space<vmem>>, vector<16xf32>,
        %mul3A_1210 = arith.mulf %get3A_1209, %get3A_1171 : vector<16xf32>
        %add3A_1211 = arith.addf %scan3A_1162, %mul3A_1210 : vector<16xf32>
        %get3A_1212 = arith.constant 2 : i32
        %get3A_1213 = arith.constant 13 : i32
        %get3A_1214 = arith.index_cast %get3A_1212 : i32 to index
        %get3A_1215 = arith.index_cast %get3A_1213 : i32 to index
        %get3A_1216 = arith.index_cast %multiple_of3A_1168 : i32 to index
        %get3A_1217 = tpu.vector_load %arg9[%get3A_1214, %get3A_1215, %get3A_1216] {strides = array<i32>} : memref<4x16x1024xf32, #tpu.memory_space<vmem>>, vector<16xf32>,
        %mul3A_1218 = arith.mulf %get3A_1217, %get3A_1171 : vector<16xf32>
        %add3A_1219 = arith.addf %scan3A_1163, %mul3A_1218 : vector<16xf32>
        %get3A_1220 = arith.constant 2 : i32
        %get3A_1221 = arith.constant 14 : i32
        %get3A_1222 = arith.index_cast %get3A_1220 : i32 to index
        %get3A_1223 = arith.index_cast %get3A_1221 : i32 to index
        %get3A_1224 = arith.index_cast %multiple_of3A_1168 : i32 to index
        %get3A_1225 = tpu.vector_load %arg9[%get3A_1222, %get3A_1223, %get3A_1224] {strides = array<i32>} : memref<4x16x1024xf32, #tpu.memory_space<vmem>>, vector<16xf32>,
        %mul3A_1226 = arith.mulf %get3A_1225, %get3A_1171 : vector<16xf32>
        %add3A_1227 = arith.addf %scan3A_1164, %mul3A_1226 : vector<16xf32>
        %get3A_1228 = arith.constant 2 : i32
        %get3A_1229 = arith.constant 15 : i32
        %get3A_1230 = arith.index_cast %get3A_1228 : i32 to index
        %get3A_1231 = arith.index_cast %get3A_1229 : i32 to index
        %get3A_1232 = arith.index_cast %multiple_of3A_1168 : i32 to index
        %get3A_1233 = tpu.vector_load %arg9[%get3A_1230, %get3A_1231, %get3A_1232] {strides = array<i32>} : memref<4x16x1024xf32, #tpu.memory_space<vmem>>, vector<16xf32>,
        %mul3A_1234 = arith.mulf %get3A_1233, %get3A_1171 : vector<16xf32>
        %add3A_1235 = arith.addf %scan3A_1165, %mul3A_1234 : vector<16xf32>
        scf.yield %add3A_1179, %add3A_1187, %add3A_1195, %add3A_1203, %add3A_1211, %add3A_1219, %add3A_1227, %add3A_1235 : vector<16xf32>, vector<16xf32>, vector<16xf32>, vector<16xf32>, vector<16xf32>, vector<16xf32>, vector<16xf32>, vector<16xf32>
      }
      %scan3A_748 = arith.constant 64 : i32
      %swap3A_749 = arith.constant 0 : i32
      %swap3A_750 = arith.index_cast %swap3A_749 : i32 to index
      %swap3A_751 = arith.constant 0 : index
      %swap3A_752 = tpu.vector_load %arg13[%swap3A_750, %swap3A_751] {strides = array<i32>} : memref<32x16xf32, #tpu.memory_space<vmem>>, vector<16xf32>,
      tpu.vector_store %arg13[%swap3A_750, %swap3A_751], %scan3A_725#0 {strides = array<i32>} : memref<32x16xf32, #tpu.memory_space<vmem>>, vector<16xf32>,
      %swap3A_753 = arith.constant 1 : i32
      %swap3A_754 = arith.index_cast %swap3A_753 : i32 to index
      %swap3A_755 = arith.constant 0 : index
      %swap3A_756 = tpu.vector_load %arg13[%swap3A_754, %swap3A_755] {strides = array<i32>} : memref<32x16xf32, #tpu.memory_space<vmem>>, vector<16xf32>,
      tpu.vector_store %arg13[%swap3A_754, %swap3A_755], %scan3A_725#1 {strides = array<i32>} : memref<32x16xf32, #tpu.memory_space<vmem>>, vector<16xf32>,
      %swap3A_757 = arith.constant 2 : i32
      %swap3A_758 = arith.index_cast %swap3A_757 : i32 to index
      %swap3A_759 = arith.constant 0 : index
      %swap3A_760 = tpu.vector_load %arg13[%swap3A_758, %swap3A_759] {strides = array<i32>} : memref<32x16xf32, #tpu.memory_space<vmem>>, vector<16xf32>,
      tpu.vector_store %arg13[%swap3A_758, %swap3A_759], %scan3A_725#2 {strides = array<i32>} : memref<32x16xf32, #tpu.memory_space<vmem>>, vector<16xf32>,
      %swap3A_761 = arith.constant 3 : i32
      %swap3A_762 = arith.index_cast %swap3A_761 : i32 to index
      %swap3A_763 = arith.constant 0 : index
      %swap3A_764 = tpu.vector_load %arg13[%swap3A_762, %swap3A_763] {strides = array<i32>} : memref<32x16xf32, #tpu.memory_space<vmem>>, vector<16xf32>,
      tpu.vector_store %arg13[%swap3A_762, %swap3A_763], %scan3A_725#3 {strides = array<i32>} : memref<32x16xf32, #tpu.memory_space<vmem>>, vector<16xf32>,
      %swap3A_765 = arith.constant 4 : i32
      %swap3A_766 = arith.index_cast %swap3A_765 : i32 to index
      %swap3A_767 = arith.constant 0 : index
      %swap3A_768 = tpu.vector_load %arg13[%swap3A_766, %swap3A_767] {strides = array<i32>} : memref<32x16xf32, #tpu.memory_space<vmem>>, vector<16xf32>,
      tpu.vector_store %arg13[%swap3A_766, %swap3A_767], %scan3A_725#4 {strides = array<i32>} : memref<32x16xf32, #tpu.memory_space<vmem>>, vector<16xf32>,
      %swap3A_769 = arith.constant 5 : i32
      %swap3A_770 = arith.index_cast %swap3A_769 : i32 to index
      %swap3A_771 = arith.constant 0 : index
      %swap3A_772 = tpu.vector_load %arg13[%swap3A_770, %swap3A_771] {strides = array<i32>} : memref<32x16xf32, #tpu.memory_space<vmem>>, vector<16xf32>,
      tpu.vector_store %arg13[%swap3A_770, %swap3A_771], %scan3A_725#5 {strides = array<i32>} : memref<32x16xf32, #tpu.memory_space<vmem>>, vector<16xf32>,
      %swap3A_773 = arith.constant 6 : i32
      %swap3A_774 = arith.index_cast %swap3A_773 : i32 to index
      %swap3A_775 = arith.constant 0 : index
      %swap3A_776 = tpu.vector_load %arg13[%swap3A_774, %swap3A_775] {strides = array<i32>} : memref<32x16xf32, #tpu.memory_space<vmem>>, vector<16xf32>,
      tpu.vector_store %arg13[%swap3A_774, %swap3A_775], %scan3A_725#6 {strides = array<i32>} : memref<32x16xf32, #tpu.memory_space<vmem>>, vector<16xf32>,
      %swap3A_777 = arith.constant 7 : i32
      %swap3A_778 = arith.index_cast %swap3A_777 : i32 to index
      %swap3A_779 = arith.constant 0 : index
      %swap3A_780 = tpu.vector_load %arg13[%swap3A_778, %swap3A_779] {strides = array<i32>} : memref<32x16xf32, #tpu.memory_space<vmem>>, vector<16xf32>,
      tpu.vector_store %arg13[%swap3A_778, %swap3A_779], %scan3A_725#7 {strides = array<i32>} : memref<32x16xf32, #tpu.memory_space<vmem>>, vector<16xf32>,
      %swap3A_781 = arith.constant 8 : i32
      %swap3A_782 = arith.index_cast %swap3A_781 : i32 to index
      %swap3A_783 = arith.constant 0 : index
      %swap3A_784 = tpu.vector_load %arg13[%swap3A_782, %swap3A_783] {strides = array<i32>} : memref<32x16xf32, #tpu.memory_space<vmem>>, vector<16xf32>,
      tpu.vector_store %arg13[%swap3A_782, %swap3A_783], %scan3A_747#0 {strides = array<i32>} : memref<32x16xf32, #tpu.memory_space<vmem>>, vector<16xf32>,
      %swap3A_785 = arith.constant 9 : i32
      %swap3A_786 = arith.index_cast %swap3A_785 : i32 to index
      %swap3A_787 = arith.constant 0 : index
      %swap3A_788 = tpu.vector_load %arg13[%swap3A_786, %swap3A_787] {strides = array<i32>} : memref<32x16xf32, #tpu.memory_space<vmem>>, vector<16xf32>,
      tpu.vector_store %arg13[%swap3A_786, %swap3A_787], %scan3A_747#1 {strides = array<i32>} : memref<32x16xf32, #tpu.memory_space<vmem>>, vector<16xf32>,
      %swap3A_789 = arith.constant 10 : i32
      %swap3A_790 = arith.index_cast %swap3A_789 : i32 to index
      %swap3A_791 = arith.constant 0 : index
      %swap3A_792 = tpu.vector_load %arg13[%swap3A_790, %swap3A_791] {strides = array<i32>} : memref<32x16xf32, #tpu.memory_space<vmem>>, vector<16xf32>,
      tpu.vector_store %arg13[%swap3A_790, %swap3A_791], %scan3A_747#2 {strides = array<i32>} : memref<32x16xf32, #tpu.memory_space<vmem>>, vector<16xf32>,
      %swap3A_793 = arith.constant 11 : i32
      %swap3A_794 = arith.index_cast %swap3A_793 : i32 to index
      %swap3A_795 = arith.constant 0 : index
      %swap3A_796 = tpu.vector_load %arg13[%swap3A_794, %swap3A_795] {strides = array<i32>} : memref<32x16xf32, #tpu.memory_space<vmem>>, vector<16xf32>,
      tpu.vector_store %arg13[%swap3A_794, %swap3A_795], %scan3A_747#3 {strides = array<i32>} : memref<32x16xf32, #tpu.memory_space<vmem>>, vector<16xf32>,
      %swap3A_797 = arith.constant 12 : i32
      %swap3A_798 = arith.index_cast %swap3A_797 : i32 to index
      %swap3A_799 = arith.constant 0 : index
      %swap3A_800 = tpu.vector_load %arg13[%swap3A_798, %swap3A_799] {strides = array<i32>} : memref<32x16xf32, #tpu.memory_space<vmem>>, vector<16xf32>,
      tpu.vector_store %arg13[%swap3A_798, %swap3A_799], %scan3A_747#4 {strides = array<i32>} : memref<32x16xf32, #tpu.memory_space<vmem>>, vector<16xf32>,
      %swap3A_801 = arith.constant 13 : i32
      %swap3A_802 = arith.index_cast %swap3A_801 : i32 to index
      %swap3A_803 = arith.constant 0 : index
      %swap3A_804 = tpu.vector_load %arg13[%swap3A_802, %swap3A_803] {strides = array<i32>} : memref<32x16xf32, #tpu.memory_space<vmem>>, vector<16xf32>,
      tpu.vector_store %arg13[%swap3A_802, %swap3A_803], %scan3A_747#5 {strides = array<i32>} : memref<32x16xf32, #tpu.memory_space<vmem>>, vector<16xf32>,
      %swap3A_805 = arith.constant 14 : i32
      %swap3A_806 = arith.index_cast %swap3A_805 : i32 to index
      %swap3A_807 = arith.constant 0 : index
      %swap3A_808 = tpu.vector_load %arg13[%swap3A_806, %swap3A_807] {strides = array<i32>} : memref<32x16xf32, #tpu.memory_space<vmem>>, vector<16xf32>,
      tpu.vector_store %arg13[%swap3A_806, %swap3A_807], %scan3A_747#6 {strides = array<i32>} : memref<32x16xf32, #tpu.memory_space<vmem>>, vector<16xf32>,
      %swap3A_809 = arith.constant 15 : i32
      %swap3A_810 = arith.index_cast %swap3A_809 : i32 to index
      %swap3A_811 = arith.constant 0 : index
      %swap3A_812 = tpu.vector_load %arg13[%swap3A_810, %swap3A_811] {strides = array<i32>} : memref<32x16xf32, #tpu.memory_space<vmem>>, vector<16xf32>,
      tpu.vector_store %arg13[%swap3A_810, %swap3A_811], %scan3A_747#7 {strides = array<i32>} : memref<32x16xf32, #tpu.memory_space<vmem>>, vector<16xf32>,
      %broadcast_in_dim3A_813 = arith.constant 0 : i32
      %broadcast_in_dim3A_814 = vector.broadcast %broadcast_in_dim3A_813 : i32 to vector<16xi32>
      %gather3A_815 = tpu.vector_load_idx %arg13[%iota3A, %broadcast_in_dim3A_814] : memref<32x16xf32, #tpu.memory_space<vmem>>[vector<16xi32>, vector<16xi32>], vector<16xf32>,
      %broadcast_in_dim3A_816 = arith.constant 1 : i32
      %broadcast_in_dim3A_817 = vector.broadcast %broadcast_in_dim3A_816 : i32 to vector<16xi32>
      %gather3A_818 = tpu.vector_load_idx %arg13[%iota3A, %broadcast_in_dim3A_817] : memref<32x16xf32, #tpu.memory_space<vmem>>[vector<16xi32>, vector<16xi32>], vector<16xf32>,
      %broadcast_in_dim3A_819 = arith.constant 2 : i32
      %broadcast_in_dim3A_820 = vector.broadcast %broadcast_in_dim3A_819 : i32 to vector<16xi32>
      %gather3A_821 = tpu.vector_load_idx %arg13[%iota3A, %broadcast_in_dim3A_820] : memref<32x16xf32, #tpu.memory_space<vmem>>[vector<16xi32>, vector<16xi32>], vector<16xf32>,
      %broadcast_in_dim3A_822 = arith.constant 3 : i32
      %broadcast_in_dim3A_823 = vector.broadcast %broadcast_in_dim3A_822 : i32 to vector<16xi32>
      %gather3A_824 = tpu.vector_load_idx %arg13[%iota3A, %broadcast_in_dim3A_823] : memref<32x16xf32, #tpu.memory_space<vmem>>[vector<16xi32>, vector<16xi32>], vector<16xf32>,
      %broadcast_in_dim3A_825 = arith.constant 4 : i32
      %broadcast_in_dim3A_826 = vector.broadcast %broadcast_in_dim3A_825 : i32 to vector<16xi32>
      %gather3A_827 = tpu.vector_load_idx %arg13[%iota3A, %broadcast_in_dim3A_826] : memref<32x16xf32, #tpu.memory_space<vmem>>[vector<16xi32>, vector<16xi32>], vector<16xf32>,
      %broadcast_in_dim3A_828 = arith.constant 5 : i32
      %broadcast_in_dim3A_829 = vector.broadcast %broadcast_in_dim3A_828 : i32 to vector<16xi32>
      %gather3A_830 = tpu.vector_load_idx %arg13[%iota3A, %broadcast_in_dim3A_829] : memref<32x16xf32, #tpu.memory_space<vmem>>[vector<16xi32>, vector<16xi32>], vector<16xf32>,
      %broadcast_in_dim3A_831 = arith.constant 6 : i32
      %broadcast_in_dim3A_832 = vector.broadcast %broadcast_in_dim3A_831 : i32 to vector<16xi32>
      %gather3A_833 = tpu.vector_load_idx %arg13[%iota3A, %broadcast_in_dim3A_832] : memref<32x16xf32, #tpu.memory_space<vmem>>[vector<16xi32>, vector<16xi32>], vector<16xf32>,
      %broadcast_in_dim3A_834 = arith.constant 7 : i32
      %broadcast_in_dim3A_835 = vector.broadcast %broadcast_in_dim3A_834 : i32 to vector<16xi32>
      %gather3A_836 = tpu.vector_load_idx %arg13[%iota3A, %broadcast_in_dim3A_835] : memref<32x16xf32, #tpu.memory_space<vmem>>[vector<16xi32>, vector<16xi32>], vector<16xf32>,
      %broadcast_in_dim3A_837 = arith.constant 8 : i32
      %broadcast_in_dim3A_838 = vector.broadcast %broadcast_in_dim3A_837 : i32 to vector<16xi32>
      %gather3A_839 = tpu.vector_load_idx %arg13[%iota3A, %broadcast_in_dim3A_838] : memref<32x16xf32, #tpu.memory_space<vmem>>[vector<16xi32>, vector<16xi32>], vector<16xf32>,
      %broadcast_in_dim3A_840 = arith.constant 9 : i32
      %broadcast_in_dim3A_841 = vector.broadcast %broadcast_in_dim3A_840 : i32 to vector<16xi32>
      %gather3A_842 = tpu.vector_load_idx %arg13[%iota3A, %broadcast_in_dim3A_841] : memref<32x16xf32, #tpu.memory_space<vmem>>[vector<16xi32>, vector<16xi32>], vector<16xf32>,
      %broadcast_in_dim3A_843 = arith.constant 10 : i32
      %broadcast_in_dim3A_844 = vector.broadcast %broadcast_in_dim3A_843 : i32 to vector<16xi32>
      %gather3A_845 = tpu.vector_load_idx %arg13[%iota3A, %broadcast_in_dim3A_844] : memref<32x16xf32, #tpu.memory_space<vmem>>[vector<16xi32>, vector<16xi32>], vector<16xf32>,
      %broadcast_in_dim3A_846 = arith.constant 11 : i32
      %broadcast_in_dim3A_847 = vector.broadcast %broadcast_in_dim3A_846 : i32 to vector<16xi32>
      %gather3A_848 = tpu.vector_load_idx %arg13[%iota3A, %broadcast_in_dim3A_847] : memref<32x16xf32, #tpu.memory_space<vmem>>[vector<16xi32>, vector<16xi32>], vector<16xf32>,
      %broadcast_in_dim3A_849 = arith.constant 12 : i32
      %broadcast_in_dim3A_850 = vector.broadcast %broadcast_in_dim3A_849 : i32 to vector<16xi32>
      %gather3A_851 = tpu.vector_load_idx %arg13[%iota3A, %broadcast_in_dim3A_850] : memref<32x16xf32, #tpu.memory_space<vmem>>[vector<16xi32>, vector<16xi32>], vector<16xf32>,
      %broadcast_in_dim3A_852 = arith.constant 13 : i32
      %broadcast_in_dim3A_853 = vector.broadcast %broadcast_in_dim3A_852 : i32 to vector<16xi32>
      %gather3A_854 = tpu.vector_load_idx %arg13[%iota3A, %broadcast_in_dim3A_853] : memref<32x16xf32, #tpu.memory_space<vmem>>[vector<16xi32>, vector<16xi32>], vector<16xf32>,
      %broadcast_in_dim3A_855 = arith.constant 14 : i32
      %broadcast_in_dim3A_856 = vector.broadcast %broadcast_in_dim3A_855 : i32 to vector<16xi32>
      %gather3A_857 = tpu.vector_load_idx %arg13[%iota3A, %broadcast_in_dim3A_856] : memref<32x16xf32, #tpu.memory_space<vmem>>[vector<16xi32>, vector<16xi32>], vector<16xf32>,
      %broadcast_in_dim3A_858 = arith.constant 15 : i32
      %broadcast_in_dim3A_859 = vector.broadcast %broadcast_in_dim3A_858 : i32 to vector<16xi32>
      %gather3A_860 = tpu.vector_load_idx %arg13[%iota3A, %broadcast_in_dim3A_859] : memref<32x16xf32, #tpu.memory_space<vmem>>[vector<16xi32>, vector<16xi32>], vector<16xf32>,
      %add3A_861 = arith.addf %gather3A_815, %gather3A_818 : vector<16xf32>
      %add3A_862 = arith.addf %gather3A_821, %gather3A_824 : vector<16xf32>
      %add3A_863 = arith.addf %gather3A_827, %gather3A_830 : vector<16xf32>
      %add3A_864 = arith.addf %gather3A_833, %gather3A_836 : vector<16xf32>
      %add3A_865 = arith.addf %gather3A_839, %gather3A_842 : vector<16xf32>
      %add3A_866 = arith.addf %gather3A_845, %gather3A_848 : vector<16xf32>
      %add3A_867 = arith.addf %gather3A_851, %gather3A_854 : vector<16xf32>
      %add3A_868 = arith.addf %gather3A_857, %gather3A_860 : vector<16xf32>
      %add3A_869 = arith.addf %add3A_861, %add3A_862 : vector<16xf32>
      %add3A_870 = arith.addf %add3A_863, %add3A_864 : vector<16xf32>
      %add3A_871 = arith.addf %add3A_865, %add3A_866 : vector<16xf32>
      %add3A_872 = arith.addf %add3A_867, %add3A_868 : vector<16xf32>
      %add3A_873 = arith.addf %add3A_869, %add3A_870 : vector<16xf32>
      %add3A_874 = arith.addf %add3A_871, %add3A_872 : vector<16xf32>
      %add3A_875 = arith.addf %add3A_873, %add3A_874 : vector<16xf32>
      %shift_right_logical3A_876 = arith.constant 1 : i32
      %shift_right_logical3A_877 = arith.shrui %add3A_680, %shift_right_logical3A_876 : i32
      %and3A_878 = arith.constant 1 : i32
      %and3A_879 = arith.andi %add3A_680, %and3A_878 : i32
      %mul3A_880 = arith.constant 16 : i32
      %mul3A_881 = arith.muli %and3A_879, %mul3A_880 : i32
      %get3A_882 = arith.index_cast %shift_right_logical3A_877 : i32 to index
      %get3A_883 = arith.index_cast %mul3A_881 : i32 to index
      %get3A_884 = tpu.vector_load %arg7[%get3A_882, %get3A_883] {strides = array<i32>} : memref<32x32xi32, #tpu.memory_space<vmem>>, vector<16xi32>,
      %broadcast_in_dim3A_885 = arith.constant 0 : i32
      %broadcast_in_dim3A_886 = vector.broadcast %broadcast_in_dim3A_885 : i32 to vector<16xi32>
      %dma_wait3A_887 = arith.constant 2 : i32
      %dma_wait3A_888 = arith.constant 0 : i32
      %dma_wait3A_889 = tpu.memref_slice %arg10[%dma_wait3A_887, %dma_wait3A_888] : memref<4x16xf32, #tpu.memory_space<vmem>> -> memref<1x16xf32, #tpu.memory_space<vmem>>
      %dma_wait3A_890 = tpu.memref_squeeze %dma_wait3A_889 : memref<1x16xf32, #tpu.memory_space<vmem>> -> memref<16xf32, #tpu.memory_space<vmem>>
      %dma_wait3A_891 = arith.constant 0 : i32
      %dma_wait3A_892 = tpu.memref_slice %arg11[%dma_wait3A_891] : memref<100000xf32, #tpu.memory_space<vmem_shared>> -> memref<100000xf32, #tpu.memory_space<vmem_shared>>
      tpu.wait_indirect_dma semaphore(%arg24 : memref<!tpu.dma_semaphore, #tpu.memory_space<semaphore_mem>>) src(%dma_wait3A_892 : memref<100000xf32, #tpu.memory_space<vmem_shared>>) dst(%dma_wait3A_890 : memref<16xf32, #tpu.memory_space<vmem>>)
      %get3A_893 = arith.constant 2 : i32
      %get3A_894 = arith.index_cast %get3A_893 : i32 to index
      %get3A_895 = arith.constant 0 : index
      %get3A_896 = tpu.vector_load %arg10[%get3A_894, %get3A_895] {strides = array<i32>} : memref<4x16xf32, #tpu.memory_space<vmem>>, vector<16xf32>,
      %eq3A_897 = arith.constant 0 : i32
      %eq3A_898 = vector.broadcast %eq3A_897 : i32 to vector<16xi32>
      %eq3A_899 = arith.cmpi eq, %get3A_884, %eq3A_898 : vector<16xi32>
      %broadcast_in_dim3A_900 = arith.constant -1.000000e+04 : f32
      %broadcast_in_dim3A_901 = vector.broadcast %broadcast_in_dim3A_900 : f32 to vector<16xf32>
      %broadcast_in_dim3A_902 = arith.constant 0.000000e+00 : f32
      %broadcast_in_dim3A_903 = vector.broadcast %broadcast_in_dim3A_902 : f32 to vector<16xf32>
      %select_n3A_904 = arith.select %eq3A_899, %broadcast_in_dim3A_901, %broadcast_in_dim3A_903 : vector<16xi1>, vector<16xf32>
      %add3A_905 = arith.addf %add3A_875, %get3A_896 : vector<16xf32>
      %add3A_906 = arith.addf %add3A_905, %select_n3A_904 : vector<16xf32>
      %swap3A_907 = arith.index_cast %shift_right_logical3A_700 : i32 to index
      %swap3A_908 = arith.index_cast %mul3A_704 : i32 to index
      %swap3A_909 = tpu.vector_load %arg12[%swap3A_907, %swap3A_908] {strides = array<i32>} : memref<32x32xf32, #tpu.memory_space<vmem>>, vector<16xf32>,
      tpu.vector_store %arg12[%swap3A_907, %swap3A_908], %add3A_906 {strides = array<i32>} : memref<32x32xf32, #tpu.memory_space<vmem>>, vector<16xf32>,
      %add3A_910 = arith.constant 4 : i32
      %add3A_911 = arith.addi %add3A_680, %add3A_910 : i32
      %lt3A_912 = arith.constant 64 : i32
      %lt3A_913 = arith.cmpi slt, %add3A_911, %lt3A_912 : i32
      %convert_element_type3A_914 = arith.extui %lt3A_913 : i1 to i32
      %cond3A_915 = arith.constant 0 : i32
      %cond3A_916 = arith.cmpi ne, %convert_element_type3A_914, %cond3A_915 : i32
      scf.if %cond3A_916 {
        %add3A_1157 = arith.constant 4 : i32
        %add3A_1158 = arith.addi %add3A_680, %add3A_1157 : i32
        %shift_right_logical3A_1159 = arith.constant 1 : i32
        %shift_right_logical3A_1160 = arith.shrui %add3A_1158, %shift_right_logical3A_1159 : i32
        %and3A_1161 = arith.constant 1 : i32
        %and3A_1162 = arith.andi %add3A_1158, %and3A_1161 : i32
        %mul3A_1163 = arith.constant 16 : i32
        %mul3A_1164 = arith.muli %and3A_1162, %mul3A_1163 : i32
        %get3A_1165 = arith.index_cast %shift_right_logical3A_1160 : i32 to index
        %get3A_1166 = arith.index_cast %mul3A_1164 : i32 to index
        %get3A_1167 = tpu.vector_load %arg7[%get3A_1165, %get3A_1166] {strides = array<i32>} : memref<32x32xi32, #tpu.memory_space<vmem>>, vector<16xi32>,
        %shift_right_logical3A_1168 = arith.constant 1 : i32
        %shift_right_logical3A_1169 = arith.shrui %add3A_1158, %shift_right_logical3A_1168 : i32
        %and3A_1170 = arith.constant 1 : i32
        %and3A_1171 = arith.andi %add3A_1158, %and3A_1170 : i32
        %mul3A_1172 = arith.constant 16 : i32
        %mul3A_1173 = arith.muli %and3A_1171, %mul3A_1172 : i32
        %dma_start3A_1174 = arith.constant 2 : i32
        %dma_start3A_1175 = arith.constant 0 : i32
        %dma_start3A_1176 = arith.constant 0 : i32
        %dma_start3A_1177 = tpu.memref_slice %arg9[%dma_start3A_1174, %dma_start3A_1175, %dma_start3A_1176] : memref<4x16x1024xf32, #tpu.memory_space<vmem>> -> memref<1x8x1024xf32, #tpu.memory_space<vmem>>
        %dma_start3A_1178 = tpu.memref_squeeze %dma_start3A_1177 : memref<1x8x1024xf32, #tpu.memory_space<vmem>> -> memref<8x1024xf32, #tpu.memory_space<vmem>>
        %dma_start3A_1179 = tpu.memref_slice %arg7[%shift_right_logical3A_1169, %mul3A_1173] : memref<32x32xi32, #tpu.memory_space<vmem>> -> memref<1x8xi32, #tpu.memory_space<vmem>>
        %dma_start3A_1180 = tpu.memref_squeeze %dma_start3A_1179 : memref<1x8xi32, #tpu.memory_space<vmem>> -> memref<8xi32, #tpu.memory_space<vmem>>
        %dma_start3A_1181 = arith.constant 0 : i32
        %dma_start3A_1182 = arith.constant 0 : i32
        %dma_start3A_1183 = tpu.memref_slice %arg4[%dma_start3A_1181, %dma_start3A_1182] : memref<100000x1024xf32, #tpu.memory_space<hbm>> -> memref<100000x1024xf32, #tpu.memory_space<hbm>>
        tpu.enqueue_indirect_dma source(%dma_start3A_1183 : memref<100000x1024xf32, #tpu.memory_space<hbm>>) target(%dma_start3A_1178 : memref<8x1024xf32, #tpu.memory_space<vmem>>) offsets(%dma_start3A_1180 : memref<8xi32, #tpu.memory_space<vmem>>) semaphore(%arg16 : memref<!tpu.dma_semaphore, #tpu.memory_space<semaphore_mem>>)
        %add3A_1184 = arith.constant 8 : i32
        %add3A_1185 = arith.addi %mul3A_1173, %add3A_1184 : i32
        %dma_start3A_1186 = arith.constant 2 : i32
        %dma_start3A_1187 = arith.constant 8 : i32
        %dma_start3A_1188 = arith.constant 0 : i32
        %dma_start3A_1189 = tpu.memref_slice %arg9[%dma_start3A_1186, %dma_start3A_1187, %dma_start3A_1188] : memref<4x16x1024xf32, #tpu.memory_space<vmem>> -> memref<1x8x1024xf32, #tpu.memory_space<vmem>>
        %dma_start3A_1190 = tpu.memref_squeeze %dma_start3A_1189 : memref<1x8x1024xf32, #tpu.memory_space<vmem>> -> memref<8x1024xf32, #tpu.memory_space<vmem>>
        %dma_start3A_1191 = tpu.memref_slice %arg7[%shift_right_logical3A_1169, %add3A_1185] : memref<32x32xi32, #tpu.memory_space<vmem>> -> memref<1x8xi32, #tpu.memory_space<vmem>>
        %dma_start3A_1192 = tpu.memref_squeeze %dma_start3A_1191 : memref<1x8xi32, #tpu.memory_space<vmem>> -> memref<8xi32, #tpu.memory_space<vmem>>
        %dma_start3A_1193 = arith.constant 0 : i32
        %dma_start3A_1194 = arith.constant 0 : i32
        %dma_start3A_1195 = tpu.memref_slice %arg4[%dma_start3A_1193, %dma_start3A_1194] : memref<100000x1024xf32, #tpu.memory_space<hbm>> -> memref<100000x1024xf32, #tpu.memory_space<hbm>>
        tpu.enqueue_indirect_dma source(%dma_start3A_1195 : memref<100000x1024xf32, #tpu.memory_space<hbm>>) target(%dma_start3A_1190 : memref<8x1024xf32, #tpu.memory_space<vmem>>) offsets(%dma_start3A_1192 : memref<8xi32, #tpu.memory_space<vmem>>) semaphore(%arg20 : memref<!tpu.dma_semaphore, #tpu.memory_space<semaphore_mem>>)
        %dma_start3A_1196 = arith.constant 2 : i32
        %dma_start3A_1197 = arith.constant 0 : i32
        %dma_start3A_1198 = tpu.memref_slice %arg10[%dma_start3A_1196, %dma_start3A_1197] : memref<4x16xf32, #tpu.memory_space<vmem>> -> memref<1x16xf32, #tpu.memory_space<vmem>>
        %dma_start3A_1199 = tpu.memref_squeeze %dma_start3A_1198 : memref<1x16xf32, #tpu.memory_space<vmem>> -> memref<16xf32, #tpu.memory_space<vmem>>
        %dma_start3A_1200 = arith.constant 0 : i32
        %dma_start3A_1201 = tpu.memref_slice %arg11[%dma_start3A_1200] : memref<100000xf32, #tpu.memory_space<vmem_shared>> -> memref<100000xf32, #tpu.memory_space<vmem_shared>>
        tpu.enqueue_indirect_dma source(%dma_start3A_1201 : memref<100000xf32, #tpu.memory_space<vmem_shared>>) target(%dma_start3A_1199 : memref<16xf32, #tpu.memory_space<vmem>>) offsets(%get3A_1167 : vector<16xi32>) semaphore(%arg24 : memref<!tpu.dma_semaphore, #tpu.memory_space<semaphore_mem>>)
      } else {
      }
      %mul3A_917 = arith.constant 4 : i32
      %mul3A_918 = arith.muli %scan3A_201, %mul3A_917 : i32
      %add3A_919 = arith.constant 3 : i32
      %add3A_920 = arith.addi %mul3A_918, %add3A_919 : i32
      %broadcast_in_dim3A_921 = arith.constant 0 : i32
      %broadcast_in_dim3A_922 = vector.broadcast %broadcast_in_dim3A_921 : i32 to vector<8xi32>
      %dma_wait3A_923 = arith.constant 3 : i32
      %dma_wait3A_924 = arith.constant 0 : i32
      %dma_wait3A_925 = arith.constant 0 : i32
      %dma_wait3A_926 = tpu.memref_slice %arg9[%dma_wait3A_923, %dma_wait3A_924, %dma_wait3A_925] : memref<4x16x1024xf32, #tpu.memory_space<vmem>> -> memref<1x8x1024xf32, #tpu.memory_space<vmem>>
      %dma_wait3A_927 = tpu.memref_squeeze %dma_wait3A_926 : memref<1x8x1024xf32, #tpu.memory_space<vmem>> -> memref<8x1024xf32, #tpu.memory_space<vmem>>
      %dma_wait3A_928 = arith.constant 0 : i32
      %dma_wait3A_929 = arith.constant 0 : i32
      %dma_wait3A_930 = tpu.memref_slice %arg4[%dma_wait3A_928, %dma_wait3A_929] : memref<100000x1024xf32, #tpu.memory_space<hbm>> -> memref<100000x1024xf32, #tpu.memory_space<hbm>>
      tpu.wait_indirect_dma semaphore(%arg17 : memref<!tpu.dma_semaphore, #tpu.memory_space<semaphore_mem>>) src(%dma_wait3A_930 : memref<100000x1024xf32, #tpu.memory_space<hbm>>) dst(%dma_wait3A_927 : memref<8x1024xf32, #tpu.memory_space<vmem>>)
      %dma_wait3A_931 = arith.constant 3 : i32
      %dma_wait3A_932 = arith.constant 8 : i32
      %dma_wait3A_933 = arith.constant 0 : i32
      %dma_wait3A_934 = tpu.memref_slice %arg9[%dma_wait3A_931, %dma_wait3A_932, %dma_wait3A_933] : memref<4x16x1024xf32, #tpu.memory_space<vmem>> -> memref<1x8x1024xf32, #tpu.memory_space<vmem>>
      %dma_wait3A_935 = tpu.memref_squeeze %dma_wait3A_934 : memref<1x8x1024xf32, #tpu.memory_space<vmem>> -> memref<8x1024xf32, #tpu.memory_space<vmem>>
      %dma_wait3A_936 = arith.constant 0 : i32
      %dma_wait3A_937 = arith.constant 0 : i32
      %dma_wait3A_938 = tpu.memref_slice %arg4[%dma_wait3A_936, %dma_wait3A_937] : memref<100000x1024xf32, #tpu.memory_space<hbm>> -> memref<100000x1024xf32, #tpu.memory_space<hbm>>
      tpu.wait_indirect_dma semaphore(%arg21 : memref<!tpu.dma_semaphore, #tpu.memory_space<semaphore_mem>>) src(%dma_wait3A_938 : memref<100000x1024xf32, #tpu.memory_space<hbm>>) dst(%dma_wait3A_935 : memref<8x1024xf32, #tpu.memory_space<vmem>>)
      %shift_right_logical3A_939 = arith.constant 1 : i32
      %shift_right_logical3A_940 = arith.shrui %add3A_920, %shift_right_logical3A_939 : i32
      %and3A_941 = arith.constant 1 : i32
      %and3A_942 = arith.andi %add3A_920, %and3A_941 : i32
      %mul3A_943 = arith.constant 16 : i32
      %mul3A_944 = arith.muli %and3A_942, %mul3A_943 : i32
      %broadcast_in_dim3A_945 = arith.constant 0.000000e+00 : f32
      %broadcast_in_dim3A_946 = vector.broadcast %broadcast_in_dim3A_945 : f32 to vector<16xf32>
      %broadcast_in_dim3A_947 = arith.constant 0.000000e+00 : f32
      %broadcast_in_dim3A_948 = vector.broadcast %broadcast_in_dim3A_947 : f32 to vector<16xf32>
      %broadcast_in_dim3A_949 = arith.constant 0.000000e+00 : f32
      %broadcast_in_dim3A_950 = vector.broadcast %broadcast_in_dim3A_949 : f32 to vector<16xf32>
      %broadcast_in_dim3A_951 = arith.constant 0.000000e+00 : f32
      %broadcast_in_dim3A_952 = vector.broadcast %broadcast_in_dim3A_951 : f32 to vector<16xf32>
      %broadcast_in_dim3A_953 = arith.constant 0.000000e+00 : f32
      %broadcast_in_dim3A_954 = vector.broadcast %broadcast_in_dim3A_953 : f32 to vector<16xf32>
      %broadcast_in_dim3A_955 = arith.constant 0.000000e+00 : f32
      %broadcast_in_dim3A_956 = vector.broadcast %broadcast_in_dim3A_955 : f32 to vector<16xf32>
      %broadcast_in_dim3A_957 = arith.constant 0.000000e+00 : f32
      %broadcast_in_dim3A_958 = vector.broadcast %broadcast_in_dim3A_957 : f32 to vector<16xf32>
      %broadcast_in_dim3A_959 = arith.constant 0.000000e+00 : f32
      %broadcast_in_dim3A_960 = vector.broadcast %broadcast_in_dim3A_959 : f32 to vector<16xf32>
      %scan3A_961 = arith.constant 0 : i32
      %scan3A_962 = arith.constant 64 : i32
      %scan3A_963 = arith.addi %scan3A_961, %scan3A_962 : i32
      %scan3A_964 = arith.constant 1 : i32
      %scan3A_965:8 = scf.for %scan3A_1157 = %scan3A_961 to %scan3A_963 step %scan3A_964 iter_args(%scan3A_1158 = %broadcast_in_dim3A_946, %scan3A_1159 = %broadcast_in_dim3A_948, %scan3A_1160 = %broadcast_in_dim3A_950, %scan3A_1161 = %broadcast_in_dim3A_952, %scan3A_1162 = %broadcast_in_dim3A_954, %scan3A_1163 = %broadcast_in_dim3A_956, %scan3A_1164 = %broadcast_in_dim3A_958, %scan3A_1165 = %broadcast_in_dim3A_960) -> (vector<16xf32>, vector<16xf32>, vector<16xf32>, vector<16xf32>, vector<16xf32>, vector<16xf32>, vector<16xf32>, vector<16xf32>)  : i32 {
        %mul3A_1166 = arith.constant 16 : i32
        %mul3A_1167 = arith.muli %scan3A_1157, %mul3A_1166 : i32
        %multiple_of3A_1168 = tpu.assume_multiple %mul3A_1167, 16 : i32
        %get3A_1169 = arith.index_cast %shift_right_logical3A_940 : i32 to index
        %get3A_1170 = arith.index_cast %multiple_of3A_1168 : i32 to index
        %get3A_1171 = tpu.vector_load %arg8[%get3A_1169, %get3A_1170] {strides = array<i32>} : memref<32x1024xf32, #tpu.memory_space<vmem>>, vector<16xf32>,
        %get3A_1172 = arith.constant 3 : i32
        %get3A_1173 = arith.constant 0 : i32
        %get3A_1174 = arith.index_cast %get3A_1172 : i32 to index
        %get3A_1175 = arith.index_cast %get3A_1173 : i32 to index
        %get3A_1176 = arith.index_cast %multiple_of3A_1168 : i32 to index
        %get3A_1177 = tpu.vector_load %arg9[%get3A_1174, %get3A_1175, %get3A_1176] {strides = array<i32>} : memref<4x16x1024xf32, #tpu.memory_space<vmem>>, vector<16xf32>,
        %mul3A_1178 = arith.mulf %get3A_1177, %get3A_1171 : vector<16xf32>
        %add3A_1179 = arith.addf %scan3A_1158, %mul3A_1178 : vector<16xf32>
        %get3A_1180 = arith.constant 3 : i32
        %get3A_1181 = arith.constant 1 : i32
        %get3A_1182 = arith.index_cast %get3A_1180 : i32 to index
        %get3A_1183 = arith.index_cast %get3A_1181 : i32 to index
        %get3A_1184 = arith.index_cast %multiple_of3A_1168 : i32 to index
        %get3A_1185 = tpu.vector_load %arg9[%get3A_1182, %get3A_1183, %get3A_1184] {strides = array<i32>} : memref<4x16x1024xf32, #tpu.memory_space<vmem>>, vector<16xf32>,
        %mul3A_1186 = arith.mulf %get3A_1185, %get3A_1171 : vector<16xf32>
        %add3A_1187 = arith.addf %scan3A_1159, %mul3A_1186 : vector<16xf32>
        %get3A_1188 = arith.constant 3 : i32
        %get3A_1189 = arith.constant 2 : i32
        %get3A_1190 = arith.index_cast %get3A_1188 : i32 to index
        %get3A_1191 = arith.index_cast %get3A_1189 : i32 to index
        %get3A_1192 = arith.index_cast %multiple_of3A_1168 : i32 to index
        %get3A_1193 = tpu.vector_load %arg9[%get3A_1190, %get3A_1191, %get3A_1192] {strides = array<i32>} : memref<4x16x1024xf32, #tpu.memory_space<vmem>>, vector<16xf32>,
        %mul3A_1194 = arith.mulf %get3A_1193, %get3A_1171 : vector<16xf32>
        %add3A_1195 = arith.addf %scan3A_1160, %mul3A_1194 : vector<16xf32>
        %get3A_1196 = arith.constant 3 : i32
        %get3A_1197 = arith.constant 3 : i32
        %get3A_1198 = arith.index_cast %get3A_1196 : i32 to index
        %get3A_1199 = arith.index_cast %get3A_1197 : i32 to index
        %get3A_1200 = arith.index_cast %multiple_of3A_1168 : i32 to index
        %get3A_1201 = tpu.vector_load %arg9[%get3A_1198, %get3A_1199, %get3A_1200] {strides = array<i32>} : memref<4x16x1024xf32, #tpu.memory_space<vmem>>, vector<16xf32>,
        %mul3A_1202 = arith.mulf %get3A_1201, %get3A_1171 : vector<16xf32>
        %add3A_1203 = arith.addf %scan3A_1161, %mul3A_1202 : vector<16xf32>
        %get3A_1204 = arith.constant 3 : i32
        %get3A_1205 = arith.constant 4 : i32
        %get3A_1206 = arith.index_cast %get3A_1204 : i32 to index
        %get3A_1207 = arith.index_cast %get3A_1205 : i32 to index
        %get3A_1208 = arith.index_cast %multiple_of3A_1168 : i32 to index
        %get3A_1209 = tpu.vector_load %arg9[%get3A_1206, %get3A_1207, %get3A_1208] {strides = array<i32>} : memref<4x16x1024xf32, #tpu.memory_space<vmem>>, vector<16xf32>,
        %mul3A_1210 = arith.mulf %get3A_1209, %get3A_1171 : vector<16xf32>
        %add3A_1211 = arith.addf %scan3A_1162, %mul3A_1210 : vector<16xf32>
        %get3A_1212 = arith.constant 3 : i32
        %get3A_1213 = arith.constant 5 : i32
        %get3A_1214 = arith.index_cast %get3A_1212 : i32 to index
        %get3A_1215 = arith.index_cast %get3A_1213 : i32 to index
        %get3A_1216 = arith.index_cast %multiple_of3A_1168 : i32 to index
        %get3A_1217 = tpu.vector_load %arg9[%get3A_1214, %get3A_1215, %get3A_1216] {strides = array<i32>} : memref<4x16x1024xf32, #tpu.memory_space<vmem>>, vector<16xf32>,
        %mul3A_1218 = arith.mulf %get3A_1217, %get3A_1171 : vector<16xf32>
        %add3A_1219 = arith.addf %scan3A_1163, %mul3A_1218 : vector<16xf32>
        %get3A_1220 = arith.constant 3 : i32
        %get3A_1221 = arith.constant 6 : i32
        %get3A_1222 = arith.index_cast %get3A_1220 : i32 to index
        %get3A_1223 = arith.index_cast %get3A_1221 : i32 to index
        %get3A_1224 = arith.index_cast %multiple_of3A_1168 : i32 to index
        %get3A_1225 = tpu.vector_load %arg9[%get3A_1222, %get3A_1223, %get3A_1224] {strides = array<i32>} : memref<4x16x1024xf32, #tpu.memory_space<vmem>>, vector<16xf32>,
        %mul3A_1226 = arith.mulf %get3A_1225, %get3A_1171 : vector<16xf32>
        %add3A_1227 = arith.addf %scan3A_1164, %mul3A_1226 : vector<16xf32>
        %get3A_1228 = arith.constant 3 : i32
        %get3A_1229 = arith.constant 7 : i32
        %get3A_1230 = arith.index_cast %get3A_1228 : i32 to index
        %get3A_1231 = arith.index_cast %get3A_1229 : i32 to index
        %get3A_1232 = arith.index_cast %multiple_of3A_1168 : i32 to index
        %get3A_1233 = tpu.vector_load %arg9[%get3A_1230, %get3A_1231, %get3A_1232] {strides = array<i32>} : memref<4x16x1024xf32, #tpu.memory_space<vmem>>, vector<16xf32>,
        %mul3A_1234 = arith.mulf %get3A_1233, %get3A_1171 : vector<16xf32>
        %add3A_1235 = arith.addf %scan3A_1165, %mul3A_1234 : vector<16xf32>
        scf.yield %add3A_1179, %add3A_1187, %add3A_1195, %add3A_1203, %add3A_1211, %add3A_1219, %add3A_1227, %add3A_1235 : vector<16xf32>, vector<16xf32>, vector<16xf32>, vector<16xf32>, vector<16xf32>, vector<16xf32>, vector<16xf32>, vector<16xf32>
      }
      %scan3A_966 = arith.constant 64 : i32
      %broadcast_in_dim3A_967 = arith.constant 0.000000e+00 : f32
      %broadcast_in_dim3A_968 = vector.broadcast %broadcast_in_dim3A_967 : f32 to vector<16xf32>
      %broadcast_in_dim3A_969 = arith.constant 0.000000e+00 : f32
      %broadcast_in_dim3A_970 = vector.broadcast %broadcast_in_dim3A_969 : f32 to vector<16xf32>
      %broadcast_in_dim3A_971 = arith.constant 0.000000e+00 : f32
      %broadcast_in_dim3A_972 = vector.broadcast %broadcast_in_dim3A_971 : f32 to vector<16xf32>
      %broadcast_in_dim3A_973 = arith.constant 0.000000e+00 : f32
      %broadcast_in_dim3A_974 = vector.broadcast %broadcast_in_dim3A_973 : f32 to vector<16xf32>
      %broadcast_in_dim3A_975 = arith.constant 0.000000e+00 : f32
      %broadcast_in_dim3A_976 = vector.broadcast %broadcast_in_dim3A_975 : f32 to vector<16xf32>
      %broadcast_in_dim3A_977 = arith.constant 0.000000e+00 : f32
      %broadcast_in_dim3A_978 = vector.broadcast %broadcast_in_dim3A_977 : f32 to vector<16xf32>
      %broadcast_in_dim3A_979 = arith.constant 0.000000e+00 : f32
      %broadcast_in_dim3A_980 = vector.broadcast %broadcast_in_dim3A_979 : f32 to vector<16xf32>
      %broadcast_in_dim3A_981 = arith.constant 0.000000e+00 : f32
      %broadcast_in_dim3A_982 = vector.broadcast %broadcast_in_dim3A_981 : f32 to vector<16xf32>
      %scan3A_983 = arith.constant 0 : i32
      %scan3A_984 = arith.constant 64 : i32
      %scan3A_985 = arith.addi %scan3A_983, %scan3A_984 : i32
      %scan3A_986 = arith.constant 1 : i32
      %scan3A_987:8 = scf.for %scan3A_1157 = %scan3A_983 to %scan3A_985 step %scan3A_986 iter_args(%scan3A_1158 = %broadcast_in_dim3A_968, %scan3A_1159 = %broadcast_in_dim3A_970, %scan3A_1160 = %broadcast_in_dim3A_972, %scan3A_1161 = %broadcast_in_dim3A_974, %scan3A_1162 = %broadcast_in_dim3A_976, %scan3A_1163 = %broadcast_in_dim3A_978, %scan3A_1164 = %broadcast_in_dim3A_980, %scan3A_1165 = %broadcast_in_dim3A_982) -> (vector<16xf32>, vector<16xf32>, vector<16xf32>, vector<16xf32>, vector<16xf32>, vector<16xf32>, vector<16xf32>, vector<16xf32>)  : i32 {
        %mul3A_1166 = arith.constant 16 : i32
        %mul3A_1167 = arith.muli %scan3A_1157, %mul3A_1166 : i32
        %multiple_of3A_1168 = tpu.assume_multiple %mul3A_1167, 16 : i32
        %get3A_1169 = arith.index_cast %shift_right_logical3A_940 : i32 to index
        %get3A_1170 = arith.index_cast %multiple_of3A_1168 : i32 to index
        %get3A_1171 = tpu.vector_load %arg8[%get3A_1169, %get3A_1170] {strides = array<i32>} : memref<32x1024xf32, #tpu.memory_space<vmem>>, vector<16xf32>,
        %get3A_1172 = arith.constant 3 : i32
        %get3A_1173 = arith.constant 8 : i32
        %get3A_1174 = arith.index_cast %get3A_1172 : i32 to index
        %get3A_1175 = arith.index_cast %get3A_1173 : i32 to index
        %get3A_1176 = arith.index_cast %multiple_of3A_1168 : i32 to index
        %get3A_1177 = tpu.vector_load %arg9[%get3A_1174, %get3A_1175, %get3A_1176] {strides = array<i32>} : memref<4x16x1024xf32, #tpu.memory_space<vmem>>, vector<16xf32>,
        %mul3A_1178 = arith.mulf %get3A_1177, %get3A_1171 : vector<16xf32>
        %add3A_1179 = arith.addf %scan3A_1158, %mul3A_1178 : vector<16xf32>
        %get3A_1180 = arith.constant 3 : i32
        %get3A_1181 = arith.constant 9 : i32
        %get3A_1182 = arith.index_cast %get3A_1180 : i32 to index
        %get3A_1183 = arith.index_cast %get3A_1181 : i32 to index
        %get3A_1184 = arith.index_cast %multiple_of3A_1168 : i32 to index
        %get3A_1185 = tpu.vector_load %arg9[%get3A_1182, %get3A_1183, %get3A_1184] {strides = array<i32>} : memref<4x16x1024xf32, #tpu.memory_space<vmem>>, vector<16xf32>,
        %mul3A_1186 = arith.mulf %get3A_1185, %get3A_1171 : vector<16xf32>
        %add3A_1187 = arith.addf %scan3A_1159, %mul3A_1186 : vector<16xf32>
        %get3A_1188 = arith.constant 3 : i32
        %get3A_1189 = arith.constant 10 : i32
        %get3A_1190 = arith.index_cast %get3A_1188 : i32 to index
        %get3A_1191 = arith.index_cast %get3A_1189 : i32 to index
        %get3A_1192 = arith.index_cast %multiple_of3A_1168 : i32 to index
        %get3A_1193 = tpu.vector_load %arg9[%get3A_1190, %get3A_1191, %get3A_1192] {strides = array<i32>} : memref<4x16x1024xf32, #tpu.memory_space<vmem>>, vector<16xf32>,
        %mul3A_1194 = arith.mulf %get3A_1193, %get3A_1171 : vector<16xf32>
        %add3A_1195 = arith.addf %scan3A_1160, %mul3A_1194 : vector<16xf32>
        %get3A_1196 = arith.constant 3 : i32
        %get3A_1197 = arith.constant 11 : i32
        %get3A_1198 = arith.index_cast %get3A_1196 : i32 to index
        %get3A_1199 = arith.index_cast %get3A_1197 : i32 to index
        %get3A_1200 = arith.index_cast %multiple_of3A_1168 : i32 to index
        %get3A_1201 = tpu.vector_load %arg9[%get3A_1198, %get3A_1199, %get3A_1200] {strides = array<i32>} : memref<4x16x1024xf32, #tpu.memory_space<vmem>>, vector<16xf32>,
        %mul3A_1202 = arith.mulf %get3A_1201, %get3A_1171 : vector<16xf32>
        %add3A_1203 = arith.addf %scan3A_1161, %mul3A_1202 : vector<16xf32>
        %get3A_1204 = arith.constant 3 : i32
        %get3A_1205 = arith.constant 12 : i32
        %get3A_1206 = arith.index_cast %get3A_1204 : i32 to index
        %get3A_1207 = arith.index_cast %get3A_1205 : i32 to index
        %get3A_1208 = arith.index_cast %multiple_of3A_1168 : i32 to index
        %get3A_1209 = tpu.vector_load %arg9[%get3A_1206, %get3A_1207, %get3A_1208] {strides = array<i32>} : memref<4x16x1024xf32, #tpu.memory_space<vmem>>, vector<16xf32>,
        %mul3A_1210 = arith.mulf %get3A_1209, %get3A_1171 : vector<16xf32>
        %add3A_1211 = arith.addf %scan3A_1162, %mul3A_1210 : vector<16xf32>
        %get3A_1212 = arith.constant 3 : i32
        %get3A_1213 = arith.constant 13 : i32
        %get3A_1214 = arith.index_cast %get3A_1212 : i32 to index
        %get3A_1215 = arith.index_cast %get3A_1213 : i32 to index
        %get3A_1216 = arith.index_cast %multiple_of3A_1168 : i32 to index
        %get3A_1217 = tpu.vector_load %arg9[%get3A_1214, %get3A_1215, %get3A_1216] {strides = array<i32>} : memref<4x16x1024xf32, #tpu.memory_space<vmem>>, vector<16xf32>,
        %mul3A_1218 = arith.mulf %get3A_1217, %get3A_1171 : vector<16xf32>
        %add3A_1219 = arith.addf %scan3A_1163, %mul3A_1218 : vector<16xf32>
        %get3A_1220 = arith.constant 3 : i32
        %get3A_1221 = arith.constant 14 : i32
        %get3A_1222 = arith.index_cast %get3A_1220 : i32 to index
        %get3A_1223 = arith.index_cast %get3A_1221 : i32 to index
        %get3A_1224 = arith.index_cast %multiple_of3A_1168 : i32 to index
        %get3A_1225 = tpu.vector_load %arg9[%get3A_1222, %get3A_1223, %get3A_1224] {strides = array<i32>} : memref<4x16x1024xf32, #tpu.memory_space<vmem>>, vector<16xf32>,
        %mul3A_1226 = arith.mulf %get3A_1225, %get3A_1171 : vector<16xf32>
        %add3A_1227 = arith.addf %scan3A_1164, %mul3A_1226 : vector<16xf32>
        %get3A_1228 = arith.constant 3 : i32
        %get3A_1229 = arith.constant 15 : i32
        %get3A_1230 = arith.index_cast %get3A_1228 : i32 to index
        %get3A_1231 = arith.index_cast %get3A_1229 : i32 to index
        %get3A_1232 = arith.index_cast %multiple_of3A_1168 : i32 to index
        %get3A_1233 = tpu.vector_load %arg9[%get3A_1230, %get3A_1231, %get3A_1232] {strides = array<i32>} : memref<4x16x1024xf32, #tpu.memory_space<vmem>>, vector<16xf32>,
        %mul3A_1234 = arith.mulf %get3A_1233, %get3A_1171 : vector<16xf32>
        %add3A_1235 = arith.addf %scan3A_1165, %mul3A_1234 : vector<16xf32>
        scf.yield %add3A_1179, %add3A_1187, %add3A_1195, %add3A_1203, %add3A_1211, %add3A_1219, %add3A_1227, %add3A_1235 : vector<16xf32>, vector<16xf32>, vector<16xf32>, vector<16xf32>, vector<16xf32>, vector<16xf32>, vector<16xf32>, vector<16xf32>
      }
      %scan3A_988 = arith.constant 64 : i32
      %swap3A_989 = arith.constant 0 : i32
      %swap3A_990 = arith.index_cast %swap3A_989 : i32 to index
      %swap3A_991 = arith.constant 0 : index
      %swap3A_992 = tpu.vector_load %arg13[%swap3A_990, %swap3A_991] {strides = array<i32>} : memref<32x16xf32, #tpu.memory_space<vmem>>, vector<16xf32>,
      tpu.vector_store %arg13[%swap3A_990, %swap3A_991], %scan3A_965#0 {strides = array<i32>} : memref<32x16xf32, #tpu.memory_space<vmem>>, vector<16xf32>,
      %swap3A_993 = arith.constant 1 : i32
      %swap3A_994 = arith.index_cast %swap3A_993 : i32 to index
      %swap3A_995 = arith.constant 0 : index
      %swap3A_996 = tpu.vector_load %arg13[%swap3A_994, %swap3A_995] {strides = array<i32>} : memref<32x16xf32, #tpu.memory_space<vmem>>, vector<16xf32>,
      tpu.vector_store %arg13[%swap3A_994, %swap3A_995], %scan3A_965#1 {strides = array<i32>} : memref<32x16xf32, #tpu.memory_space<vmem>>, vector<16xf32>,
      %swap3A_997 = arith.constant 2 : i32
      %swap3A_998 = arith.index_cast %swap3A_997 : i32 to index
      %swap3A_999 = arith.constant 0 : index
      %swap3A_1000 = tpu.vector_load %arg13[%swap3A_998, %swap3A_999] {strides = array<i32>} : memref<32x16xf32, #tpu.memory_space<vmem>>, vector<16xf32>,
      tpu.vector_store %arg13[%swap3A_998, %swap3A_999], %scan3A_965#2 {strides = array<i32>} : memref<32x16xf32, #tpu.memory_space<vmem>>, vector<16xf32>,
      %swap3A_1001 = arith.constant 3 : i32
      %swap3A_1002 = arith.index_cast %swap3A_1001 : i32 to index
      %swap3A_1003 = arith.constant 0 : index
      %swap3A_1004 = tpu.vector_load %arg13[%swap3A_1002, %swap3A_1003] {strides = array<i32>} : memref<32x16xf32, #tpu.memory_space<vmem>>, vector<16xf32>,
      tpu.vector_store %arg13[%swap3A_1002, %swap3A_1003], %scan3A_965#3 {strides = array<i32>} : memref<32x16xf32, #tpu.memory_space<vmem>>, vector<16xf32>,
      %swap3A_1005 = arith.constant 4 : i32
      %swap3A_1006 = arith.index_cast %swap3A_1005 : i32 to index
      %swap3A_1007 = arith.constant 0 : index
      %swap3A_1008 = tpu.vector_load %arg13[%swap3A_1006, %swap3A_1007] {strides = array<i32>} : memref<32x16xf32, #tpu.memory_space<vmem>>, vector<16xf32>,
      tpu.vector_store %arg13[%swap3A_1006, %swap3A_1007], %scan3A_965#4 {strides = array<i32>} : memref<32x16xf32, #tpu.memory_space<vmem>>, vector<16xf32>,
      %swap3A_1009 = arith.constant 5 : i32
      %swap3A_1010 = arith.index_cast %swap3A_1009 : i32 to index
      %swap3A_1011 = arith.constant 0 : index
      %swap3A_1012 = tpu.vector_load %arg13[%swap3A_1010, %swap3A_1011] {strides = array<i32>} : memref<32x16xf32, #tpu.memory_space<vmem>>, vector<16xf32>,
      tpu.vector_store %arg13[%swap3A_1010, %swap3A_1011], %scan3A_965#5 {strides = array<i32>} : memref<32x16xf32, #tpu.memory_space<vmem>>, vector<16xf32>,
      %swap3A_1013 = arith.constant 6 : i32
      %swap3A_1014 = arith.index_cast %swap3A_1013 : i32 to index
      %swap3A_1015 = arith.constant 0 : index
      %swap3A_1016 = tpu.vector_load %arg13[%swap3A_1014, %swap3A_1015] {strides = array<i32>} : memref<32x16xf32, #tpu.memory_space<vmem>>, vector<16xf32>,
      tpu.vector_store %arg13[%swap3A_1014, %swap3A_1015], %scan3A_965#6 {strides = array<i32>} : memref<32x16xf32, #tpu.memory_space<vmem>>, vector<16xf32>,
      %swap3A_1017 = arith.constant 7 : i32
      %swap3A_1018 = arith.index_cast %swap3A_1017 : i32 to index
      %swap3A_1019 = arith.constant 0 : index
      %swap3A_1020 = tpu.vector_load %arg13[%swap3A_1018, %swap3A_1019] {strides = array<i32>} : memref<32x16xf32, #tpu.memory_space<vmem>>, vector<16xf32>,
      tpu.vector_store %arg13[%swap3A_1018, %swap3A_1019], %scan3A_965#7 {strides = array<i32>} : memref<32x16xf32, #tpu.memory_space<vmem>>, vector<16xf32>,
      %swap3A_1021 = arith.constant 8 : i32
      %swap3A_1022 = arith.index_cast %swap3A_1021 : i32 to index
      %swap3A_1023 = arith.constant 0 : index
      %swap3A_1024 = tpu.vector_load %arg13[%swap3A_1022, %swap3A_1023] {strides = array<i32>} : memref<32x16xf32, #tpu.memory_space<vmem>>, vector<16xf32>,
      tpu.vector_store %arg13[%swap3A_1022, %swap3A_1023], %scan3A_987#0 {strides = array<i32>} : memref<32x16xf32, #tpu.memory_space<vmem>>, vector<16xf32>,
      %swap3A_1025 = arith.constant 9 : i32
      %swap3A_1026 = arith.index_cast %swap3A_1025 : i32 to index
      %swap3A_1027 = arith.constant 0 : index
      %swap3A_1028 = tpu.vector_load %arg13[%swap3A_1026, %swap3A_1027] {strides = array<i32>} : memref<32x16xf32, #tpu.memory_space<vmem>>, vector<16xf32>,
      tpu.vector_store %arg13[%swap3A_1026, %swap3A_1027], %scan3A_987#1 {strides = array<i32>} : memref<32x16xf32, #tpu.memory_space<vmem>>, vector<16xf32>,
      %swap3A_1029 = arith.constant 10 : i32
      %swap3A_1030 = arith.index_cast %swap3A_1029 : i32 to index
      %swap3A_1031 = arith.constant 0 : index
      %swap3A_1032 = tpu.vector_load %arg13[%swap3A_1030, %swap3A_1031] {strides = array<i32>} : memref<32x16xf32, #tpu.memory_space<vmem>>, vector<16xf32>,
      tpu.vector_store %arg13[%swap3A_1030, %swap3A_1031], %scan3A_987#2 {strides = array<i32>} : memref<32x16xf32, #tpu.memory_space<vmem>>, vector<16xf32>,
      %swap3A_1033 = arith.constant 11 : i32
      %swap3A_1034 = arith.index_cast %swap3A_1033 : i32 to index
      %swap3A_1035 = arith.constant 0 : index
      %swap3A_1036 = tpu.vector_load %arg13[%swap3A_1034, %swap3A_1035] {strides = array<i32>} : memref<32x16xf32, #tpu.memory_space<vmem>>, vector<16xf32>,
      tpu.vector_store %arg13[%swap3A_1034, %swap3A_1035], %scan3A_987#3 {strides = array<i32>} : memref<32x16xf32, #tpu.memory_space<vmem>>, vector<16xf32>,
      %swap3A_1037 = arith.constant 12 : i32
      %swap3A_1038 = arith.index_cast %swap3A_1037 : i32 to index
      %swap3A_1039 = arith.constant 0 : index
      %swap3A_1040 = tpu.vector_load %arg13[%swap3A_1038, %swap3A_1039] {strides = array<i32>} : memref<32x16xf32, #tpu.memory_space<vmem>>, vector<16xf32>,
      tpu.vector_store %arg13[%swap3A_1038, %swap3A_1039], %scan3A_987#4 {strides = array<i32>} : memref<32x16xf32, #tpu.memory_space<vmem>>, vector<16xf32>,
      %swap3A_1041 = arith.constant 13 : i32
      %swap3A_1042 = arith.index_cast %swap3A_1041 : i32 to index
      %swap3A_1043 = arith.constant 0 : index
      %swap3A_1044 = tpu.vector_load %arg13[%swap3A_1042, %swap3A_1043] {strides = array<i32>} : memref<32x16xf32, #tpu.memory_space<vmem>>, vector<16xf32>,
      tpu.vector_store %arg13[%swap3A_1042, %swap3A_1043], %scan3A_987#5 {strides = array<i32>} : memref<32x16xf32, #tpu.memory_space<vmem>>, vector<16xf32>,
      %swap3A_1045 = arith.constant 14 : i32
      %swap3A_1046 = arith.index_cast %swap3A_1045 : i32 to index
      %swap3A_1047 = arith.constant 0 : index
      %swap3A_1048 = tpu.vector_load %arg13[%swap3A_1046, %swap3A_1047] {strides = array<i32>} : memref<32x16xf32, #tpu.memory_space<vmem>>, vector<16xf32>,
      tpu.vector_store %arg13[%swap3A_1046, %swap3A_1047], %scan3A_987#6 {strides = array<i32>} : memref<32x16xf32, #tpu.memory_space<vmem>>, vector<16xf32>,
      %swap3A_1049 = arith.constant 15 : i32
      %swap3A_1050 = arith.index_cast %swap3A_1049 : i32 to index
      %swap3A_1051 = arith.constant 0 : index
      %swap3A_1052 = tpu.vector_load %arg13[%swap3A_1050, %swap3A_1051] {strides = array<i32>} : memref<32x16xf32, #tpu.memory_space<vmem>>, vector<16xf32>,
      tpu.vector_store %arg13[%swap3A_1050, %swap3A_1051], %scan3A_987#7 {strides = array<i32>} : memref<32x16xf32, #tpu.memory_space<vmem>>, vector<16xf32>,
      %broadcast_in_dim3A_1053 = arith.constant 0 : i32
      %broadcast_in_dim3A_1054 = vector.broadcast %broadcast_in_dim3A_1053 : i32 to vector<16xi32>
      %gather3A_1055 = tpu.vector_load_idx %arg13[%iota3A, %broadcast_in_dim3A_1054] : memref<32x16xf32, #tpu.memory_space<vmem>>[vector<16xi32>, vector<16xi32>], vector<16xf32>,
      %broadcast_in_dim3A_1056 = arith.constant 1 : i32
      %broadcast_in_dim3A_1057 = vector.broadcast %broadcast_in_dim3A_1056 : i32 to vector<16xi32>
      %gather3A_1058 = tpu.vector_load_idx %arg13[%iota3A, %broadcast_in_dim3A_1057] : memref<32x16xf32, #tpu.memory_space<vmem>>[vector<16xi32>, vector<16xi32>], vector<16xf32>,
      %broadcast_in_dim3A_1059 = arith.constant 2 : i32
      %broadcast_in_dim3A_1060 = vector.broadcast %broadcast_in_dim3A_1059 : i32 to vector<16xi32>
      %gather3A_1061 = tpu.vector_load_idx %arg13[%iota3A, %broadcast_in_dim3A_1060] : memref<32x16xf32, #tpu.memory_space<vmem>>[vector<16xi32>, vector<16xi32>], vector<16xf32>,
      %broadcast_in_dim3A_1062 = arith.constant 3 : i32
      %broadcast_in_dim3A_1063 = vector.broadcast %broadcast_in_dim3A_1062 : i32 to vector<16xi32>
      %gather3A_1064 = tpu.vector_load_idx %arg13[%iota3A, %broadcast_in_dim3A_1063] : memref<32x16xf32, #tpu.memory_space<vmem>>[vector<16xi32>, vector<16xi32>], vector<16xf32>,
      %broadcast_in_dim3A_1065 = arith.constant 4 : i32
      %broadcast_in_dim3A_1066 = vector.broadcast %broadcast_in_dim3A_1065 : i32 to vector<16xi32>
      %gather3A_1067 = tpu.vector_load_idx %arg13[%iota3A, %broadcast_in_dim3A_1066] : memref<32x16xf32, #tpu.memory_space<vmem>>[vector<16xi32>, vector<16xi32>], vector<16xf32>,
      %broadcast_in_dim3A_1068 = arith.constant 5 : i32
      %broadcast_in_dim3A_1069 = vector.broadcast %broadcast_in_dim3A_1068 : i32 to vector<16xi32>
      %gather3A_1070 = tpu.vector_load_idx %arg13[%iota3A, %broadcast_in_dim3A_1069] : memref<32x16xf32, #tpu.memory_space<vmem>>[vector<16xi32>, vector<16xi32>], vector<16xf32>,
      %broadcast_in_dim3A_1071 = arith.constant 6 : i32
      %broadcast_in_dim3A_1072 = vector.broadcast %broadcast_in_dim3A_1071 : i32 to vector<16xi32>
      %gather3A_1073 = tpu.vector_load_idx %arg13[%iota3A, %broadcast_in_dim3A_1072] : memref<32x16xf32, #tpu.memory_space<vmem>>[vector<16xi32>, vector<16xi32>], vector<16xf32>,
      %broadcast_in_dim3A_1074 = arith.constant 7 : i32
      %broadcast_in_dim3A_1075 = vector.broadcast %broadcast_in_dim3A_1074 : i32 to vector<16xi32>
      %gather3A_1076 = tpu.vector_load_idx %arg13[%iota3A, %broadcast_in_dim3A_1075] : memref<32x16xf32, #tpu.memory_space<vmem>>[vector<16xi32>, vector<16xi32>], vector<16xf32>,
      %broadcast_in_dim3A_1077 = arith.constant 8 : i32
      %broadcast_in_dim3A_1078 = vector.broadcast %broadcast_in_dim3A_1077 : i32 to vector<16xi32>
      %gather3A_1079 = tpu.vector_load_idx %arg13[%iota3A, %broadcast_in_dim3A_1078] : memref<32x16xf32, #tpu.memory_space<vmem>>[vector<16xi32>, vector<16xi32>], vector<16xf32>,
      %broadcast_in_dim3A_1080 = arith.constant 9 : i32
      %broadcast_in_dim3A_1081 = vector.broadcast %broadcast_in_dim3A_1080 : i32 to vector<16xi32>
      %gather3A_1082 = tpu.vector_load_idx %arg13[%iota3A, %broadcast_in_dim3A_1081] : memref<32x16xf32, #tpu.memory_space<vmem>>[vector<16xi32>, vector<16xi32>], vector<16xf32>,
      %broadcast_in_dim3A_1083 = arith.constant 10 : i32
      %broadcast_in_dim3A_1084 = vector.broadcast %broadcast_in_dim3A_1083 : i32 to vector<16xi32>
      %gather3A_1085 = tpu.vector_load_idx %arg13[%iota3A, %broadcast_in_dim3A_1084] : memref<32x16xf32, #tpu.memory_space<vmem>>[vector<16xi32>, vector<16xi32>], vector<16xf32>,
      %broadcast_in_dim3A_1086 = arith.constant 11 : i32
      %broadcast_in_dim3A_1087 = vector.broadcast %broadcast_in_dim3A_1086 : i32 to vector<16xi32>
      %gather3A_1088 = tpu.vector_load_idx %arg13[%iota3A, %broadcast_in_dim3A_1087] : memref<32x16xf32, #tpu.memory_space<vmem>>[vector<16xi32>, vector<16xi32>], vector<16xf32>,
      %broadcast_in_dim3A_1089 = arith.constant 12 : i32
      %broadcast_in_dim3A_1090 = vector.broadcast %broadcast_in_dim3A_1089 : i32 to vector<16xi32>
      %gather3A_1091 = tpu.vector_load_idx %arg13[%iota3A, %broadcast_in_dim3A_1090] : memref<32x16xf32, #tpu.memory_space<vmem>>[vector<16xi32>, vector<16xi32>], vector<16xf32>,
      %broadcast_in_dim3A_1092 = arith.constant 13 : i32
      %broadcast_in_dim3A_1093 = vector.broadcast %broadcast_in_dim3A_1092 : i32 to vector<16xi32>
      %gather3A_1094 = tpu.vector_load_idx %arg13[%iota3A, %broadcast_in_dim3A_1093] : memref<32x16xf32, #tpu.memory_space<vmem>>[vector<16xi32>, vector<16xi32>], vector<16xf32>,
      %broadcast_in_dim3A_1095 = arith.constant 14 : i32
      %broadcast_in_dim3A_1096 = vector.broadcast %broadcast_in_dim3A_1095 : i32 to vector<16xi32>
      %gather3A_1097 = tpu.vector_load_idx %arg13[%iota3A, %broadcast_in_dim3A_1096] : memref<32x16xf32, #tpu.memory_space<vmem>>[vector<16xi32>, vector<16xi32>], vector<16xf32>,
      %broadcast_in_dim3A_1098 = arith.constant 15 : i32
      %broadcast_in_dim3A_1099 = vector.broadcast %broadcast_in_dim3A_1098 : i32 to vector<16xi32>
      %gather3A_1100 = tpu.vector_load_idx %arg13[%iota3A, %broadcast_in_dim3A_1099] : memref<32x16xf32, #tpu.memory_space<vmem>>[vector<16xi32>, vector<16xi32>], vector<16xf32>,
      %add3A_1101 = arith.addf %gather3A_1055, %gather3A_1058 : vector<16xf32>
      %add3A_1102 = arith.addf %gather3A_1061, %gather3A_1064 : vector<16xf32>
      %add3A_1103 = arith.addf %gather3A_1067, %gather3A_1070 : vector<16xf32>
      %add3A_1104 = arith.addf %gather3A_1073, %gather3A_1076 : vector<16xf32>
      %add3A_1105 = arith.addf %gather3A_1079, %gather3A_1082 : vector<16xf32>
      %add3A_1106 = arith.addf %gather3A_1085, %gather3A_1088 : vector<16xf32>
      %add3A_1107 = arith.addf %gather3A_1091, %gather3A_1094 : vector<16xf32>
      %add3A_1108 = arith.addf %gather3A_1097, %gather3A_1100 : vector<16xf32>
      %add3A_1109 = arith.addf %add3A_1101, %add3A_1102 : vector<16xf32>
      %add3A_1110 = arith.addf %add3A_1103, %add3A_1104 : vector<16xf32>
      %add3A_1111 = arith.addf %add3A_1105, %add3A_1106 : vector<16xf32>
      %add3A_1112 = arith.addf %add3A_1107, %add3A_1108 : vector<16xf32>
      %add3A_1113 = arith.addf %add3A_1109, %add3A_1110 : vector<16xf32>
      %add3A_1114 = arith.addf %add3A_1111, %add3A_1112 : vector<16xf32>
      %add3A_1115 = arith.addf %add3A_1113, %add3A_1114 : vector<16xf32>
      %shift_right_logical3A_1116 = arith.constant 1 : i32
      %shift_right_logical3A_1117 = arith.shrui %add3A_920, %shift_right_logical3A_1116 : i32
      %and3A_1118 = arith.constant 1 : i32
      %and3A_1119 = arith.andi %add3A_920, %and3A_1118 : i32
      %mul3A_1120 = arith.constant 16 : i32
      %mul3A_1121 = arith.muli %and3A_1119, %mul3A_1120 : i32
      %get3A_1122 = arith.index_cast %shift_right_logical3A_1117 : i32 to index
      %get3A_1123 = arith.index_cast %mul3A_1121 : i32 to index
      %get3A_1124 = tpu.vector_load %arg7[%get3A_1122, %get3A_1123] {strides = array<i32>} : memref<32x32xi32, #tpu.memory_space<vmem>>, vector<16xi32>,
      %broadcast_in_dim3A_1125 = arith.constant 0 : i32
      %broadcast_in_dim3A_1126 = vector.broadcast %broadcast_in_dim3A_1125 : i32 to vector<16xi32>
      %dma_wait3A_1127 = arith.constant 3 : i32
      %dma_wait3A_1128 = arith.constant 0 : i32
      %dma_wait3A_1129 = tpu.memref_slice %arg10[%dma_wait3A_1127, %dma_wait3A_1128] : memref<4x16xf32, #tpu.memory_space<vmem>> -> memref<1x16xf32, #tpu.memory_space<vmem>>
      %dma_wait3A_1130 = tpu.memref_squeeze %dma_wait3A_1129 : memref<1x16xf32, #tpu.memory_space<vmem>> -> memref<16xf32, #tpu.memory_space<vmem>>
      %dma_wait3A_1131 = arith.constant 0 : i32
      %dma_wait3A_1132 = tpu.memref_slice %arg11[%dma_wait3A_1131] : memref<100000xf32, #tpu.memory_space<vmem_shared>> -> memref<100000xf32, #tpu.memory_space<vmem_shared>>
      tpu.wait_indirect_dma semaphore(%arg25 : memref<!tpu.dma_semaphore, #tpu.memory_space<semaphore_mem>>) src(%dma_wait3A_1132 : memref<100000xf32, #tpu.memory_space<vmem_shared>>) dst(%dma_wait3A_1130 : memref<16xf32, #tpu.memory_space<vmem>>)
      %get3A_1133 = arith.constant 3 : i32
      %get3A_1134 = arith.index_cast %get3A_1133 : i32 to index
      %get3A_1135 = arith.constant 0 : index
      %get3A_1136 = tpu.vector_load %arg10[%get3A_1134, %get3A_1135] {strides = array<i32>} : memref<4x16xf32, #tpu.memory_space<vmem>>, vector<16xf32>,
      %eq3A_1137 = arith.constant 0 : i32
      %eq3A_1138 = vector.broadcast %eq3A_1137 : i32 to vector<16xi32>
      %eq3A_1139 = arith.cmpi eq, %get3A_1124, %eq3A_1138 : vector<16xi32>
      %broadcast_in_dim3A_1140 = arith.constant -1.000000e+04 : f32
      %broadcast_in_dim3A_1141 = vector.broadcast %broadcast_in_dim3A_1140 : f32 to vector<16xf32>
      %broadcast_in_dim3A_1142 = arith.constant 0.000000e+00 : f32
      %broadcast_in_dim3A_1143 = vector.broadcast %broadcast_in_dim3A_1142 : f32 to vector<16xf32>
      %select_n3A_1144 = arith.select %eq3A_1139, %broadcast_in_dim3A_1141, %broadcast_in_dim3A_1143 : vector<16xi1>, vector<16xf32>
      %add3A_1145 = arith.addf %add3A_1115, %get3A_1136 : vector<16xf32>
      %add3A_1146 = arith.addf %add3A_1145, %select_n3A_1144 : vector<16xf32>
      %swap3A_1147 = arith.index_cast %shift_right_logical3A_940 : i32 to index
      %swap3A_1148 = arith.index_cast %mul3A_944 : i32 to index
      %swap3A_1149 = tpu.vector_load %arg12[%swap3A_1147, %swap3A_1148] {strides = array<i32>} : memref<32x32xf32, #tpu.memory_space<vmem>>, vector<16xf32>,
      tpu.vector_store %arg12[%swap3A_1147, %swap3A_1148], %add3A_1146 {strides = array<i32>} : memref<32x32xf32, #tpu.memory_space<vmem>>, vector<16xf32>,
      %add3A_1150 = arith.constant 4 : i32
      %add3A_1151 = arith.addi %add3A_920, %add3A_1150 : i32
      %lt3A_1152 = arith.constant 64 : i32
      %lt3A_1153 = arith.cmpi slt, %add3A_1151, %lt3A_1152 : i32
      %convert_element_type3A_1154 = arith.extui %lt3A_1153 : i1 to i32
      %cond3A_1155 = arith.constant 0 : i32
      %cond3A_1156 = arith.cmpi ne, %convert_element_type3A_1154, %cond3A_1155 : i32
      scf.if %cond3A_1156 {
        %add3A_1157 = arith.constant 4 : i32
        %add3A_1158 = arith.addi %add3A_920, %add3A_1157 : i32
        %shift_right_logical3A_1159 = arith.constant 1 : i32
        %shift_right_logical3A_1160 = arith.shrui %add3A_1158, %shift_right_logical3A_1159 : i32
        %and3A_1161 = arith.constant 1 : i32
        %and3A_1162 = arith.andi %add3A_1158, %and3A_1161 : i32
        %mul3A_1163 = arith.constant 16 : i32
        %mul3A_1164 = arith.muli %and3A_1162, %mul3A_1163 : i32
        %get3A_1165 = arith.index_cast %shift_right_logical3A_1160 : i32 to index
        %get3A_1166 = arith.index_cast %mul3A_1164 : i32 to index
        %get3A_1167 = tpu.vector_load %arg7[%get3A_1165, %get3A_1166] {strides = array<i32>} : memref<32x32xi32, #tpu.memory_space<vmem>>, vector<16xi32>,
        %shift_right_logical3A_1168 = arith.constant 1 : i32
        %shift_right_logical3A_1169 = arith.shrui %add3A_1158, %shift_right_logical3A_1168 : i32
        %and3A_1170 = arith.constant 1 : i32
        %and3A_1171 = arith.andi %add3A_1158, %and3A_1170 : i32
        %mul3A_1172 = arith.constant 16 : i32
        %mul3A_1173 = arith.muli %and3A_1171, %mul3A_1172 : i32
        %dma_start3A_1174 = arith.constant 3 : i32
        %dma_start3A_1175 = arith.constant 0 : i32
        %dma_start3A_1176 = arith.constant 0 : i32
        %dma_start3A_1177 = tpu.memref_slice %arg9[%dma_start3A_1174, %dma_start3A_1175, %dma_start3A_1176] : memref<4x16x1024xf32, #tpu.memory_space<vmem>> -> memref<1x8x1024xf32, #tpu.memory_space<vmem>>
        %dma_start3A_1178 = tpu.memref_squeeze %dma_start3A_1177 : memref<1x8x1024xf32, #tpu.memory_space<vmem>> -> memref<8x1024xf32, #tpu.memory_space<vmem>>
        %dma_start3A_1179 = tpu.memref_slice %arg7[%shift_right_logical3A_1169, %mul3A_1173] : memref<32x32xi32, #tpu.memory_space<vmem>> -> memref<1x8xi32, #tpu.memory_space<vmem>>
        %dma_start3A_1180 = tpu.memref_squeeze %dma_start3A_1179 : memref<1x8xi32, #tpu.memory_space<vmem>> -> memref<8xi32, #tpu.memory_space<vmem>>
        %dma_start3A_1181 = arith.constant 0 : i32
        %dma_start3A_1182 = arith.constant 0 : i32
        %dma_start3A_1183 = tpu.memref_slice %arg4[%dma_start3A_1181, %dma_start3A_1182] : memref<100000x1024xf32, #tpu.memory_space<hbm>> -> memref<100000x1024xf32, #tpu.memory_space<hbm>>
        tpu.enqueue_indirect_dma source(%dma_start3A_1183 : memref<100000x1024xf32, #tpu.memory_space<hbm>>) target(%dma_start3A_1178 : memref<8x1024xf32, #tpu.memory_space<vmem>>) offsets(%dma_start3A_1180 : memref<8xi32, #tpu.memory_space<vmem>>) semaphore(%arg17 : memref<!tpu.dma_semaphore, #tpu.memory_space<semaphore_mem>>)
        %add3A_1184 = arith.constant 8 : i32
        %add3A_1185 = arith.addi %mul3A_1173, %add3A_1184 : i32
        %dma_start3A_1186 = arith.constant 3 : i32
        %dma_start3A_1187 = arith.constant 8 : i32
        %dma_start3A_1188 = arith.constant 0 : i32
        %dma_start3A_1189 = tpu.memref_slice %arg9[%dma_start3A_1186, %dma_start3A_1187, %dma_start3A_1188] : memref<4x16x1024xf32, #tpu.memory_space<vmem>> -> memref<1x8x1024xf32, #tpu.memory_space<vmem>>
        %dma_start3A_1190 = tpu.memref_squeeze %dma_start3A_1189 : memref<1x8x1024xf32, #tpu.memory_space<vmem>> -> memref<8x1024xf32, #tpu.memory_space<vmem>>
        %dma_start3A_1191 = tpu.memref_slice %arg7[%shift_right_logical3A_1169, %add3A_1185] : memref<32x32xi32, #tpu.memory_space<vmem>> -> memref<1x8xi32, #tpu.memory_space<vmem>>
        %dma_start3A_1192 = tpu.memref_squeeze %dma_start3A_1191 : memref<1x8xi32, #tpu.memory_space<vmem>> -> memref<8xi32, #tpu.memory_space<vmem>>
        %dma_start3A_1193 = arith.constant 0 : i32
        %dma_start3A_1194 = arith.constant 0 : i32
        %dma_start3A_1195 = tpu.memref_slice %arg4[%dma_start3A_1193, %dma_start3A_1194] : memref<100000x1024xf32, #tpu.memory_space<hbm>> -> memref<100000x1024xf32, #tpu.memory_space<hbm>>
        tpu.enqueue_indirect_dma source(%dma_start3A_1195 : memref<100000x1024xf32, #tpu.memory_space<hbm>>) target(%dma_start3A_1190 : memref<8x1024xf32, #tpu.memory_space<vmem>>) offsets(%dma_start3A_1192 : memref<8xi32, #tpu.memory_space<vmem>>) semaphore(%arg21 : memref<!tpu.dma_semaphore, #tpu.memory_space<semaphore_mem>>)
        %dma_start3A_1196 = arith.constant 3 : i32
        %dma_start3A_1197 = arith.constant 0 : i32
        %dma_start3A_1198 = tpu.memref_slice %arg10[%dma_start3A_1196, %dma_start3A_1197] : memref<4x16xf32, #tpu.memory_space<vmem>> -> memref<1x16xf32, #tpu.memory_space<vmem>>
        %dma_start3A_1199 = tpu.memref_squeeze %dma_start3A_1198 : memref<1x16xf32, #tpu.memory_space<vmem>> -> memref<16xf32, #tpu.memory_space<vmem>>
        %dma_start3A_1200 = arith.constant 0 : i32
        %dma_start3A_1201 = tpu.memref_slice %arg11[%dma_start3A_1200] : memref<100000xf32, #tpu.memory_space<vmem_shared>> -> memref<100000xf32, #tpu.memory_space<vmem_shared>>
        tpu.enqueue_indirect_dma source(%dma_start3A_1201 : memref<100000xf32, #tpu.memory_space<vmem_shared>>) target(%dma_start3A_1199 : memref<16xf32, #tpu.memory_space<vmem>>) offsets(%get3A_1167 : vector<16xi32>) semaphore(%arg25 : memref<!tpu.dma_semaphore, #tpu.memory_space<semaphore_mem>>)
      } else {
      }
    }
    %scan3A_200 = arith.constant 16 : i32
    "tpu.region"() ({
      %run_scoped3A = tpu.sem_alloc : memref<!tpu.dma_semaphore, #tpu.memory_space<semaphore_mem>>
      %dma_start3A_201 = arith.constant 0 : i32
      %dma_start3A_202 = tpu.memref_slice %arg6[%multiple_of3A, %dma_start3A_201] : memref<1024x32xf32, #tpu.memory_space<hbm>> -> memref<32x32xf32, #tpu.memory_space<hbm>>
      %dma_start3A_203 = arith.constant 0 : i32
      %dma_start3A_204 = tpu.memref_slice %arg6[%multiple_of3A, %dma_start3A_203] : memref<1024x32xf32, #tpu.memory_space<hbm>> -> memref<32x32xf32, #tpu.memory_space<hbm>>
      tpu.enqueue_dma source(%arg12 : memref<32x32xf32, #tpu.memory_space<vmem>>) target(%dma_start3A_204 : memref<32x32xf32, #tpu.memory_space<hbm>>) target_semaphore(%run_scoped3A : memref<!tpu.dma_semaphore, #tpu.memory_space<semaphore_mem>>)
      %dma_wait3A_205 = arith.constant 0 : i32
      %dma_wait3A_206 = tpu.memref_slice %arg6[%multiple_of3A, %dma_wait3A_205] : memref<1024x32xf32, #tpu.memory_space<hbm>> -> memref<32x32xf32, #tpu.memory_space<hbm>>
      %dma_wait3A_207 = arith.constant 0 : i32
      %dma_wait3A_208 = tpu.memref_slice %arg6[%multiple_of3A, %dma_wait3A_207] : memref<1024x32xf32, #tpu.memory_space<hbm>> -> memref<32x32xf32, #tpu.memory_space<hbm>>
      tpu.wait_dma2 semaphore(%run_scoped3A : memref<!tpu.dma_semaphore, #tpu.memory_space<semaphore_mem>>) src(%arg12 : memref<32x32xf32, #tpu.memory_space<vmem>>) dst(%dma_wait3A_208 : memref<32x32xf32, #tpu.memory_space<hbm>>)
      tpu.yield
    }) : () -> ()
    return
  }
}

module attributes {stable_mosaic.version = 14 : i64} {
  func.func @_transform_body(%arg0: i32, %arg1: memref<512x1024xf32, #tpu.memory_space<vmem>>, %arg2: memref<1024x1024xf32, #tpu.memory_space<vmem>>, %arg3: memref<1x1024xf32, #tpu.memory_space<vmem>>, %arg4: memref<1x1024xf32, #tpu.memory_space<vmem>>, %arg5: memref<1x1024xf32, #tpu.memory_space<vmem>>, %arg6: memref<512x1024xf32, #tpu.memory_space<vmem>>) attributes {dimension_semantics = [#tpu.dimension_semantics<arbitrary>], iteration_bounds = array<i64: 2>, scalar_prefetch = 0 : i64, scratch_operands = 0 : i64, tpu.core_type = #tpu.core_type<tc>, window_params = [{transform_indices = @transform_0, window_bounds = array<i64: 512, 1024>}, {pipeline_mode = #tpu.pipeline_mode<synchronous>, transform_indices = @transform_1, window_bounds = array<i64: 1024, 1024>}, {pipeline_mode = #tpu.pipeline_mode<synchronous>, transform_indices = @transform_2, window_bounds = array<i64: 1, 1024>}, {pipeline_mode = #tpu.pipeline_mode<synchronous>, transform_indices = @transform_3, window_bounds = array<i64: 1, 1024>}, {pipeline_mode = #tpu.pipeline_mode<synchronous>, transform_indices = @transform_4, window_bounds = array<i64: 1, 1024>}, {transform_indices = @transform_5, window_bounds = array<i64: 512, 1024>}]} {
    %get3A = arith.constant 0 : index
    %get3A_0 = arith.constant 0 : index
    %get3A_1 = vector.load %arg1[%get3A, %get3A_0] : memref<512x1024xf32, #tpu.memory_space<vmem>>, vector<512x1024xf32>
    %get3A_2 = arith.constant 0 : index
    %get3A_3 = arith.constant 0 : index
    %get3A_4 = vector.load %arg2[%get3A_2, %get3A_3] : memref<1024x1024xf32, #tpu.memory_space<vmem>>, vector<1024x1024xf32>
    %dot_general3A = arith.constant dense<0.000000e+00> : vector<512x1024xf32>
    %dot_general3A_5 = tpu.matmul %get3A_1, %get3A_4, %dot_general3A {dimension_numbers = #tpu.dot_dimension_numbers<[1], [1], [0], [0], [0, 0, 1, 0], [], []>, transpose_lhs_hint = false} : vector<512x1024xf32>, vector<1024x1024xf32>, vector<512x1024xf32> -> vector<512x1024xf32>
    %get3A_6 = arith.constant 0 : index
    %get3A_7 = arith.constant 0 : index
    %get3A_8 = vector.load %arg3[%get3A_6, %get3A_7] : memref<1x1024xf32, #tpu.memory_space<vmem>>, vector<1x1024xf32>
    %add3A = vector.broadcast %get3A_8 : vector<1x1024xf32> to vector<512x1024xf32>
    %add3A_9 = arith.addf %dot_general3A_5, %add3A : vector<512x1024xf32>
    %mul3A = arith.constant 5.000000e-01 : f32
    %mul3A_10 = vector.broadcast %mul3A : f32 to vector<512x1024xf32>
    %mul3A_11 = arith.mulf %mul3A_10, %add3A_9 : vector<512x1024xf32>
    %sqrt3A = arith.constant 2.000000e+00 : f32
    %sqrt3A_12 = math.sqrt %sqrt3A : f32
    %div3A = vector.broadcast %sqrt3A_12 : f32 to vector<512x1024xf32>
    %div3A_13 = arith.divf %add3A_9, %div3A : vector<512x1024xf32>
    %erf3A = math.erf %div3A_13 : vector<512x1024xf32>
    %add3A_14 = arith.constant 1.000000e+00 : f32
    %add3A_15 = vector.broadcast %add3A_14 : f32 to vector<512x1024xf32>
    %add3A_16 = arith.addf %add3A_15, %erf3A : vector<512x1024xf32>
    %mul3A_17 = arith.mulf %mul3A_11, %add3A_16 : vector<512x1024xf32>
    %reduce_sum3A = arith.constant dense<0.000000e+00> : vector<512xf32>
    %reduce_sum3A_18 = vector.multi_reduction <add>, %mul3A_17, %reduce_sum3A [1] : vector<512x1024xf32> to vector<512xf32>
    %broadcast_in_dim3A = vector.shape_cast %reduce_sum3A_18 : vector<512xf32> to vector<512x1xf32>
    %div3A_19 = arith.constant 1.024000e+03 : f32
    %div3A_20 = vector.broadcast %div3A_19 : f32 to vector<512x1xf32>
    %div3A_21 = arith.divf %broadcast_in_dim3A, %div3A_20 : vector<512x1xf32>
    %sub3A = vector.broadcast %div3A_21 : vector<512x1xf32> to vector<512x1024xf32>
    %sub3A_22 = arith.subf %mul3A_17, %sub3A : vector<512x1024xf32>
    %integer_pow3A = arith.mulf %sub3A_22, %sub3A_22 : vector<512x1024xf32>
    %reduce_sum3A_23 = arith.constant dense<0.000000e+00> : vector<512xf32>
    %reduce_sum3A_24 = vector.multi_reduction <add>, %integer_pow3A, %reduce_sum3A_23 [1] : vector<512x1024xf32> to vector<512xf32>
    %broadcast_in_dim3A_25 = vector.shape_cast %reduce_sum3A_24 : vector<512xf32> to vector<512x1xf32>
    %div3A_26 = arith.constant 1.024000e+03 : f32
    %div3A_27 = vector.broadcast %div3A_26 : f32 to vector<512x1xf32>
    %div3A_28 = arith.divf %broadcast_in_dim3A_25, %div3A_27 : vector<512x1xf32>
    %sub3A_29 = vector.broadcast %div3A_21 : vector<512x1xf32> to vector<512x1024xf32>
    %sub3A_30 = arith.subf %mul3A_17, %sub3A_29 : vector<512x1024xf32>
    %add3A_31 = arith.constant 9.99999996E-13 : f32
    %add3A_32 = vector.broadcast %add3A_31 : f32 to vector<512x1xf32>
    %add3A_33 = arith.addf %div3A_28, %add3A_32 : vector<512x1xf32>
    %sqrt3A_34 = math.sqrt %add3A_33 : vector<512x1xf32>
    %div3A_35 = vector.broadcast %sqrt3A_34 : vector<512x1xf32> to vector<512x1024xf32>
    %div3A_36 = arith.divf %sub3A_30, %div3A_35 : vector<512x1024xf32>
    %get3A_37 = arith.constant 0 : index
    %get3A_38 = arith.constant 0 : index
    %get3A_39 = vector.load %arg4[%get3A_37, %get3A_38] : memref<1x1024xf32, #tpu.memory_space<vmem>>, vector<1x1024xf32>
    %mul3A_40 = vector.broadcast %get3A_39 : vector<1x1024xf32> to vector<512x1024xf32>
    %mul3A_41 = arith.mulf %div3A_36, %mul3A_40 : vector<512x1024xf32>
    %get3A_42 = arith.constant 0 : index
    %get3A_43 = arith.constant 0 : index
    %get3A_44 = vector.load %arg5[%get3A_42, %get3A_43] : memref<1x1024xf32, #tpu.memory_space<vmem>>, vector<1x1024xf32>
    %add3A_45 = vector.broadcast %get3A_44 : vector<1x1024xf32> to vector<512x1024xf32>
    %add3A_46 = arith.addf %mul3A_41, %add3A_45 : vector<512x1024xf32>
    %swap3A = arith.constant 0 : index
    %swap3A_47 = arith.constant 0 : index
    %swap3A_48 = vector.load %arg6[%swap3A, %swap3A_47] : memref<512x1024xf32, #tpu.memory_space<vmem>>, vector<512x1024xf32>
    tpu.vector_store %arg6[%swap3A, %swap3A_47], %add3A_46 {strides = array<i32>} : memref<512x1024xf32, #tpu.memory_space<vmem>>, vector<512x1024xf32>,
    return
  }
  func.func @transform_0(%arg0: i32) -> (i32, i32) {
    %c0_i32 = arith.constant 0 : i32
    %c0_i32_0 = arith.constant 0 : i32
    return %arg0, %c0_i32 : i32, i32
  }
  func.func @transform_1(%arg0: i32) -> (i32, i32) {
    %c0_i32 = arith.constant 0 : i32
    %c0_i32_0 = arith.constant 0 : i32
    %c0_i32_1 = arith.constant 0 : i32
    return %c0_i32, %c0_i32_0 : i32, i32
  }
  func.func @transform_2(%arg0: i32) -> (i32, i32) {
    %c0_i32 = arith.constant 0 : i32
    %c0_i32_0 = arith.constant 0 : i32
    %c0_i32_1 = arith.constant 0 : i32
    return %c0_i32, %c0_i32_0 : i32, i32
  }
  func.func @transform_3(%arg0: i32) -> (i32, i32) {
    %c0_i32 = arith.constant 0 : i32
    %c0_i32_0 = arith.constant 0 : i32
    %c0_i32_1 = arith.constant 0 : i32
    return %c0_i32, %c0_i32_0 : i32, i32
  }
  func.func @transform_4(%arg0: i32) -> (i32, i32) {
    %c0_i32 = arith.constant 0 : i32
    %c0_i32_0 = arith.constant 0 : i32
    %c0_i32_1 = arith.constant 0 : i32
    return %c0_i32, %c0_i32_0 : i32, i32
  }
  func.func @transform_5(%arg0: i32) -> (i32, i32) {
    %c0_i32 = arith.constant 0 : i32
    %c0_i32_0 = arith.constant 0 : i32
    return %arg0, %c0_i32 : i32, i32
  }
}

</mosaic_0001>

<sc_bundles>
// kernel: kernel.4.cloned.1.call-start
scs
__scs_entry_jumppad:
0x0: {  	(pc) =	sbr.rel $0x88, $3  }
0x1: {  	(tag) =	ssettag $0x0;
	lr =	simm.s32 $0x1  }
0x2: {  	[smem:$0x3F99] =	sst lr;
	_ =	strace $0xD0000000  }
0x3: {  	_ = 	snop  }
0x4: {  	_ = 	snop  }
0x5: {  	_ = 	snop  }
0x6: {  	_ = 	snop  }
0x7: {  	_ = 	snop  }
__scs_overlays_trampoline_lowered:
0x8: {  	[smem:$0x3FA8] =	sst s0  }
0x9: {  	[smem:$0x3FA9] =	sst s1  }
0xa: {  	[smem:$0x3FAA] =	sst s2  }
0xb: {  	[smem:$0x3FAB] =	sst s3  }
0xc: {  	[smem:$0x3FAC] =	sst s4  }
0xd: {  	[smem:$0x3FAD] =	sst s5  }
0xe: {  	[smem:$0x3FAE] =	sst s6  }
0xf: {  	[smem:$0x3FAF] =	sst s7  }
0x10: {  	[smem:$0x3FB0] =	sst s8  }
0x11: {  	[smem:$0x3FB1] =	sst s9;
	s0 =	simm.s32 @!p0 $0x0  }
0x12: {  	s1 =	sld [smem:$0x3F97];
	s0 =	simm.s32 @p0 $0x1  }
0x13: {  	[smem:$0x3FB2] =	sst s0;
	s0 =	simm.s32 @!p1 $0x0  }
0x14: {  	s2 =	sld [smem:$0x3F96];
	s0 =	simm.s32 @p1 $0x1  }
0x15: {  	[smem:$0x3FB3] =	sst s0;
	s0 =	simm.s32 @!p2 $0x0  }
0x16: {  	s3 =	sld [smem:$0x3FDB];
	s0 =	simm.s32 @p2 $0x1  }
0x17: {  	s4 =	simm.s32 $0x1BF5;
	[smem:$0x3FB5] =	sst s0  }
0x18: {  	s0 =	sld [smem:$0x3F98];
	_ =	swait.ge [sflag:s4], $0x0  }
0x19: {  	s7 =	sld [smem:$0x3F99]  }
0x1a: {  	s8 =	sadd.s32 $0xFFFFE003, lr  }
0x1b: {  	s9 =	sadd.s32 $0xFFFFFEF7, lr;
	s5 =	simm.s32 $0xFFFFFFFF;
	p2 =	slt.u32 s8, $0xFFFFF086  }
0x1c: {  	p1 =	slt.u32 s9, $0xF7A;
	s5 =	simm.s32 @!p2 $0x0  }
0x1d: {  	s5 =	simm.s32 @p1 $0x1;
	p0 =	seq.s32 s7, s2  }
0x1e: {  	s7 =	smul.u32 @!p0 $0xF7A, s2;
	p2 =	seq.s32 @!p0 s5, $0x0  }
0x1f: {  	s9 =	smul.u32 $0xF7A, s1;
	s8 =	simm.s32 @!p0 $0x1BF5;
	p2 =	por !p2, p0  }
0x20: {  	[sflag:s8] =	ssyncset.s32 @!p0 $0xFFFFF086;
	s6 =	sadd.s32 @!p0 s3, s7;
	s7 =	simm.s32 @!p0 $0x108  }
0x21: {  	s3 =	sadd.s32 s3, s9;
	s6 =	sadd.s32 @!p0 $0x88, s6;
	s7 =	simm.s32 @p2 $0x1082  }
0x22: {  	[simem:s7], [sflag:s8] =	dma.local @!p0 [hbm:s6], $0xF7A  }
0x23: {  	s9 =	sor.u32 $0xD0000000, s2;
	s6 =	simm.s32 $0x108;
	_ =	swait.ge @!p0 [sflag:s8], $0x0  }
0x24: {  	s3 =	sadd.s32 $0x88, s3;
	s6 =	simm.s32 @!p1 $0x1082;
	[sflag:s4] =	ssyncset.s32 $0xFFFFF086  }
0x25: {  	[simem:s6], [sflag:s4] =	dma.local [hbm:s3], $0xF7A  }
0x26: {  	[smem:$0x3F99] =	sst s1;
	(tag) =	ssettag s2;
	_ =	strace s9  }
0x27: {  	s1 =	sld [smem:$0x3FA9]  }
0x28: {  	s2 =	sld [smem:$0x3FAA]  }
0x29: {  	s4 =	sld [smem:$0x3FAC]  }
0x2a: {  	p0 =	seq.s32 s5, $0x0;
	s5 =	sld [smem:$0x3FAD]  }
0x2b: {  	s6 =	sld [smem:$0x3FAE]  }
0x2c: {  	s7 =	sld [smem:$0x3FAF]  }
0x2d: {  	s3 =	simm.s32 $0x108;
	s8 =	sld [smem:$0x3FB0]  }
0x2e: {  	s3 =	simm.s32 @!p0 $0x1082;
	s9 =	sld [smem:$0x3FB1]  }
0x2f: {  	lr =	sadd.s32 s0, s3;
	s0 =	sld [smem:$0x3FA8]  }
0x30: {  	s3 =	sld [smem:$0x3FAB]  }
0x31: {  	[smem:$0x3FB4] =	sst s10  }
0x32: {  	s10 =	sld [smem:$0x3FB2];
	_ =	sdelay $0x3  }
0x33: {  	p0 =	seq.s32 s10, $0x1;
	s10 =	sld [smem:$0x3FB4];
	_ =	sdelay $0x3  }
0x34: {  	[smem:$0x3FB4] =	sst s10  }
0x35: {  	s10 =	sld [smem:$0x3FB3];
	_ =	sdelay $0x3  }
0x36: {  	p1 =	seq.s32 s10, $0x1;
	s10 =	sld [smem:$0x3FB4];
	_ =	sdelay $0x3  }
0x37: {  	[smem:$0x3FB4] =	sst s10  }
0x38: {  	s10 =	sld [smem:$0x3FB5]  }
0x39: {  	_ = 	snop;
	(pc) =	sbr.ind lr, $3  }
0x3a: {  	_ = 	snop  }
0x3b: {  	_ = 	snop  }
0x3c: {  	p2 =	seq.s32 s10, $0x1;
	s10 =	sld [smem:$0x3FB4]  }
0x3d: {  	_ =	shalt  }
0x3e: {  	_ =	shalt  }
0x3f: {  	_ =	shalt  }
0x40: {  	_ =	shalt  }
0x41: {  	_ =	shalt  }
0x42: {  	_ =	shalt  }
0x43: {  	_ =	shalt  }
0x44: {  	_ =	shalt  }
0x45: {  	_ =	shalt  }
0x46: {  	_ =	shalt  }
0x47: {  	_ =	shalt  }
0x48: {  	_ =	shalt  }
0x49: {  	_ =	shalt  }
0x4a: {  	_ =	shalt  }
0x4b: {  	_ =	shalt  }
0x4c: {  	_ =	shalt  }
0x4d: {  	_ =	shalt  }
0x4e: {  	_ =	shalt  }
0x4f: {  	_ =	shalt  }
0x50: {  	_ =	shalt  }
0x51: {  	_ =	shalt  }
0x52: {  	_ =	shalt  }
0x53: {  	_ =	shalt  }
0x54: {  	_ =	shalt  }
0x55: {  	_ =	shalt  }
0x56: {  	_ =	shalt  }
0x57: {  	_ =	shalt  }
0x58: {  	_ =	shalt  }
0x59: {  	_ =	shalt  }
0x5a: {  	_ =	shalt  }
0x5b: {  	_ =	shalt  }
0x5c: {  	_ =	shalt  }
0x5d: {  	_ =	shalt  }
0x5e: {  	_ =	shalt  }
0x5f: {  	_ =	shalt  }
0x60: {  	_ =	shalt  }
0x61: {  	_ =	shalt  }
0x62: {  	_ =	shalt  }
0x63: {  	_ =	shalt  }
0x64: {  	_ =	shalt  }
0x65: {  	_ =	shalt  }
0x66: {  	_ =	shalt  }
0x67: {  	_ =	shalt  }
0x68: {  	_ =	shalt  }
0x69: {  	_ =	shalt  }
0x6a: {  	_ =	shalt  }
0x6b: {  	_ =	shalt  }
0x6c: {  	_ =	shalt  }
0x6d: {  	_ =	shalt  }
0x6e: {  	_ =	shalt  }
0x6f: {  	_ =	shalt  }
0x70: {  	_ =	shalt  }
0x71: {  	_ =	shalt  }
0x72: {  	_ =	shalt  }
0x73: {  	_ =	shalt  }
0x74: {  	_ =	shalt  }
0x75: {  	_ =	shalt  }
0x76: {  	_ =	shalt  }
0x77: {  	_ =	shalt  }
0x78: {  	_ =	shalt  }
0x79: {  	_ =	shalt  }
0x7a: {  	_ =	shalt  }
0x7b: {  	_ =	shalt  }
0x7c: {  	_ =	shalt  }
0x7d: {  	_ =	shalt  }
0x7e: {  	_ =	shalt  }
0x7f: {  	_ =	shalt  }
0x80: {  	_ =	shalt  }
0x81: {  	_ =	shalt  }
0x82: {  	_ =	shalt  }
0x83: {  	_ =	shalt  }
0x84: {  	_ =	shalt  }
0x85: {  	_ =	shalt  }
0x86: {  	_ =	shalt  }
0x87: {  	_ =	shalt  }
.Lfunc_end0:
.L_simem_size_0:
called_computation_lowered:
.L_overlay_start_0:
0x88: {  	s2 =	sld [smem:$0x3FD9]  }
0x89: {  	s3 =	sld [smem:$0x3FFE];
	_ =	sdelay $0x1  }
0x8a: {  	s1 =	srdreg.scid  }
0x8b: {  	s0 =	sand.u32 $0x1, s1  }
0x8c: {  	s17 =	sshll.u32 s0, $0xA;
	s2 =	sadd.s32 s3, s2  }
0x8d: {  	s2 =	sadd.s32 s2, s17  }
0x8e: {  	[smem:$0x3FC0] =	sst s2  }
0x8f: {  	_ = 	snop  }
0x90: {  	s2 =	sld [smem:$0x3FC3];
	(tm) =	ssettm $0x1  }
0x91: {  	s18 =	sld [smem:$0x3FFB];
	_ =	sdelay $0x3  }
0x92: {  	_ =	strace s18  }
0x93: {  	s3 =	sld [smem:$0x3FFC];
	_ =	sdelay $0x3  }
0x94: {  	_ =	strace s3  }
0x95: {  	s3 =	sld [smem:$0x3FFD];
	_ =	sdelay $0x3  }
0x96: {  	_ =	strace s3  }
0x97: {  	_ =	strace $0x8FFFFFFF  }
0x98: {  	s19 =	sld [smem:$0x3FDB];
	_ =	sdelay $0x1  }
0x99: {  	s4 =	simm.s32 $_scs_section_size  }
0x9a: {  	s5 =	simm.s32 $_size__tile_overlayer_lowered;
	s6 =	simm.s32 $_tile_overlayer_lowered  }
0x9b: {  	s22 =	simm.s32 $0x1BFF;
	s21 =	sshll.u32 s6, $0x1;
	s3 =	sadd.s32 s4, s19  }
0x9c: {  	s7 =	simm.s32 $0x0;
	s20 =	sshll.u32 s5, $0x1;
	s5 =	sadd.s32 s21, s3  }
0x9d: {  	[timem:s7], [sflag:s22] =	dma.local [hbm:s5], s20  }
0x9e: {  	_ =	swait.ge [sflag:s22], s20  }
0x9f: {  	s4 =	ssub.s32 $0x0, s20;
	[sflag:s22] =	ssyncset.done $0x0  }
0xa0: {  	[sflag:s22] =	ssyncadd.s32 s4;
	_ =	sdelay $0x1  }
0xa1: {  	s23 =	simm.s32 $0x1B8B  }
0xa2: {  	_ =	swait.ge [sflag:s23], $0x1  }
0xa3: {  	[sflag:s23] =	ssyncset.done $0x0  }
0xa4: {  	s25 =	simm.s32 $0x1B8E;
	s24 =	sld [smem:$0x3FFE];
	[sflag:s23] =	ssyncadd.s32 $0xFFFFFFFF  }
0xa5: {  	s26 =	simm.s32 $execute0_lowered;
	[smem:$0x3FD2] =	sst s25  }
0xa6: {  	s5 =	sshll.u32 s26, $0x1;
	_ =	strace $0x80000046;
	[dreg:$0x1] =	wrdreg $0xFFFFFFFF  }
0xa7: {  	s28 =	simm.s32 $_size_execute0_lowered;
	s3 =	sadd.s32 s3, s5;
	[dreg:$0x0] =	wrdreg $0x0  }
0xa8: {  	s5 =	sshll.u32 s28, $0x1;
	[dreg:$0x2] =	wrdreg s3  }
0xa9: {  	[dreg:$0x3] =	wrdreg s5  }
0xaa: {  	[dreg:$0x4] =	wrdreg $0xC0  }
0xab: {  	_ =	task [dreg:s7], $0x5FFFF  }
0xac: {  	[dreg:$0x1] =	wrdreg $0xFFFFFFFF  }
0xad: {  	[dreg:$0x0] =	wrdreg $0x60  }
0xae: {  	[dreg:$0x2] =	wrdreg s24  }
0xaf: {  	[dreg:$0x3] =	wrdreg s2  }
0xb0: {  	[dreg:$0x4] =	wrdreg $0x192000  }
0xb1: {  	[dreg:$0x5] =	wrdreg $0x9  }
0xb2: {  	_ =	task.clear_ibuf [dreg:s7], $0x6FFFF;
	_ =	strace $0x90000046  }
0xb3: {  	s29 =	simm.s32 $0x9;
	_ =	strace $0x80000048  }
0xb4: {  	_ =	swait.ge [sflag:s29], $0x1  }
0xb5: {  	[sflag:s29] =	ssyncadd.s32 $0xFFFFFFFF  }
0xb6: {  	_ =	strace $0x90000048  }
0xb7: {  	_ =	sfence  }
0xb8: {  	s30 =	sld [smem:$0x0];
	_ =	sdelay $0x2  }
0xb9: {  	s31 =	sshll.u32 s1, $0xD;
	s1 =	sshrl.u32 s1, $0x2  }
0xba: {  	s3 =	sand.u32 $0x4000, s31;
	s1 =	sadd.s32 s1, s30  }
0xbb: {  	s0 =	sor.u32 s3, s0;
	s1 =	sshll.u32 s1, $0x11  }
0xbc: {  	s0 =	sor.u32 s1, s0  }
0xbd: {  	s0 =	sadd.s32 $0x8F2B, s0  }
0xbe: {  	[sflag:s0] =	ssyncadd.remote.s32 $0x1  }
0xbf: {  	_ =	sfence.sel $0xFFFF  }
0xc0: {  	[dreg:$0x0] =	wrdreg $0xFFFFFFFF;
	(pc) =	sbr.abs _section_cstart, $3  }
0xc1: {  	[dreg:$0x1] =	wrdreg $0xFFFFFFFF  }
0xc2: {  	_ =	task.clear_ibuf [dreg:s7], $0x2FFFF;
	_ =	strace $0x9FFFFFFF  }
0xc3: {  	(tm) =	ssettm $0x7FFFFFFF  }
tec
execute0_lowered:
.L_overlay_start_1:
0x0: {  	(tag) =	ssettag $0x1  }
0x1: {  	s0 =	rddreg [dreg:$0x0]  }
0x2: {  	s1 =	rddreg [dreg:$0x1]  }
0x3: {  	s2 =	rddreg [dreg:$0x2]  }
0x4: {  	s3 =	srdreg.scid;
	s4 =	stileid.u32;
	s12 =	simm.s32 $0xE  }
0x5: {  	s18 =	simm.s32 $0x1BA70;
	s20 =	simm.s32 $0x2;
	s21 =	simm.s32 $0x6  }
0x6: {  	s22 =	simm.s32 $0xA;
	s23 =	simm.s32 $0x3;
	s10 =	simm.s32 $0x8  }
0x7: {  	s11 =	simm.s32 $0xC;
	s13 =	simm.s32 $0x0;
	s5 =	sand.u32 $0x1, s3  }
0x8: {  	s3 =	simm.s32 $0x0;
	s6 =	sshll.u32 s4, $0x6;
	s9 =	sadd.s32 $0x4C00, s0  }
0x9: {  	p0 =	sne.s32 s4, $0x0;
	s4 =	simm.s32 $0x7;
	s7 =	sshll.u32 s5, $0x5  }
0xa: {  	[smem:$0x7FF] =	sst s3;
	s5 =	ssub.s32 $0x2, s5;
	s6 =	sor.u32 s7, s6  }
0xb: {  	v2 =	vlaneseq.u32;
	_ =	strace $0x80000047;
	s8 =	sshrl.u32 s5, $0x1;
	[dreg:$0x4] =	wrdreg s9  }
0xc: {  	v0 =	vmul.u32 $0x80, v2;
	v1 =	vand.u32 $0x7, v2;
	v2 =	vshrl.u32 v2, $0x3;
	s7 =	sshll.u32 s6, $0x7;
	s6 =	sshll.u32 s6, $0x4;
	s5 =	ssub.s32 s5, s8  }
0xd: {  	vm0 =	vmmov $0xffff;
	v18 =	vimm.f32 $0.0e+00;
	v2 =	vmul.u32 $0x8, v2;
	s7 =	sadd.s32 s7, s0;
	s0 =	sadd.s32 s6, s0;
	s31 =	smax.u32 s5, $0x1  }
.Ltmp0:
0xe: {  	v3 =	vor.u32 $0x1, v0;
	v4 =	vor.u32 $0x2, v0;
	v5 =	vor.u32 $0x3, v0;
	s6 =	sadd.s32 $0xC00, s0;
	[dreg:$0x8] =	wrdreg s31;
	(pc) =	sbr.rel .LBB2_1-.Ltmp0, $4  }
0xf: {  	s9 =	sadd.s32 $0x300, s1;
	v6 =	vor.u32 $0x4, v0;
	v7 =	vor.u32 $0x5, v0;
	v8 =	vor.u32 $0x6, v0;
	s30 =	sadd.s32 $0x7E00, s7;
	[dreg:$0x5] =	wrdreg s6  }
0x10: {  	v9 =	vor.u32 $0x7, v0;
	v10 =	vor.u32 $0x8, v0;
	v11 =	vor.u32 $0x9, v0;
	s8 =	sadd.s32 $0x200, s1;
	s0 =	sadd.s32 $0x27E00, s0;
	[dreg:$0x6] =	wrdreg s30  }
0x11: {  	v12 =	vor.u32 $0xA, v0;
	v13 =	vor.u32 $0xB, v0;
	v14 =	vor.u32 $0xC, v0;
	s5 =	simm.s32 $0xB;
	[dreg:$0x7] =	wrdreg s0;
	s0 =	sshrl.u32 @!p0 s2, $0x3  }
0x12: {  	v15 =	vor.u32 $0xD, v0;
	v16 =	vor.u32 $0xE, v0;
	v17 =	vor.u32 $0xF, v0;
	s7 =	sadd.s32 $0x100, s1;
	s6 =	simm.s32 $0x4;
	[dreg:$0x9] =	wrdreg s0  }
.LBB2_20:
0x13: {  	s0 =	rddreg [dreg:$0x7];
	s12 =	simm.s32 $0x1AA70  }
0x14: {  	[hbm4b:s0+s3] =	stream.linear.scatter [tilespmem:s12], [sflag:$0xE], $0x1000, $0x38;
	[tilespmem:$0x1CA70] =	vst v63  }
0x15: {  	s12 =	simm.s32 $0xE  }
0x16: {  	_ =	swait.ge [sflag:s12], $0x1000  }
0x17: {  	s13 =	rddreg [dreg:$0xa]  }
0x18: {  	s31 =	rddreg [dreg:$0x8];
	s13 =	sadd.s32 $0x1, s13  }
0x19: {  	p1 =	sne.s32 s13, s31  }
.Ltmp1:
0x1a: {  	_ = 	snop;
	(pc) =	sbr.rel @!p1 .LBB2_21-.Ltmp1, $3  }
0x1b: {  	_ =	sdelay $0x1  }
0x1c: {  	[sflag:s12] =	ssyncset.done $0x0  }
0x1d: {  	[sflag:s12] =	ssyncadd.s32 $0xFFFFF000  }
.LBB2_1:
0x1e: {  	[dreg:$0xa] =	wrdreg s13  }
0x1f: {  	s0 =	rddreg [dreg:$0x5]  }
0x20: {  	[tilespmem:s3], [sflag:$0xE] =	stream.linear.gather [hbm4b:s0+s3], $0x1000, $0x38;
	[tilespmem:$0x1CA70] =	vst v63  }
0x21: {  	_ =	swait.ge [sflag:s12], $0x1000  }
0x22: {  	s15 =	rddreg [dreg:$0x6]  }
0x23: {  	s16 =	simm.s32 $0x1000;
	[sflag:s12] =	ssyncset.done $0x0;
	s13 =	rddreg [dreg:$0x9]  }
0x24: {  	s0 =	simm.s32 @!p0 $0x1C0E;
	[sflag:s12] =	ssyncadd.s32 $0xFFFFF000;
	s12 =	rddreg [dreg:$0x4]  }
0x25: {  	[tilespmem:s16], [sflag:$0xD] =	stream.linear.gather [hbm4b:s15+s3], $0x8000, $0x38;
	[tilespmem:$0x1CA70] =	vst v63  }
0x26: {  	[spmem:s13], [sflag:s0] =	dma.local @!p0 [hbm:s12], $0x30E0  }
0x27: {  	s0 =	simm.s32 @!p0 $0xE  }
0x28: {  	_ =	swait.ge @!p0 [sflag:s0], $0x30E0  }
0x29: {  	[sflag:s0] =	ssyncset.done @!p0 $0x0  }
0x2a: {  	[sflag:s0] =	ssyncadd.s32 @!p0 $0xFFFFCF20  }
0x2b: {  	[bflag:$0x0] =	sbarrier.arrive $0xFFFF  }
0x2c: {  	v19 =	vld.msk [tilespmem:$0x0], $0xff;
	_ =	sdelay $0x4  }
0x2d: {  	v20 =	vshll.u32 v19, $0x3  }
0x2e: {  	v19 =	vand.u32 $0x7, v19;
	v20 =	vand.u32 $0xFFFFFFC0, v20  }
0x2f: {  	v19 =	vor.u32 v19, v20  }
0x30: {  	v19 =	vperm.xlane v19, v1;
	_ =	sdelay $0x1  }
0x31: {  	v19 =	vadd.s32 v2, v19;
	_ =	sdelay $0x3  }
0x32: {  	s17 =	simm.s32 $0x9000  }
0x33: {  	v20 =	vld [tilespmem:$0x0];
	[tilespmem:s17], [sflag:$0x1] =	stream.indirect_vreg.gather [hbm4b:s1+s3], $0x80, v19, vm0, $0xb8  }
0x34: {  	s19 =	simm.s32 $0x9800  }
0x35: {  	[tilespmem:s19], [sflag:$0x1] =	stream.indirect_vreg.gather [hbm4b:s7+s3], $0x80, v19, vm0, $0xb8;
	[tilespmem:$0x1CA70] =	vst v63  }
0x36: {  	s24 =	simm.s32 $0xA000  }
0x37: {  	[tilespmem:s24], [sflag:$0x1] =	stream.indirect_vreg.gather [hbm4b:s8+s3], $0x80, v19, vm0, $0xb8;
	[tilespmem:$0x1CA70] =	vst v63  }
0x38: {  	s25 =	simm.s32 $0xA800  }
0x39: {  	[tilespmem:s25], [sflag:$0x1] =	stream.indirect_vreg.gather [hbm4b:s9+s3], $0x80, v19, vm0, $0xb8;
	[tilespmem:$0x1CA70] =	vst v63  }
0x3a: {  	v19 =	vld.msk [tilespmem:$0x8], $0xff;
	_ =	sdelay $0x4  }
0x3b: {  	v21 =	vshll.u32 v19, $0x3  }
0x3c: {  	v19 =	vand.u32 $0x7, v19;
	v21 =	vand.u32 $0xFFFFFFC0, v21  }
0x3d: {  	v19 =	vor.u32 v19, v21  }
0x3e: {  	v19 =	vperm.xlane v19, v1;
	_ =	sdelay $0x1  }
0x3f: {  	v19 =	vadd.s32 v2, v19;
	_ =	sdelay $0x3  }
0x40: {  	s26 =	simm.s32 $0xB000  }
0x41: {  	[tilespmem:s26], [sflag:$0x5] =	stream.indirect_vreg.gather [hbm4b:s1+s3], $0x80, v19, vm0, $0xb8;
	[tilespmem:$0x1CA70] =	vst v63  }
0x42: {  	s28 =	simm.s32 $0xB800  }
0x43: {  	[tilespmem:s28], [sflag:$0x5] =	stream.indirect_vreg.gather [hbm4b:s7+s3], $0x80, v19, vm0, $0xb8;
	[tilespmem:$0x1CA70] =	vst v63  }
0x44: {  	s29 =	simm.s32 $0xC000  }
0x45: {  	[tilespmem:s29], [sflag:$0x5] =	stream.indirect_vreg.gather [hbm4b:s8+s3], $0x80, v19, vm0, $0xb8;
	[tilespmem:$0x1CA70] =	vst v63  }
0x46: {  	s30 =	simm.s32 $0xC800  }
0x47: {  	[tilespmem:s30], [sflag:$0x5] =	stream.indirect_vreg.gather [hbm4b:s9+s3], $0x80, v19, vm0, $0xb8;
	[tilespmem:$0x1CA70] =	vst v63  }
0x48: {  	s31 =	simm.s32 $0x19000  }
0x49: {  	[tilespmem:s31], [sflag:$0x9] =	stream.indirect_vreg.gather [spmem:s2], $0x1, v20, vm0, $0xb8;
	[tilespmem:$0x1CA70] =	vst v63  }
0x4a: {  	v19 =	vld.msk [tilespmem:$0x10], $0xff;
	_ =	sdelay $0x4  }
0x4b: {  	v20 =	vshll.u32 v19, $0x3  }
0x4c: {  	v19 =	vand.u32 $0x7, v19;
	v20 =	vand.u32 $0xFFFFFFC0, v20  }
0x4d: {  	v19 =	vor.u32 v19, v20  }
0x4e: {  	v19 =	vperm.xlane v19, v1;
	_ =	sdelay $0x1  }
0x4f: {  	v19 =	vadd.s32 v2, v19;
	_ =	sdelay $0x3  }
0x50: {  	s12 =	simm.s32 $0xD000  }
0x51: {  	v20 =	vld [tilespmem:$0x10];
	[tilespmem:s12], [sflag:$0x2] =	stream.indirect_vreg.gather [hbm4b:s1+s3], $0x80, v19, vm0, $0xb8  }
0x52: {  	s13 =	simm.s32 $0xD800  }
0x53: {  	[tilespmem:s13], [sflag:$0x2] =	stream.indirect_vreg.gather [hbm4b:s7+s3], $0x80, v19, vm0, $0xb8;
	[tilespmem:$0x1CA70] =	vst v63  }
0x54: {  	s14 =	simm.s32 $0xE000  }
0x55: {  	[tilespmem:s14], [sflag:$0x2] =	stream.indirect_vreg.gather [hbm4b:s8+s3], $0x80, v19, vm0, $0xb8;
	[tilespmem:$0x1CA70] =	vst v63  }
0x56: {  	s15 =	simm.s32 $0xE800  }
0x57: {  	[tilespmem:s15], [sflag:$0x2] =	stream.indirect_vreg.gather [hbm4b:s9+s3], $0x80, v19, vm0, $0xb8;
	[tilespmem:$0x1CA70] =	vst v63  }
0x58: {  	v19 =	vld.msk [tilespmem:$0x18], $0xff;
	_ =	sdelay $0x4  }
0x59: {  	v61 =	vshll.u32 v19, $0x3  }
0x5a: {  	v19 =	vand.u32 $0x7, v19;
	v21 =	vand.u32 $0xFFFFFFC0, v61  }
0x5b: {  	v19 =	vor.u32 v19, v21  }
0x5c: {  	v19 =	vperm.xlane v19, v1;
	_ =	sdelay $0x1  }
0x5d: {  	v19 =	vadd.s32 v2, v19;
	_ =	sdelay $0x3  }
0x5e: {  	s16 =	simm.s32 $0xF000  }
0x5f: {  	[tilespmem:s16], [sflag:$0x6] =	stream.indirect_vreg.gather [hbm4b:s1+s3], $0x80, v19, vm0, $0xb8;
	[tilespmem:$0x1CA70] =	vst v63  }
0x60: {  	s17 =	simm.s32 $0xF800  }
0x61: {  	[tilespmem:s17], [sflag:$0x6] =	stream.indirect_vreg.gather [hbm4b:s7+s3], $0x80, v19, vm0, $0xb8;
	[tilespmem:$0x1CA70] =	vst v63  }
0x62: {  	s19 =	simm.s32 $0x10000  }
0x63: {  	[tilespmem:s19], [sflag:$0x6] =	stream.indirect_vreg.gather [hbm4b:s8+s3], $0x80, v19, vm0, $0xb8;
	[tilespmem:$0x1CA70] =	vst v63  }
0x64: {  	s24 =	simm.s32 $0x10800  }
0x65: {  	[tilespmem:s24], [sflag:$0x6] =	stream.indirect_vreg.gather [hbm4b:s9+s3], $0x80, v19, vm0, $0xb8;
	[tilespmem:$0x1CA70] =	vst v63  }
0x66: {  	s25 =	simm.s32 $0x19080  }
0x67: {  	[tilespmem:s25], [sflag:$0xA] =	stream.indirect_vreg.gather [spmem:s2], $0x1, v20, vm0, $0xb8;
	[tilespmem:$0x1CA70] =	vst v63  }
0x68: {  	v19 =	vld.msk [tilespmem:$0x80], $0xff;
	_ =	sdelay $0x4  }
0x69: {  	v20 =	vshll.u32 v19, $0x3  }
0x6a: {  	v19 =	vand.u32 $0x7, v19;
	v20 =	vand.u32 $0xFFFFFFC0, v20  }
0x6b: {  	v19 =	vor.u32 v19, v20  }
0x6c: {  	v19 =	vperm.xlane v19, v1;
	_ =	sdelay $0x1  }
0x6d: {  	v19 =	vadd.s32 v2, v19;
	_ =	sdelay $0x3  }
0x6e: {  	s26 =	simm.s32 $0x11000  }
0x6f: {  	v20 =	vld [tilespmem:$0x80];
	[tilespmem:s26], [sflag:$0x3] =	stream.indirect_vreg.gather [hbm4b:s1+s3], $0x80, v19, vm0, $0xb8  }
0x70: {  	s28 =	simm.s32 $0x11800  }
0x71: {  	[tilespmem:s28], [sflag:$0x3] =	stream.indirect_vreg.gather [hbm4b:s7+s3], $0x80, v19, vm0, $0xb8;
	[tilespmem:$0x1CA70] =	vst v63  }
0x72: {  	s29 =	simm.s32 $0x12000  }
0x73: {  	[tilespmem:s29], [sflag:$0x3] =	stream.indirect_vreg.gather [hbm4b:s8+s3], $0x80, v19, vm0, $0xb8;
	[tilespmem:$0x1CA70] =	vst v63  }
0x74: {  	s30 =	simm.s32 $0x12800  }
0x75: {  	[tilespmem:s30], [sflag:$0x3] =	stream.indirect_vreg.gather [hbm4b:s9+s3], $0x80, v19, vm0, $0xb8;
	[tilespmem:$0x1CA70] =	vst v63  }
0x76: {  	v19 =	vld.msk [tilespmem:$0x88], $0xff;
	_ =	sdelay $0x4  }
0x77: {  	v62 =	vshll.u32 v19, $0x3  }
0x78: {  	v19 =	vand.u32 $0x7, v19;
	v21 =	vand.u32 $0xFFFFFFC0, v62  }
0x79: {  	v19 =	vor.u32 v19, v21  }
0x7a: {  	v19 =	vperm.xlane v19, v1;
	_ =	sdelay $0x1  }
0x7b: {  	v19 =	vadd.s32 v2, v19;
	_ =	sdelay $0x3  }
0x7c: {  	s31 =	simm.s32 $0x13000  }
0x7d: {  	[tilespmem:s31], [sflag:$0x7] =	stream.indirect_vreg.gather [hbm4b:s1+s3], $0x80, v19, vm0, $0xb8;
	[tilespmem:$0x1CA70] =	vst v63  }
0x7e: {  	s12 =	simm.s32 $0x13800  }
0x7f: {  	[tilespmem:s12], [sflag:$0x7] =	stream.indirect_vreg.gather [hbm4b:s7+s3], $0x80, v19, vm0, $0xb8;
	[tilespmem:$0x1CA70] =	vst v63  }
0x80: {  	s13 =	simm.s32 $0x14000  }
0x81: {  	[tilespmem:s13], [sflag:$0x7] =	stream.indirect_vreg.gather [hbm4b:s8+s3], $0x80, v19, vm0, $0xb8;
	[tilespmem:$0x1CA70] =	vst v63  }
0x82: {  	s14 =	simm.s32 $0x14800  }
0x83: {  	[tilespmem:s14], [sflag:$0x7] =	stream.indirect_vreg.gather [hbm4b:s9+s3], $0x80, v19, vm0, $0xb8;
	[tilespmem:$0x1CA70] =	vst v63  }
0x84: {  	s15 =	simm.s32 $0x19100  }
0x85: {  	[tilespmem:s15], [sflag:$0xB] =	stream.indirect_vreg.gather [spmem:s2], $0x1, v20, vm0, $0xb8;
	[tilespmem:$0x1CA70] =	vst v63  }
0x86: {  	v19 =	vld.msk [tilespmem:$0x90], $0xff;
	_ =	sdelay $0x4  }
0x87: {  	v20 =	vshll.u32 v19, $0x3  }
0x88: {  	v19 =	vand.u32 $0x7, v19;
	v20 =	vand.u32 $0xFFFFFFC0, v20  }
0x89: {  	v19 =	vor.u32 v19, v20  }
0x8a: {  	v19 =	vperm.xlane v19, v1;
	_ =	sdelay $0x1  }
0x8b: {  	v19 =	vadd.s32 v2, v19;
	_ =	sdelay $0x3  }
0x8c: {  	s16 =	simm.s32 $0x15000  }
0x8d: {  	v20 =	vld [tilespmem:$0x90];
	[tilespmem:s16], [sflag:$0x4] =	stream.indirect_vreg.gather [hbm4b:s1+s3], $0x80, v19, vm0, $0xb8  }
0x8e: {  	s17 =	simm.s32 $0x15800  }
0x8f: {  	[tilespmem:s17], [sflag:$0x4] =	stream.indirect_vreg.gather [hbm4b:s7+s3], $0x80, v19, vm0, $0xb8;
	[tilespmem:$0x1CA70] =	vst v63  }
0x90: {  	s19 =	simm.s32 $0x16000  }
0x91: {  	[tilespmem:s19], [sflag:$0x4] =	stream.indirect_vreg.gather [hbm4b:s8+s3], $0x80, v19, vm0, $0xb8;
	[tilespmem:$0x1CA70] =	vst v63  }
0x92: {  	s24 =	simm.s32 $0x16800  }
0x93: {  	[tilespmem:s24], [sflag:$0x4] =	stream.indirect_vreg.gather [hbm4b:s9+s3], $0x80, v19, vm0, $0xb8;
	[tilespmem:$0x1CA70] =	vst v63  }
0x94: {  	v19 =	vld.msk [tilespmem:$0x98], $0xff;
	_ =	sdelay $0x4  }
0x95: {  	v63 =	vshll.u32 v19, $0x3  }
0x96: {  	v19 =	vand.u32 $0x7, v19;
	v21 =	vand.u32 $0xFFFFFFC0, v63  }
0x97: {  	v19 =	vor.u32 v19, v21  }
0x98: {  	v19 =	vperm.xlane v19, v1;
	_ =	sdelay $0x1  }
0x99: {  	v19 =	vadd.s32 v2, v19;
	_ =	sdelay $0x3  }
0x9a: {  	s25 =	simm.s32 $0x17000  }
0x9b: {  	[tilespmem:s25], [sflag:$0x8] =	stream.indirect_vreg.gather [hbm4b:s1+s3], $0x80, v19, vm0, $0xb8;
	[tilespmem:$0x1CA70] =	vst v63  }
0x9c: {  	s26 =	simm.s32 $0x17800  }
0x9d: {  	[tilespmem:s26], [sflag:$0x8] =	stream.indirect_vreg.gather [hbm4b:s7+s3], $0x80, v19, vm0, $0xb8;
	[tilespmem:$0x1CA70] =	vst v63  }
0x9e: {  	s28 =	simm.s32 $0x18000  }
0x9f: {  	[tilespmem:s28], [sflag:$0x8] =	stream.indirect_vreg.gather [hbm4b:s8+s3], $0x80, v19, vm0, $0xb8;
	[tilespmem:$0x1CA70] =	vst v63  }
0xa0: {  	s29 =	simm.s32 $0x18800  }
0xa1: {  	[tilespmem:s29], [sflag:$0x8] =	stream.indirect_vreg.gather [hbm4b:s9+s3], $0x80, v19, vm0, $0xb8;
	[tilespmem:$0x1CA70] =	vst v63  }
0xa2: {  	s30 =	simm.s32 $0x19180;
	s31 =	simm.s32 $0xD  }
0xa3: {  	[tilespmem:s30], [sflag:$0xC] =	stream.indirect_vreg.gather [spmem:s2], $0x1, v20, vm0, $0xb8;
	[tilespmem:$0x1CA70] =	vst v63  }
0xa4: {  	_ =	swait.ge [sflag:s31], $0x8000  }
0xa5: {  	[sflag:s31] =	ssyncset.done $0x0  }
0xa6: {  	s15 =	simm.s32 $0x0;
	[sflag:s31] =	ssyncadd.s32 $0xFFFF8000  }
.LBB2_2:
0xa7: {  	s0 =	simm.s32 $0x1;
	s13 =	simm.s32 $0x5  }
0xa8: {  	s16 =	sshll.u32 s15, $0xB;
	s12 =	sshll.u32 s15, $0x8;
	_ =	swait.ge [sflag:s0], $0x2000  }
0xa9: {  	s19 =	simm.s32 $0x0;
	s17 =	sand.u32 $0x300, s12;
	[sflag:s0] =	ssyncset.done $0x0  }
0xaa: {  	s28 =	sand.u32 $0x1C00, s19;
	[sflag:s0] =	ssyncadd.s32 $0xFFFFE000;
	s0 =	sand.u32 $0x6000, s16  }
0xab: {  	s25 =	sor.u32 s19, s19;
	_ =	swait.ge [sflag:s13], $0x2000;
	s14 =	sor.u32 $0x1000, s0  }
0xac: {  	s29 =	sand.u32 $0x70, s19;
	[sflag:s13] =	ssyncset.done $0x0;
	s24 =	sor.u32 s17, s14  }
0xad: {  	[sflag:s13] =	ssyncadd.s32 $0xFFFFE000;
	s26 =	sadd.s32 s28, s24;
	s13 =	sor.u32 $0x380, s25  }
0xae: {  	s26 =	sadd.s32 s29, s26;
	v21 =	vld [tilespmem:s13+$0x9000]  }
0xaf: {  	s30 =	sor.u32 s29, s28;
	v20 =	vld [tilespmem:s26+$0x0]  }
0xb0: {  	v22 =	vld [tilespmem:s30+$0x9000]  }
0xb1: {  	v32 =	vld [tilespmem:s30+$0x9080]  }
0xb2: {  	v19 =	vimm.f32 $0.0e+00;
	v25 =	vimm.f32 $0.0e+00;
	v30 =	vld [tilespmem:s30+$0x9100]  }
0xb3: {  	v26 =	vimm.f32 $0.0e+00;
	s31 =	simm.s32 $0x80;
	v27 =	vimm.f32 $0.0e+00;
	v28 =	vimm.f32 $0.0e+00;
	v29 =	vld [tilespmem:s30+$0x9180]  }
0xb4: {  	v23 =	vimm.f32 $0.0e+00;
	v24 =	vimm.f32 $0.0e+00;
	s16 =	sand.u32 $0x1C00, s31;
	s25 =	simm.s32 $0x10;
	v31 =	vld [tilespmem:s30+$0x9200];
	v34 =	vmul.f32 v21, v20  }
0xb5: {  	s0 =	simm.s32 $0x20;
	s13 =	sand.u32 $0x70, s25;
	s17 =	sor.u32 s31, s25;
	v33 =	vld [tilespmem:s30+$0x9280];
	v35 =	vmul.f32 v22, v20;
	v21 =	vimm.f32 $0.0e+00;
	v22 =	vimm.f32 $0.0e+00  }
.LBB2_3:
0xb6: {  	p1 =	sne.s32 s0, $0x3F0;
	s19 =	sadd.s32 s16, s24;
	s17 =	sor.u32 $0x380, s17;
	v32 =	vmul.f32 v32, v20;
	v36 =	vld [tilespmem:s30+$0x9300];
	v25 =	vadd.f32 v34, v25  }
0xb7: {  	s30 =	sor.u32 s13, s16;
	s19 =	sadd.s32 s13, s19;
	v34 =	vld [tilespmem:s17+$0x9000];
	v26 =	vadd.f32 v35, v26;
	v30 =	vmul.f32 v30, v20  }
0xb8: {  	v35 =	vld [tilespmem:s19+$0x0];
	v27 =	vadd.f32 v32, v27;
	v29 =	vmul.f32 v29, v20  }
0xb9: {  	v37 =	vld [tilespmem:s30+$0x9000];
	v28 =	vadd.f32 v30, v28;
	v31 =	vmul.f32 v31, v20  }
.Ltmp2:
0xba: {  	v32 =	vld [tilespmem:s30+$0x9080];
	v23 =	vadd.f32 v29, v23;
	v33 =	vmul.f32 v33, v20;
	(pc) =	sbr.rel @p1 .LBB2_3-.Ltmp2, $4  }
0xbb: {  	v30 =	vld [tilespmem:s30+$0x9100];
	v24 =	vadd.f32 v31, v24;
	v36 =	vmul.f32 v36, v20  }
0xbc: {  	v29 =	vld [tilespmem:s30+$0x9180];
	v21 =	vadd.f32 v33, v21  }
0xbd: {  	s31 =	sadd.s32 $0x80, s31;
	s13 =	sand.u32 $0x70, s0;
	v31 =	vld [tilespmem:s30+$0x9200];
	v34 =	vmul.f32 v34, v35;
	v22 =	vadd.f32 v36, v22;
	v20 =	vmov v35  }
0xbe: {  	s16 =	sand.u32 $0x1C00, s31;
	s17 =	sor.u32 s31, s0;
	s0 =	sadd.s32 $0x10, s0;
	v35 =	vmul.f32 v37, v20;
	v33 =	vld [tilespmem:s30+$0x9280]  }
0xbf: {  	s17 =	sor.u32 $0x380, s17;
	v36 =	vld [tilespmem:s30+$0x9300]  }
0xc0: {  	s31 =	sor.u32 s13, s16;
	v37 =	vld [tilespmem:s17+$0x9000]  }
0xc1: {  	v39 =	vld [tilespmem:s31+$0x9000]  }
0xc2: {  	v40 =	vld [tilespmem:s31+$0x9080]  }
0xc3: {  	s0 =	sadd.s32 s16, s24;
	v41 =	vld [tilespmem:s31+$0x9100]  }
0xc4: {  	s0 =	sadd.s32 s13, s0;
	v42 =	vld [tilespmem:s31+$0x9180]  }
0xc5: {  	v32 =	vmul.f32 v32, v20;
	v25 =	vadd.f32 v34, v25;
	v30 =	vmul.f32 v30, v20;
	v38 =	vld [tilespmem:s0+$0x0]  }
0xc6: {  	v26 =	vadd.f32 v35, v26;
	v59 =	vld [tilespmem:s31+$0x9300];
	v35 =	vimm.f32 $0.0e+00;
	v29 =	vmul.f32 v29, v20  }
0xc7: {  	s28 =	sor.u32 s29, s28;
	v58 =	vld [tilespmem:s31+$0x9200];
	v27 =	vadd.f32 v32, v27;
	v30 =	vadd.f32 v30, v28;
	v28 =	vmul.f32 v31, v20  }
0xc8: {  	v61 =	vld [tilespmem:s28+$0xB380];
	v23 =	vadd.f32 v29, v23;
	v29 =	vmul.f32 v33, v20;
	v33 =	vimm.f32 $0.0e+00  }
0xc9: {  	v31 =	vld [tilespmem:s31+$0x9280];
	v20 =	vmul.f32 v36, v20;
	v24 =	vadd.f32 v28, v24;
	v36 =	vimm.f32 $0.0e+00  }
0xca: {  	v63 =	vld [tilespmem:s28+$0xB000];
	v62 =	vadd.f32 v29, v21;
	v28 =	vmul.f32 v37, v38;
	v60 =	vmul.f32 v39, v38  }
0xcb: {  	v21 =	vld [tilespmem:s26+$0x0];
	v22 =	vadd.f32 v20, v22;
	v29 =	vmul.f32 v40, v38;
	v32 =	vmul.f32 v59, v38  }
0xcc: {  	v20 =	vadd.f32 v28, v25;
	v25 =	vadd.f32 v60, v26;
	v26 =	vmul.f32 v41, v38  }
0xcd: {  	v34 =	vmul.f32 v58, v38;
	v40 =	vld [tilespmem:s28+$0xB080];
	v28 =	vadd.f32 v29, v27;
	v27 =	vmul.f32 v42, v38  }
0xce: {  	v39 =	vld [tilespmem:s28+$0xB100];
	v31 =	vmul.f32 v31, v38;
	v22 =	vadd.f32 v32, v22;
	v30 =	vadd.f32 v26, v30  }
0xcf: {  	v38 =	vld [tilespmem:s28+$0xB180];
	v32 =	vimm.f32 $0.0e+00;
	v29 =	vadd.f32 v27, v23;
	v26 =	vadd.f32 v34, v24  }
0xd0: {  	s26 =	simm.s32 $0x80;
	v37 =	vld [tilespmem:s28+$0xB200];
	v23 =	vadd.f32 v31, v62;
	v31 =	vmul.f32 v61, v21;
	v42 =	vmul.f32 v63, v21  }
0xd1: {  	s13 =	sand.u32 $0x70, s25;
	s0 =	simm.s32 $0x20;
	s16 =	sand.u32 $0x1C00, s26;
	v41 =	vld [tilespmem:s28+$0xB280];
	v34 =	vimm.f32 $0.0e+00;
	v27 =	vimm.f32 $0.0e+00;
	v24 =	vimm.f32 $0.0e+00  }
.LBB2_5:
0xd2: {  	p1 =	sne.s32 s0, $0x3F0;
	s17 =	sadd.s32 s16, s24;
	v40 =	vmul.f32 v40, v21;
	v43 =	vld [tilespmem:s28+$0xB300];
	s28 =	sor.u32 s13, s16;
	v19 =	vadd.f32 v31, v19  }
0xd3: {  	s13 =	sadd.s32 s13, s17;
	v31 =	vld [tilespmem:s28+$0xB380];
	v34 =	vadd.f32 v42, v34;
	v39 =	vmul.f32 v39, v21  }
0xd4: {  	v42 =	vld [tilespmem:s13+$0x0];
	v35 =	vadd.f32 v40, v35;
	v38 =	vmul.f32 v38, v21  }
0xd5: {  	v44 =	vld [tilespmem:s28+$0xB000];
	v36 =	vadd.f32 v39, v36;
	v37 =	vmul.f32 v37, v21  }
.Ltmp3:
0xd6: {  	v40 =	vld [tilespmem:s28+$0xB080];
	v33 =	vadd.f32 v38, v33;
	v41 =	vmul.f32 v41, v21;
	(pc) =	sbr.rel @p1 .LBB2_5-.Ltmp3, $4  }
0xd7: {  	v39 =	vld [tilespmem:s28+$0xB100];
	v32 =	vadd.f32 v37, v32;
	v43 =	vmul.f32 v43, v21  }
0xd8: {  	v38 =	vld [tilespmem:s28+$0xB180];
	v27 =	vadd.f32 v41, v27  }
0xd9: {  	s26 =	sadd.s32 $0x80, s26;
	v37 =	vld [tilespmem:s28+$0xB200];
	v31 =	vmul.f32 v31, v42;
	v24 =	vadd.f32 v43, v24;
	v21 =	vmov v42  }
0xda: {  	s16 =	sand.u32 $0x1C00, s26;
	s13 =	sand.u32 $0x70, s0;
	s0 =	sadd.s32 $0x10, s0;
	v42 =	vmul.f32 v44, v21;
	v41 =	vld [tilespmem:s28+$0xB280]  }
0xdb: {  	s19 =	sor.u32 s13, s16;
	v43 =	vld [tilespmem:s28+$0xB300]  }
0xdc: {  	v44 =	vld [tilespmem:s19+$0xB380]  }
0xdd: {  	v46 =	vld [tilespmem:s19+$0xB000]  }
0xde: {  	v47 =	vld [tilespmem:s19+$0xB080]  }
0xdf: {  	v48 =	vld [tilespmem:s19+$0xB100]  }
0xe0: {  	v49 =	vld [tilespmem:s19+$0xB180]  }
0xe1: {  	v50 =	vld [tilespmem:s19+$0xB200]  }
0xe2: {  	s0 =	sadd.s32 s16, s24;
	v51 =	vld [tilespmem:s19+$0xB280]  }
0xe3: {  	s0 =	sadd.s32 s13, s0;
	v52 =	vld [tilespmem:s19+$0xB300]  }
0xe4: {  	v45 =	vld [tilespmem:s0+$0x0];
	[tilespmem:$0x1BA70] =	vst v25  }
0xe5: {  	[tilespmem:$0x1BAF0] =	vst v28  }
0xe6: {  	[tilespmem:$0x1BB70] =	vst v30  }
0xe7: {  	v25 =	vmul.f32 v40, v21;
	v28 =	vmul.f32 v39, v21;
	[tilespmem:$0x1BBF0] =	vst v29  }
0xe8: {  	v29 =	vmul.f32 v38, v21;
	[tilespmem:$0x1BC70] =	vst v26;
	v57 =	vmul.f32 v37, v21  }
0xe9: {  	v30 =	vadd.f32 v42, v34;
	[tilespmem:$0x1BCF0] =	vst v23;
	v23 =	vmul.f32 v41, v21;
	v26 =	vmul.f32 v46, v45  }
0xea: {  	[tilespmem:$0x1BDF0] =	vst v20;
	v25 =	vadd.f32 v25, v35;
	v20 =	vmul.f32 v43, v21;
	v58 =	vmul.f32 v47, v45  }
0xeb: {  	v23 =	vadd.f32 v23, v27;
	v27 =	vmul.f32 v51, v45;
	v26 =	vadd.f32 v26, v30  }
0xec: {  	[tilespmem:$0x1BD70] =	vst v22;
	v28 =	vadd.f32 v28, v36;
	v30 =	vmul.f32 v48, v45;
	v25 =	vadd.f32 v58, v25  }
0xed: {  	v20 =	vadd.f32 v20, v24;
	v24 =	vmul.f32 v52, v45;
	v23 =	vadd.f32 v27, v23;
	[tilespmem:$0x1BE70] =	vst v26  }
0xee: {  	v29 =	vadd.f32 v29, v33;
	v59 =	vmul.f32 v49, v45;
	v21 =	vadd.f32 v30, v28;
	[tilespmem:$0x1BEF0] =	vst v25  }
0xef: {  	v22 =	vadd.f32 v57, v32;
	v20 =	vadd.f32 v24, v20;
	v28 =	vmul.f32 v50, v45;
	[tilespmem:$0x1C0F0] =	vst v23  }
0xf0: {  	v19 =	vadd.f32 v31, v19;
	v26 =	vadd.f32 v59, v29;
	[tilespmem:$0x1BF70] =	vst v21;
	v21 =	vmul.f32 v44, v45  }
0xf1: {  	[tilespmem:$0x1C170] =	vst v20;
	v22 =	vadd.f32 v28, v22  }
0xf2: {  	[tilespmem:$0x1BFF0] =	vst v26;
	v19 =	vadd.f32 v21, v19  }
0xf3: {  	[tilespmem:$0x1C070] =	vst v22  }
0xf4: {  	[tilespmem:$0x1C1F0] =	vst v19  }
0xf5: {  	v19 =	vld.idx.msk [tilespmem:v0+s18+$0x0], $0xffff  }
0xf6: {  	v20 =	vld.idx.msk [tilespmem:v3+s18+$0x0], $0xffff  }
0xf7: {  	v21 =	vld.idx.msk [tilespmem:v4+s18+$0x0], $0xffff  }
0xf8: {  	v22 =	vld.idx.msk [tilespmem:v5+s18+$0x0], $0xffff  }
0xf9: {  	v23 =	vld.idx.msk [tilespmem:v6+s18+$0x0], $0xffff  }
0xfa: {  	v24 =	vld.idx.msk [tilespmem:v7+s18+$0x0], $0xffff  }
0xfb: {  	v25 =	vld.idx.msk [tilespmem:v8+s18+$0x0], $0xffff  }
0xfc: {  	v26 =	vld.idx.msk [tilespmem:v9+s18+$0x0], $0xffff  }
0xfd: {  	v27 =	vld.idx.msk [tilespmem:v10+s18+$0x0], $0xffff  }
0xfe: {  	v28 =	vld.idx.msk [tilespmem:v11+s18+$0x0], $0xffff  }
0xff: {  	v29 =	vld.idx.msk [tilespmem:v12+s18+$0x0], $0xffff  }
0x100: {  	v30 =	vld.idx.msk [tilespmem:v13+s18+$0x0], $0xffff  }
0x101: {  	v31 =	vld.idx.msk [tilespmem:v14+s18+$0x0], $0xffff  }
0x102: {  	v60 =	vld.idx.msk [tilespmem:v15+s18+$0x0], $0xffff  }
0x103: {  	v61 =	vld.idx.msk [tilespmem:v16+s18+$0x0], $0xffff  }
0x104: {  	s25 =	simm.s32 $0x9;
	v62 =	vld.idx.msk [tilespmem:v17+s18+$0x0], $0xffff  }
0x105: {  	v63 =	vld [tilespmem:s12+$0x0];
	_ =	swait.ge [sflag:s25], $0x10  }
0x106: {  	[sflag:s25] =	ssyncset.done $0x0;
	v19 =	vadd.f32 v20, v19;
	v20 =	vadd.f32 v22, v21  }
0x107: {  	p1 =	seq.s32 s15, $0xF;
	[sflag:s25] =	ssyncadd.s32 $0xFFFFFFF0;
	v21 =	vadd.f32 v24, v23;
	v22 =	vadd.f32 v26, v25  }
0x108: {  	v23 =	vadd.f32 v28, v27;
	v24 =	vadd.f32 v30, v29;
	v25 =	vld.msk @!p1 [tilespmem:s12+$0x100], $0xff  }
0x109: {  	v26 =	vadd.f32 v60, v31;
	v27 =	vadd.f32 v62, v61  }
0x10a: {  	v19 =	vadd.f32 v20, v19;
	v20 =	vadd.f32 v22, v21  }
0x10b: {  	v21 =	vadd.f32 v24, v23;
	v22 =	vadd.f32 v27, v26;
	_ =	sdelay $0x1  }
0x10c: {  	v19 =	vadd.f32 v20, v19;
	v20 =	vadd.f32 v22, v21;
	v21 =	vld [tilespmem:$0x19000];
	v22 =	vshll.u32 @!p1 v25, $0x3  }
0x10d: {  	v24 =	vlaneseq.u32 @!p1;
	v23 =	vand.u32 @!p1 $0x7, v25;
	v22 =	vand.u32 @!p1 $0xFFFFFFC0, v22  }
0x10e: {  	v22 =	vor.u32 @!p1 v23, v22;
	v23 =	vand.u32 @!p1 $0x7, v24;
	v24 =	vshrl.u32 @!p1 v24, $0x3  }
0x10f: {  	v19 =	vadd.f32 v20, v19;
	v20 =	vperm.xlane @!p1 v22, v23;
	v22 =	vmul.u32 @!p1 $0x8, v24;
	_ =	sdelay $0x1  }
0x110: {  	vm1 =	veq.s32 v63, $0x0;
	v19 =	vadd.f32 v21, v19;
	v20 =	vadd.s32 @!p1 v22, v20  }
0x111: {  	v21 =	vsel vm1, $0xC61C4000, v18  }
0x112: {  	v19 =	vadd.f32 v19, v21;
	_ =	sdelay $0x1  }
0x113: {  	s13 =	simm.s32 @!p1 $0x9000;
	s0 =	simm.s32 @!p1 $0x0;
	vm1 =	vmmov @!p1 $0xffff;
	[tilespmem:s12+$0x1AA70] =	vst v19  }
0x114: {  	v19 =	vld @!p1 [tilespmem:s12+$0x100];
	[tilespmem:s13], [sflag:$0x1] =	stream.indirect_vreg.gather @!p1 [hbm4b:s1+s0], $0x80, v20, vm1, $0xb8;
	[tilespmem:$0x1CA70] =	vst v63  }
0x115: {  	s13 =	simm.s32 @!p1 $0x9800  }
0x116: {  	[tilespmem:s13], [sflag:$0x1] =	stream.indirect_vreg.gather @!p1 [hbm4b:s7+s0], $0x80, v20, vm1, $0xb8;
	[tilespmem:$0x1CA70] =	vst v63  }
0x117: {  	s13 =	simm.s32 @!p1 $0xA000  }
0x118: {  	[tilespmem:s13], [sflag:$0x1] =	stream.indirect_vreg.gather @!p1 [hbm4b:s8+s0], $0x80, v20, vm1, $0xb8;
	[tilespmem:$0x1CA70] =	vst v63  }
0x119: {  	s13 =	simm.s32 @!p1 $0xA800  }
0x11a: {  	[tilespmem:s13], [sflag:$0x1] =	stream.indirect_vreg.gather @!p1 [hbm4b:s9+s0], $0x80, v20, vm1, $0xb8;
	[tilespmem:$0x1CA70] =	vst v63  }
0x11b: {  	v20 =	vld.msk @!p1 [tilespmem:s12+$0x108], $0xff;
	_ =	sdelay $0x4  }
0x11c: {  	v21 =	vshll.u32 @!p1 v20, $0x3  }
0x11d: {  	v20 =	vand.u32 @!p1 $0x7, v20;
	v21 =	vand.u32 @!p1 $0xFFFFFFC0, v21  }
0x11e: {  	v20 =	vor.u32 @!p1 v20, v21  }
0x11f: {  	v20 =	vperm.xlane @!p1 v20, v23;
	_ =	sdelay $0x1  }
0x120: {  	v20 =	vadd.s32 @!p1 v22, v20;
	_ =	sdelay $0x3  }
0x121: {  	s13 =	simm.s32 @!p1 $0xB000  }
0x122: {  	[tilespmem:s13], [sflag:$0x5] =	stream.indirect_vreg.gather @!p1 [hbm4b:s1+s0], $0x80, v20, vm1, $0xb8;
	[tilespmem:$0x1CA70] =	vst v63  }
0x123: {  	s13 =	simm.s32 @!p1 $0xB800  }
0x124: {  	[tilespmem:s13], [sflag:$0x5] =	stream.indirect_vreg.gather @!p1 [hbm4b:s7+s0], $0x80, v20, vm1, $0xb8;
	[tilespmem:$0x1CA70] =	vst v63  }
0x125: {  	s13 =	simm.s32 @!p1 $0xC000  }
0x126: {  	[tilespmem:s13], [sflag:$0x5] =	stream.indirect_vreg.gather @!p1 [hbm4b:s8+s0], $0x80, v20, vm1, $0xb8;
	[tilespmem:$0x1CA70] =	vst v63  }
0x127: {  	s13 =	simm.s32 @!p1 $0xC800  }
0x128: {  	[tilespmem:s13], [sflag:$0x5] =	stream.indirect_vreg.gather @!p1 [hbm4b:s9+s0], $0x80, v20, vm1, $0xb8;
	[tilespmem:$0x1CA70] =	vst v63  }
0x129: {  	s0 =	simm.s32 @!p1 $0x19000  }
0x12a: {  	[tilespmem:s0], [sflag:$0x9] =	stream.indirect_vreg.gather @!p1 [spmem:s2], $0x1, v19, vm1, $0xb8;
	[tilespmem:$0x1CA70] =	vst v63  }
0x12b: {  	_ =	swait.ge [sflag:s20], $0x2000  }
0x12c: {  	[sflag:s20] =	ssyncset.done $0x0  }
0x12d: {  	[sflag:s20] =	ssyncadd.s32 $0xFFFFE000  }
0x12e: {  	s26 =	simm.s32 $0x0;
	_ =	swait.ge [sflag:s21], $0x2000  }
0x12f: {  	s28 =	sand.u32 $0x70, s26;
	s29 =	sand.u32 $0x1C00, s26;
	[sflag:s21] =	ssyncset.done $0x0  }
0x130: {  	s30 =	sor.u32 s28, s29;
	s0 =	sadd.s32 s29, s24;
	[sflag:s21] =	ssyncadd.s32 $0xFFFFE000  }
0x131: {  	s26 =	sadd.s32 s28, s0;
	v21 =	vld [tilespmem:s30+$0xD380]  }
0x132: {  	v20 =	vld [tilespmem:s26+$0x0]  }
0x133: {  	v22 =	vld [tilespmem:s30+$0xD000]  }
0x134: {  	v32 =	vld [tilespmem:s30+$0xD080]  }
0x135: {  	v28 =	vimm.f32 $0.0e+00;
	v26 =	vimm.f32 $0.0e+00;
	v31 =	vld [tilespmem:s30+$0xD100]  }
0x136: {  	v27 =	vimm.f32 $0.0e+00;
	v25 =	vimm.f32 $0.0e+00;
	v24 =	vimm.f32 $0.0e+00;
	v29 =	vld [tilespmem:s30+$0xD180]  }
0x137: {  	s31 =	simm.s32 $0x80;
	s25 =	simm.s32 $0x10;
	v23 =	vimm.f32 $0.0e+00;
	v19 =	vimm.f32 $0.0e+00;
	v30 =	vld [tilespmem:s30+$0xD200];
	v34 =	vmul.f32 v21, v20  }
0x138: {  	s16 =	sand.u32 $0x1C00, s31;
	s13 =	sand.u32 $0x70, s25;
	s0 =	simm.s32 $0x20;
	v33 =	vld [tilespmem:s30+$0xD280];
	v35 =	vmul.f32 v22, v20;
	v21 =	vimm.f32 $0.0e+00;
	v22 =	vimm.f32 $0.0e+00  }
.LBB2_7:
0x139: {  	p2 =	sne.s32 s0, $0x3F0;
	s17 =	sadd.s32 s16, s24;
	v32 =	vmul.f32 v32, v20;
	v36 =	vld [tilespmem:s30+$0xD300];
	s30 =	sor.u32 s13, s16;
	v25 =	vadd.f32 v34, v25  }
0x13a: {  	s13 =	sadd.s32 s13, s17;
	v34 =	vld [tilespmem:s30+$0xD380];
	v26 =	vadd.f32 v35, v26;
	v31 =	vmul.f32 v31, v20  }
0x13b: {  	v35 =	vld [tilespmem:s13+$0x0];
	v27 =	vadd.f32 v32, v27;
	v29 =	vmul.f32 v29, v20  }
0x13c: {  	v37 =	vld [tilespmem:s30+$0xD000];
	v28 =	vadd.f32 v31, v28;
	v30 =	vmul.f32 v30, v20  }
.Ltmp4:
0x13d: {  	v32 =	vld [tilespmem:s30+$0xD080];
	v23 =	vadd.f32 v29, v23;
	v33 =	vmul.f32 v33, v20;
	(pc) =	sbr.rel @p2 .LBB2_7-.Ltmp4, $4  }
0x13e: {  	v31 =	vld [tilespmem:s30+$0xD100];
	v24 =	vadd.f32 v30, v24;
	v36 =	vmul.f32 v36, v20  }
0x13f: {  	v29 =	vld [tilespmem:s30+$0xD180];
	v21 =	vadd.f32 v33, v21  }
0x140: {  	s31 =	sadd.s32 $0x80, s31;
	v30 =	vld [tilespmem:s30+$0xD200];
	v34 =	vmul.f32 v34, v35;
	v22 =	vadd.f32 v36, v22;
	v20 =	vmov v35  }
0x141: {  	s16 =	sand.u32 $0x1C00, s31;
	s13 =	sand.u32 $0x70, s0;
	s0 =	sadd.s32 $0x10, s0;
	v35 =	vmul.f32 v37, v20;
	v33 =	vld [tilespmem:s30+$0xD280]  }
0x142: {  	s31 =	sor.u32 s13, s16;
	v36 =	vld [tilespmem:s30+$0xD300]  }
0x143: {  	v37 =	vld [tilespmem:s31+$0xD380]  }
0x144: {  	v39 =	vld [tilespmem:s31+$0xD000]  }
0x145: {  	v40 =	vld [tilespmem:s31+$0xD080]  }
0x146: {  	s0 =	sadd.s32 s16, s24;
	v41 =	vld [tilespmem:s31+$0xD100]  }
0x147: {  	s0 =	sadd.s32 s13, s0;
	v42 =	vld [tilespmem:s31+$0xD180]  }
0x148: {  	v32 =	vmul.f32 v32, v20;
	v25 =	vadd.f32 v34, v25;
	v31 =	vmul.f32 v31, v20;
	v38 =	vld [tilespmem:s0+$0x0]  }
0x149: {  	v26 =	vadd.f32 v35, v26;
	v59 =	vld [tilespmem:s31+$0xD300];
	v35 =	vimm.f32 $0.0e+00;
	v29 =	vmul.f32 v29, v20  }
0x14a: {  	v57 =	vld [tilespmem:s31+$0xD200];
	v27 =	vadd.f32 v32, v27;
	v31 =	vadd.f32 v31, v28;
	v28 =	vmul.f32 v30, v20  }
0x14b: {  	s28 =	sor.u32 s28, s29;
	v58 =	vld [tilespmem:s31+$0xD280];
	v32 =	vimm.f32 $0.0e+00;
	v23 =	vadd.f32 v29, v23;
	v29 =	vmul.f32 v33, v20  }
0x14c: {  	v60 =	vld [tilespmem:s28+$0xF380];
	v33 =	vimm.f32 $0.0e+00;
	v20 =	vmul.f32 v36, v20;
	v24 =	vadd.f32 v28, v24  }
0x14d: {  	v62 =	vld [tilespmem:s28+$0xF000];
	v61 =	vadd.f32 v29, v21;
	v28 =	vmul.f32 v37, v38;
	v30 =	vmul.f32 v39, v38  }
0x14e: {  	v21 =	vld [tilespmem:s26+$0x0];
	v22 =	vadd.f32 v20, v22;
	v29 =	vmul.f32 v40, v38;
	v63 =	vmul.f32 v59, v38  }
0x14f: {  	v20 =	vadd.f32 v28, v25;
	v25 =	vadd.f32 v30, v26;
	v26 =	vmul.f32 v41, v38  }
0x150: {  	v34 =	vmul.f32 v57, v38;
	v40 =	vld [tilespmem:s28+$0xF080];
	v28 =	vadd.f32 v29, v27;
	v27 =	vmul.f32 v42, v38  }
0x151: {  	v39 =	vld [tilespmem:s28+$0xF100];
	v22 =	vadd.f32 v63, v22;
	v30 =	vadd.f32 v26, v31;
	v31 =	vmul.f32 v58, v38  }
0x152: {  	v36 =	vimm.f32 $0.0e+00;
	v29 =	vadd.f32 v27, v23;
	v26 =	vadd.f32 v34, v24;
	v38 =	vld [tilespmem:s28+$0xF180]  }
0x153: {  	s26 =	simm.s32 $0x80;
	v37 =	vld [tilespmem:s28+$0xF200];
	v42 =	vmul.f32 v62, v21;
	v23 =	vadd.f32 v31, v61;
	v31 =	vmul.f32 v60, v21  }
0x154: {  	s13 =	sand.u32 $0x70, s25;
	s0 =	simm.s32 $0x20;
	s16 =	sand.u32 $0x1C00, s26;
	v41 =	vld [tilespmem:s28+$0xF280];
	v34 =	vimm.f32 $0.0e+00;
	v27 =	vimm.f32 $0.0e+00;
	v24 =	vimm.f32 $0.0e+00  }
.LBB2_9:
0x155: {  	p2 =	sne.s32 s0, $0x3F0;
	s17 =	sadd.s32 s16, s24;
	v40 =	vmul.f32 v40, v21;
	v43 =	vld [tilespmem:s28+$0xF300];
	s28 =	sor.u32 s13, s16;
	v19 =	vadd.f32 v31, v19  }
0x156: {  	s13 =	sadd.s32 s13, s17;
	v31 =	vld [tilespmem:s28+$0xF380];
	v34 =	vadd.f32 v42, v34;
	v39 =	vmul.f32 v39, v21  }
0x157: {  	v42 =	vld [tilespmem:s13+$0x0];
	v35 =	vadd.f32 v40, v35;
	v38 =	vmul.f32 v38, v21  }
0x158: {  	v44 =	vld [tilespmem:s28+$0xF000];
	v36 =	vadd.f32 v39, v36;
	v37 =	vmul.f32 v37, v21  }
.Ltmp5:
0x159: {  	v40 =	vld [tilespmem:s28+$0xF080];
	v33 =	vadd.f32 v38, v33;
	v41 =	vmul.f32 v41, v21;
	(pc) =	sbr.rel @p2 .LBB2_9-.Ltmp5, $4  }
0x15a: {  	v39 =	vld [tilespmem:s28+$0xF100];
	v32 =	vadd.f32 v37, v32;
	v43 =	vmul.f32 v43, v21  }
0x15b: {  	v38 =	vld [tilespmem:s28+$0xF180];
	v27 =	vadd.f32 v41, v27  }
0x15c: {  	s26 =	sadd.s32 $0x80, s26;
	v37 =	vld [tilespmem:s28+$0xF200];
	v31 =	vmul.f32 v31, v42;
	v24 =	vadd.f32 v43, v24;
	v21 =	vmov v42  }
0x15d: {  	s16 =	sand.u32 $0x1C00, s26;
	s13 =	sand.u32 $0x70, s0;
	s0 =	sadd.s32 $0x10, s0;
	v42 =	vmul.f32 v44, v21;
	v41 =	vld [tilespmem:s28+$0xF280]  }
0x15e: {  	s19 =	sor.u32 s13, s16;
	v43 =	vld [tilespmem:s28+$0xF300]  }
0x15f: {  	v44 =	vld [tilespmem:s19+$0xF380]  }
0x160: {  	v46 =	vld [tilespmem:s19+$0xF000]  }
0x161: {  	v47 =	vld [tilespmem:s19+$0xF080]  }
0x162: {  	v48 =	vld [tilespmem:s19+$0xF100]  }
0x163: {  	v49 =	vld [tilespmem:s19+$0xF180]  }
0x164: {  	v50 =	vld [tilespmem:s19+$0xF200]  }
0x165: {  	s0 =	sadd.s32 s16, s24;
	v51 =	vld [tilespmem:s19+$0xF280]  }
0x166: {  	s0 =	sadd.s32 s13, s0;
	v52 =	vld [tilespmem:s19+$0xF300]  }
0x167: {  	v45 =	vld [tilespmem:s0+$0x0];
	[tilespmem:$0x1BA70] =	vst v25  }
0x168: {  	[tilespmem:$0x1BAF0] =	vst v28  }
0x169: {  	[tilespmem:$0x1BB70] =	vst v30  }
0x16a: {  	v25 =	vmul.f32 v40, v21;
	v28 =	vmul.f32 v39, v21;
	[tilespmem:$0x1BBF0] =	vst v29  }
0x16b: {  	v29 =	vmul.f32 v38, v21;
	[tilespmem:$0x1BC70] =	vst v26;
	v57 =	vmul.f32 v37, v21  }
0x16c: {  	v30 =	vadd.f32 v42, v34;
	[tilespmem:$0x1BCF0] =	vst v23;
	v23 =	vmul.f32 v41, v21;
	v26 =	vmul.f32 v46, v45  }
0x16d: {  	[tilespmem:$0x1BDF0] =	vst v20;
	v25 =	vadd.f32 v25, v35;
	v20 =	vmul.f32 v43, v21;
	v58 =	vmul.f32 v47, v45  }
0x16e: {  	v23 =	vadd.f32 v23, v27;
	v27 =	vmul.f32 v51, v45;
	v26 =	vadd.f32 v26, v30  }
0x16f: {  	[tilespmem:$0x1BD70] =	vst v22;
	v28 =	vadd.f32 v28, v36;
	v30 =	vmul.f32 v48, v45;
	v25 =	vadd.f32 v58, v25  }
0x170: {  	v20 =	vadd.f32 v20, v24;
	v24 =	vmul.f32 v52, v45;
	v23 =	vadd.f32 v27, v23;
	[tilespmem:$0x1BE70] =	vst v26  }
0x171: {  	v29 =	vadd.f32 v29, v33;
	v59 =	vmul.f32 v49, v45;
	v21 =	vadd.f32 v30, v28;
	[tilespmem:$0x1BEF0] =	vst v25  }
0x172: {  	v22 =	vadd.f32 v57, v32;
	v20 =	vadd.f32 v24, v20;
	v28 =	vmul.f32 v50, v45;
	[tilespmem:$0x1C0F0] =	vst v23  }
0x173: {  	v19 =	vadd.f32 v31, v19;
	v26 =	vadd.f32 v59, v29;
	[tilespmem:$0x1BF70] =	vst v21;
	v21 =	vmul.f32 v44, v45  }
0x174: {  	[tilespmem:$0x1C170] =	vst v20;
	v22 =	vadd.f32 v28, v22  }
0x175: {  	[tilespmem:$0x1BFF0] =	vst v26;
	v19 =	vadd.f32 v21, v19  }
0x176: {  	[tilespmem:$0x1C070] =	vst v22  }
0x177: {  	[tilespmem:$0x1C1F0] =	vst v19  }
0x178: {  	v19 =	vld.idx.msk [tilespmem:v0+s18+$0x0], $0xffff  }
0x179: {  	v20 =	vld.idx.msk [tilespmem:v3+s18+$0x0], $0xffff  }
0x17a: {  	v21 =	vld.idx.msk [tilespmem:v4+s18+$0x0], $0xffff  }
0x17b: {  	v22 =	vld.idx.msk [tilespmem:v5+s18+$0x0], $0xffff  }
0x17c: {  	v23 =	vld.idx.msk [tilespmem:v6+s18+$0x0], $0xffff  }
0x17d: {  	v24 =	vld.idx.msk [tilespmem:v7+s18+$0x0], $0xffff  }
0x17e: {  	v25 =	vld.idx.msk [tilespmem:v8+s18+$0x0], $0xffff  }
0x17f: {  	v26 =	vld.idx.msk [tilespmem:v9+s18+$0x0], $0xffff  }
0x180: {  	v27 =	vld.idx.msk [tilespmem:v10+s18+$0x0], $0xffff  }
0x181: {  	v28 =	vld.idx.msk [tilespmem:v11+s18+$0x0], $0xffff  }
0x182: {  	v29 =	vld.idx.msk [tilespmem:v12+s18+$0x0], $0xffff  }
0x183: {  	v30 =	vld.idx.msk [tilespmem:v13+s18+$0x0], $0xffff  }
0x184: {  	v31 =	vld.idx.msk [tilespmem:v14+s18+$0x0], $0xffff  }
0x185: {  	v60 =	vld.idx.msk [tilespmem:v15+s18+$0x0], $0xffff  }
0x186: {  	v61 =	vld.idx.msk [tilespmem:v16+s18+$0x0], $0xffff  }
0x187: {  	s24 =	sor.u32 $0x10, s12;
	v62 =	vld.idx.msk [tilespmem:v17+s18+$0x0], $0xffff  }
0x188: {  	v63 =	vld [tilespmem:s24+$0x0];
	_ =	swait.ge [sflag:s22], $0x10  }
0x189: {  	[sflag:s22] =	ssyncset.done $0x0;
	v19 =	vadd.f32 v20, v19;
	v20 =	vadd.f32 v22, v21  }
0x18a: {  	[sflag:s22] =	ssyncadd.s32 $0xFFFFFFF0;
	v21 =	vadd.f32 v24, v23;
	v22 =	vadd.f32 v26, v25  }
0x18b: {  	v23 =	vadd.f32 v28, v27;
	v24 =	vadd.f32 v30, v29;
	v25 =	vld.msk @!p1 [tilespmem:s12+$0x110], $0xff  }
0x18c: {  	v26 =	vadd.f32 v60, v31;
	v27 =	vadd.f32 v62, v61  }
0x18d: {  	v19 =	vadd.f32 v20, v19;
	v20 =	vadd.f32 v22, v21  }
0x18e: {  	v21 =	vadd.f32 v24, v23;
	v22 =	vadd.f32 v27, v26;
	_ =	sdelay $0x1  }
0x18f: {  	v19 =	vadd.f32 v20, v19;
	v20 =	vadd.f32 v22, v21;
	v21 =	vld [tilespmem:$0x19080];
	v22 =	vshll.u32 @!p1 v25, $0x3  }
0x190: {  	v24 =	vlaneseq.u32 @!p1;
	v23 =	vand.u32 @!p1 $0x7, v25;
	v22 =	vand.u32 @!p1 $0xFFFFFFC0, v22  }
0x191: {  	v22 =	vor.u32 @!p1 v23, v22;
	v23 =	vand.u32 @!p1 $0x7, v24;
	v24 =	vshrl.u32 @!p1 v24, $0x3  }
0x192: {  	v19 =	vadd.f32 v20, v19;
	v20 =	vperm.xlane @!p1 v22, v23;
	v22 =	vmul.u32 @!p1 $0x8, v24;
	_ =	sdelay $0x1  }
0x193: {  	vm2 =	veq.s32 v63, $0x0;
	v19 =	vadd.f32 v21, v19;
	v20 =	vadd.s32 @!p1 v22, v20  }
0x194: {  	v21 =	vsel vm2, $0xC61C4000, v18  }
0x195: {  	v19 =	vadd.f32 v19, v21;
	_ =	sdelay $0x1  }
0x196: {  	s13 =	simm.s32 @!p1 $0xD000;
	s0 =	simm.s32 @!p1 $0x0;
	[tilespmem:s12+$0x1AA80] =	vst v19  }
0x197: {  	v19 =	vld @!p1 [tilespmem:s12+$0x110];
	[tilespmem:s13], [sflag:$0x2] =	stream.indirect_vreg.gather @!p1 [hbm4b:s1+s0], $0x80, v20, vm1, $0xb8;
	[tilespmem:$0x1CA70] =	vst v63  }
0x198: {  	s13 =	simm.s32 @!p1 $0xD800  }
0x199: {  	[tilespmem:s13], [sflag:$0x2] =	stream.indirect_vreg.gather @!p1 [hbm4b:s7+s0], $0x80, v20, vm1, $0xb8;
	[tilespmem:$0x1CA70] =	vst v63  }
0x19a: {  	s13 =	simm.s32 @!p1 $0xE000  }
0x19b: {  	[tilespmem:s13], [sflag:$0x2] =	stream.indirect_vreg.gather @!p1 [hbm4b:s8+s0], $0x80, v20, vm1, $0xb8;
	[tilespmem:$0x1CA70] =	vst v63  }
0x19c: {  	s13 =	simm.s32 @!p1 $0xE800  }
0x19d: {  	[tilespmem:s13], [sflag:$0x2] =	stream.indirect_vreg.gather @!p1 [hbm4b:s9+s0], $0x80, v20, vm1, $0xb8;
	[tilespmem:$0x1CA70] =	vst v63  }
0x19e: {  	v20 =	vld.msk @!p1 [tilespmem:s12+$0x118], $0xff;
	_ =	sdelay $0x4  }
0x19f: {  	v21 =	vshll.u32 @!p1 v20, $0x3  }
0x1a0: {  	v20 =	vand.u32 @!p1 $0x7, v20;
	v21 =	vand.u32 @!p1 $0xFFFFFFC0, v21  }
0x1a1: {  	v20 =	vor.u32 @!p1 v20, v21  }
0x1a2: {  	v20 =	vperm.xlane @!p1 v20, v23;
	_ =	sdelay $0x1  }
0x1a3: {  	v20 =	vadd.s32 @!p1 v22, v20;
	_ =	sdelay $0x3  }
0x1a4: {  	s13 =	simm.s32 @!p1 $0xF000  }
0x1a5: {  	[tilespmem:s13], [sflag:$0x6] =	stream.indirect_vreg.gather @!p1 [hbm4b:s1+s0], $0x80, v20, vm1, $0xb8;
	[tilespmem:$0x1CA70] =	vst v63  }
0x1a6: {  	s13 =	simm.s32 @!p1 $0xF800  }
0x1a7: {  	[tilespmem:s13], [sflag:$0x6] =	stream.indirect_vreg.gather @!p1 [hbm4b:s7+s0], $0x80, v20, vm1, $0xb8;
	[tilespmem:$0x1CA70] =	vst v63  }
0x1a8: {  	s13 =	simm.s32 @!p1 $0x10000  }
0x1a9: {  	[tilespmem:s13], [sflag:$0x6] =	stream.indirect_vreg.gather @!p1 [hbm4b:s8+s0], $0x80, v20, vm1, $0xb8;
	[tilespmem:$0x1CA70] =	vst v63  }
0x1aa: {  	s13 =	simm.s32 @!p1 $0x10800  }
0x1ab: {  	[tilespmem:s13], [sflag:$0x6] =	stream.indirect_vreg.gather @!p1 [hbm4b:s9+s0], $0x80, v20, vm1, $0xb8;
	[tilespmem:$0x1CA70] =	vst v63  }
0x1ac: {  	s0 =	simm.s32 @!p1 $0x19080  }
0x1ad: {  	[tilespmem:s0], [sflag:$0xA] =	stream.indirect_vreg.gather @!p1 [spmem:s2], $0x1, v19, vm1, $0xb8;
	[tilespmem:$0x1CA70] =	vst v63  }
0x1ae: {  	_ =	swait.ge [sflag:s23], $0x2000  }
0x1af: {  	[sflag:s23] =	ssyncset.done $0x0  }
0x1b0: {  	s26 =	simm.s32 $0x0;
	s24 =	sor.u32 $0x80, s12;
	[sflag:s23] =	ssyncadd.s32 $0xFFFFE000  }
0x1b1: {  	s28 =	sand.u32 $0x70, s26;
	s25 =	sand.u32 $0x380, s24;
	_ =	swait.ge [sflag:s4], $0x2000  }
0x1b2: {  	s29 =	sand.u32 $0x1C00, s26;
	s14 =	sadd.s32 s25, s14;
	[sflag:s4] =	ssyncset.done $0x0  }
0x1b3: {  	s30 =	sor.u32 s28, s29;
	s0 =	sadd.s32 s29, s14;
	[sflag:s4] =	ssyncadd.s32 $0xFFFFE000  }
0x1b4: {  	s26 =	sadd.s32 s28, s0;
	v21 =	vld [tilespmem:s30+$0x11380]  }
0x1b5: {  	v20 =	vld [tilespmem:s26+$0x0]  }
0x1b6: {  	v22 =	vld [tilespmem:s30+$0x11000]  }
0x1b7: {  	v32 =	vld [tilespmem:s30+$0x11080]  }
0x1b8: {  	v28 =	vimm.f32 $0.0e+00;
	v26 =	vimm.f32 $0.0e+00;
	v31 =	vld [tilespmem:s30+$0x11100]  }
0x1b9: {  	v27 =	vimm.f32 $0.0e+00;
	v25 =	vimm.f32 $0.0e+00;
	v24 =	vimm.f32 $0.0e+00;
	v29 =	vld [tilespmem:s30+$0x11180]  }
0x1ba: {  	s31 =	simm.s32 $0x80;
	s25 =	simm.s32 $0x10;
	v23 =	vimm.f32 $0.0e+00;
	v19 =	vimm.f32 $0.0e+00;
	v30 =	vld [tilespmem:s30+$0x11200];
	v34 =	vmul.f32 v21, v20  }
0x1bb: {  	s16 =	sand.u32 $0x1C00, s31;
	s13 =	sand.u32 $0x70, s25;
	s0 =	simm.s32 $0x20;
	v33 =	vld [tilespmem:s30+$0x11280];
	v35 =	vmul.f32 v22, v20;
	v21 =	vimm.f32 $0.0e+00;
	v22 =	vimm.f32 $0.0e+00  }
.LBB2_11:
0x1bc: {  	p2 =	sne.s32 s0, $0x3F0;
	s17 =	sadd.s32 s16, s14;
	v32 =	vmul.f32 v32, v20;
	v36 =	vld [tilespmem:s30+$0x11300];
	s30 =	sor.u32 s13, s16;
	v25 =	vadd.f32 v34, v25  }
0x1bd: {  	s13 =	sadd.s32 s13, s17;
	v34 =	vld [tilespmem:s30+$0x11380];
	v26 =	vadd.f32 v35, v26;
	v31 =	vmul.f32 v31, v20  }
0x1be: {  	v35 =	vld [tilespmem:s13+$0x0];
	v27 =	vadd.f32 v32, v27;
	v29 =	vmul.f32 v29, v20  }
0x1bf: {  	v37 =	vld [tilespmem:s30+$0x11000];
	v28 =	vadd.f32 v31, v28;
	v30 =	vmul.f32 v30, v20  }
.Ltmp6:
0x1c0: {  	v32 =	vld [tilespmem:s30+$0x11080];
	v23 =	vadd.f32 v29, v23;
	v33 =	vmul.f32 v33, v20;
	(pc) =	sbr.rel @p2 .LBB2_11-.Ltmp6, $4  }
0x1c1: {  	v31 =	vld [tilespmem:s30+$0x11100];
	v24 =	vadd.f32 v30, v24;
	v36 =	vmul.f32 v36, v20  }
0x1c2: {  	v29 =	vld [tilespmem:s30+$0x11180];
	v21 =	vadd.f32 v33, v21  }
0x1c3: {  	s31 =	sadd.s32 $0x80, s31;
	v30 =	vld [tilespmem:s30+$0x11200];
	v34 =	vmul.f32 v34, v35;
	v22 =	vadd.f32 v36, v22;
	v20 =	vmov v35  }
0x1c4: {  	s16 =	sand.u32 $0x1C00, s31;
	s13 =	sand.u32 $0x70, s0;
	s0 =	sadd.s32 $0x10, s0;
	v35 =	vmul.f32 v37, v20;
	v33 =	vld [tilespmem:s30+$0x11280]  }
0x1c5: {  	s31 =	sor.u32 s13, s16;
	v36 =	vld [tilespmem:s30+$0x11300]  }
0x1c6: {  	v37 =	vld [tilespmem:s31+$0x11380]  }
0x1c7: {  	v39 =	vld [tilespmem:s31+$0x11000]  }
0x1c8: {  	v40 =	vld [tilespmem:s31+$0x11080]  }
0x1c9: {  	s0 =	sadd.s32 s16, s14;
	v41 =	vld [tilespmem:s31+$0x11100]  }
0x1ca: {  	s0 =	sadd.s32 s13, s0;
	v42 =	vld [tilespmem:s31+$0x11180]  }
0x1cb: {  	v32 =	vmul.f32 v32, v20;
	v25 =	vadd.f32 v34, v25;
	v31 =	vmul.f32 v31, v20;
	v38 =	vld [tilespmem:s0+$0x0]  }
0x1cc: {  	v26 =	vadd.f32 v35, v26;
	v59 =	vld [tilespmem:s31+$0x11300];
	v35 =	vimm.f32 $0.0e+00;
	v29 =	vmul.f32 v29, v20  }
0x1cd: {  	v57 =	vld [tilespmem:s31+$0x11200];
	v27 =	vadd.f32 v32, v27;
	v31 =	vadd.f32 v31, v28;
	v28 =	vmul.f32 v30, v20  }
0x1ce: {  	s28 =	sor.u32 s28, s29;
	v58 =	vld [tilespmem:s31+$0x11280];
	v32 =	vimm.f32 $0.0e+00;
	v23 =	vadd.f32 v29, v23;
	v29 =	vmul.f32 v33, v20  }
0x1cf: {  	v60 =	vld [tilespmem:s28+$0x13380];
	v33 =	vimm.f32 $0.0e+00;
	v20 =	vmul.f32 v36, v20;
	v24 =	vadd.f32 v28, v24  }
0x1d0: {  	v62 =	vld [tilespmem:s28+$0x13000];
	v61 =	vadd.f32 v29, v21;
	v28 =	vmul.f32 v37, v38;
	v30 =	vmul.f32 v39, v38  }
0x1d1: {  	v21 =	vld [tilespmem:s26+$0x0];
	v22 =	vadd.f32 v20, v22;
	v29 =	vmul.f32 v40, v38;
	v63 =	vmul.f32 v59, v38  }
0x1d2: {  	v20 =	vadd.f32 v28, v25;
	v25 =	vadd.f32 v30, v26;
	v26 =	vmul.f32 v41, v38  }
0x1d3: {  	v34 =	vmul.f32 v57, v38;
	v40 =	vld [tilespmem:s28+$0x13080];
	v28 =	vadd.f32 v29, v27;
	v27 =	vmul.f32 v42, v38  }
0x1d4: {  	v39 =	vld [tilespmem:s28+$0x13100];
	v22 =	vadd.f32 v63, v22;
	v30 =	vadd.f32 v26, v31;
	v31 =	vmul.f32 v58, v38  }
0x1d5: {  	v36 =	vimm.f32 $0.0e+00;
	v29 =	vadd.f32 v27, v23;
	v26 =	vadd.f32 v34, v24;
	v38 =	vld [tilespmem:s28+$0x13180]  }
0x1d6: {  	s26 =	simm.s32 $0x80;
	v37 =	vld [tilespmem:s28+$0x13200];
	v42 =	vmul.f32 v62, v21;
	v23 =	vadd.f32 v31, v61;
	v31 =	vmul.f32 v60, v21  }
0x1d7: {  	s13 =	sand.u32 $0x70, s25;
	s0 =	simm.s32 $0x20;
	s16 =	sand.u32 $0x1C00, s26;
	v41 =	vld [tilespmem:s28+$0x13280];
	v34 =	vimm.f32 $0.0e+00;
	v27 =	vimm.f32 $0.0e+00;
	v24 =	vimm.f32 $0.0e+00  }
.LBB2_13:
0x1d8: {  	p2 =	sne.s32 s0, $0x3F0;
	s17 =	sadd.s32 s16, s14;
	v40 =	vmul.f32 v40, v21;
	v43 =	vld [tilespmem:s28+$0x13300];
	s28 =	sor.u32 s13, s16;
	v19 =	vadd.f32 v31, v19  }
0x1d9: {  	s13 =	sadd.s32 s13, s17;
	v31 =	vld [tilespmem:s28+$0x13380];
	v34 =	vadd.f32 v42, v34;
	v39 =	vmul.f32 v39, v21  }
0x1da: {  	v42 =	vld [tilespmem:s13+$0x0];
	v35 =	vadd.f32 v40, v35;
	v38 =	vmul.f32 v38, v21  }
0x1db: {  	v44 =	vld [tilespmem:s28+$0x13000];
	v36 =	vadd.f32 v39, v36;
	v37 =	vmul.f32 v37, v21  }
.Ltmp7:
0x1dc: {  	v40 =	vld [tilespmem:s28+$0x13080];
	v33 =	vadd.f32 v38, v33;
	v41 =	vmul.f32 v41, v21;
	(pc) =	sbr.rel @p2 .LBB2_13-.Ltmp7, $4  }
0x1dd: {  	v39 =	vld [tilespmem:s28+$0x13100];
	v32 =	vadd.f32 v37, v32;
	v43 =	vmul.f32 v43, v21  }
0x1de: {  	v38 =	vld [tilespmem:s28+$0x13180];
	v27 =	vadd.f32 v41, v27  }
0x1df: {  	s26 =	sadd.s32 $0x80, s26;
	v37 =	vld [tilespmem:s28+$0x13200];
	v31 =	vmul.f32 v31, v42;
	v24 =	vadd.f32 v43, v24;
	v21 =	vmov v42  }
0x1e0: {  	s16 =	sand.u32 $0x1C00, s26;
	s13 =	sand.u32 $0x70, s0;
	s0 =	sadd.s32 $0x10, s0;
	v42 =	vmul.f32 v44, v21;
	v41 =	vld [tilespmem:s28+$0x13280]  }
0x1e1: {  	s26 =	sor.u32 s13, s16;
	v43 =	vld [tilespmem:s28+$0x13300]  }
0x1e2: {  	v44 =	vld [tilespmem:s26+$0x13380]  }
0x1e3: {  	v46 =	vld [tilespmem:s26+$0x13000]  }
0x1e4: {  	v47 =	vld [tilespmem:s26+$0x13080]  }
0x1e5: {  	v48 =	vld [tilespmem:s26+$0x13100]  }
0x1e6: {  	v49 =	vld [tilespmem:s26+$0x13180]  }
0x1e7: {  	v50 =	vld [tilespmem:s26+$0x13200]  }
0x1e8: {  	s0 =	sadd.s32 s16, s14;
	v51 =	vld [tilespmem:s26+$0x13280]  }
0x1e9: {  	s0 =	sadd.s32 s13, s0;
	v52 =	vld [tilespmem:s26+$0x13300]  }
0x1ea: {  	v45 =	vld [tilespmem:s0+$0x0];
	[tilespmem:$0x1BA70] =	vst v25  }
0x1eb: {  	[tilespmem:$0x1BAF0] =	vst v28  }
0x1ec: {  	[tilespmem:$0x1BB70] =	vst v30  }
0x1ed: {  	v25 =	vmul.f32 v40, v21;
	v28 =	vmul.f32 v39, v21;
	[tilespmem:$0x1BBF0] =	vst v29  }
0x1ee: {  	v29 =	vmul.f32 v38, v21;
	[tilespmem:$0x1BC70] =	vst v26;
	v58 =	vmul.f32 v37, v21  }
0x1ef: {  	v30 =	vadd.f32 v42, v34;
	[tilespmem:$0x1BCF0] =	vst v23;
	v23 =	vmul.f32 v41, v21;
	v26 =	vmul.f32 v46, v45  }
0x1f0: {  	[tilespmem:$0x1BDF0] =	vst v20;
	v25 =	vadd.f32 v25, v35;
	v20 =	vmul.f32 v43, v21;
	v59 =	vmul.f32 v47, v45  }
0x1f1: {  	v23 =	vadd.f32 v23, v27;
	v27 =	vmul.f32 v51, v45;
	v26 =	vadd.f32 v26, v30  }
0x1f2: {  	[tilespmem:$0x1BD70] =	vst v22;
	v28 =	vadd.f32 v28, v36;
	v30 =	vmul.f32 v48, v45;
	v25 =	vadd.f32 v59, v25  }
0x1f3: {  	v20 =	vadd.f32 v20, v24;
	v24 =	vmul.f32 v52, v45;
	v23 =	vadd.f32 v27, v23;
	[tilespmem:$0x1BE70] =	vst v26  }
0x1f4: {  	v29 =	vadd.f32 v29, v33;
	v60 =	vmul.f32 v49, v45;
	v21 =	vadd.f32 v30, v28;
	[tilespmem:$0x1BEF0] =	vst v25  }
0x1f5: {  	v22 =	vadd.f32 v58, v32;
	v20 =	vadd.f32 v24, v20;
	v28 =	vmul.f32 v50, v45;
	[tilespmem:$0x1C0F0] =	vst v23  }
0x1f6: {  	v19 =	vadd.f32 v31, v19;
	v26 =	vadd.f32 v60, v29;
	[tilespmem:$0x1BF70] =	vst v21;
	v21 =	vmul.f32 v44, v45  }
0x1f7: {  	[tilespmem:$0x1C170] =	vst v20;
	v22 =	vadd.f32 v28, v22  }
0x1f8: {  	[tilespmem:$0x1BFF0] =	vst v26;
	v19 =	vadd.f32 v21, v19  }
0x1f9: {  	[tilespmem:$0x1C070] =	vst v22  }
0x1fa: {  	[tilespmem:$0x1C1F0] =	vst v19  }
0x1fb: {  	v19 =	vld.idx.msk [tilespmem:v0+s18+$0x0], $0xffff  }
0x1fc: {  	v20 =	vld.idx.msk [tilespmem:v3+s18+$0x0], $0xffff  }
0x1fd: {  	v21 =	vld.idx.msk [tilespmem:v4+s18+$0x0], $0xffff  }
0x1fe: {  	v22 =	vld.idx.msk [tilespmem:v5+s18+$0x0], $0xffff  }
0x1ff: {  	v23 =	vld.idx.msk [tilespmem:v6+s18+$0x0], $0xffff  }
0x200: {  	v24 =	vld.idx.msk [tilespmem:v7+s18+$0x0], $0xffff  }
0x201: {  	v25 =	vld.idx.msk [tilespmem:v8+s18+$0x0], $0xffff  }
0x202: {  	v26 =	vld.idx.msk [tilespmem:v9+s18+$0x0], $0xffff  }
0x203: {  	v27 =	vld.idx.msk [tilespmem:v10+s18+$0x0], $0xffff  }
0x204: {  	v28 =	vld.idx.msk [tilespmem:v11+s18+$0x0], $0xffff  }
0x205: {  	v29 =	vld.idx.msk [tilespmem:v12+s18+$0x0], $0xffff  }
0x206: {  	v30 =	vld.idx.msk [tilespmem:v13+s18+$0x0], $0xffff  }
0x207: {  	v31 =	vld.idx.msk [tilespmem:v14+s18+$0x0], $0xffff  }
0x208: {  	v61 =	vld.idx.msk [tilespmem:v15+s18+$0x0], $0xffff  }
0x209: {  	v62 =	vld.idx.msk [tilespmem:v16+s18+$0x0], $0xffff  }
0x20a: {  	v63 =	vld.idx.msk [tilespmem:v17+s18+$0x0], $0xffff;
	_ =	sdelay $0x1  }
0x20b: {  	v19 =	vadd.f32 v20, v19;
	v20 =	vadd.f32 v22, v21  }
0x20c: {  	v21 =	vadd.f32 v24, v23;
	v22 =	vadd.f32 v26, v25  }
0x20d: {  	v23 =	vadd.f32 v28, v27;
	v24 =	vadd.f32 v30, v29  }
0x20e: {  	v25 =	vld [tilespmem:s24+$0x0];
	v26 =	vadd.f32 v61, v31;
	v27 =	vadd.f32 v63, v62;
	_ =	swait.ge [sflag:s5], $0x10  }
0x20f: {  	[sflag:s5] =	ssyncset.done $0x0;
	v19 =	vadd.f32 v20, v19;
	v20 =	vadd.f32 v22, v21  }
0x210: {  	v21 =	vadd.f32 v24, v23;
	v22 =	vadd.f32 v27, v26;
	[sflag:s5] =	ssyncadd.s32 $0xFFFFFFF0  }
0x211: {  	v23 =	vld [tilespmem:$0x19100]  }
0x212: {  	v19 =	vadd.f32 v20, v19;
	v20 =	vadd.f32 v22, v21;
	_ =	sdelay $0x1  }
0x213: {  	v19 =	vadd.f32 v20, v19;
	_ =	sdelay $0x1  }
0x214: {  	vm2 =	veq.s32 v25, $0x0;
	v19 =	vadd.f32 v23, v19  }
0x215: {  	v20 =	vsel vm2, $0xC61C4000, v18  }
0x216: {  	v19 =	vadd.f32 v19, v20;
	_ =	sdelay $0x1  }
0x217: {  	[tilespmem:s24+$0x1AA70] =	vst v19  }
0x218: {  	v19 =	vld.msk @!p1 [tilespmem:s12+$0x180], $0xff;
	_ =	sdelay $0x4  }
0x219: {  	v20 =	vshll.u32 @!p1 v19, $0x3  }
0x21a: {  	v21 =	vlaneseq.u32 @!p1;
	v19 =	vand.u32 @!p1 $0x7, v19;
	v20 =	vand.u32 @!p1 $0xFFFFFFC0, v20  }
0x21b: {  	v19 =	vor.u32 @!p1 v19, v20;
	v20 =	vand.u32 @!p1 $0x7, v21;
	v21 =	vshrl.u32 @!p1 v21, $0x3  }
0x21c: {  	v19 =	vperm.xlane @!p1 v19, v20;
	v21 =	vmul.u32 @!p1 $0x8, v21;
	_ =	sdelay $0x1  }
0x21d: {  	v19 =	vadd.s32 @!p1 v21, v19;
	_ =	sdelay $0x3  }
0x21e: {  	s13 =	simm.s32 @!p1 $0x11000;
	s0 =	simm.s32 @!p1 $0x0  }
0x21f: {  	v22 =	vld @!p1 [tilespmem:s12+$0x180];
	[tilespmem:s13], [sflag:$0x3] =	stream.indirect_vreg.gather @!p1 [hbm4b:s1+s0], $0x80, v19, vm1, $0xb8;
	[tilespmem:$0x1CA70] =	vst v63  }
0x220: {  	s13 =	simm.s32 @!p1 $0x11800  }
0x221: {  	[tilespmem:s13], [sflag:$0x3] =	stream.indirect_vreg.gather @!p1 [hbm4b:s7+s0], $0x80, v19, vm1, $0xb8;
	[tilespmem:$0x1CA70] =	vst v63  }
0x222: {  	s13 =	simm.s32 @!p1 $0x12000  }
0x223: {  	[tilespmem:s13], [sflag:$0x3] =	stream.indirect_vreg.gather @!p1 [hbm4b:s8+s0], $0x80, v19, vm1, $0xb8;
	[tilespmem:$0x1CA70] =	vst v63  }
0x224: {  	s13 =	simm.s32 @!p1 $0x12800  }
0x225: {  	[tilespmem:s13], [sflag:$0x3] =	stream.indirect_vreg.gather @!p1 [hbm4b:s9+s0], $0x80, v19, vm1, $0xb8;
	[tilespmem:$0x1CA70] =	vst v63  }
0x226: {  	v19 =	vld.msk @!p1 [tilespmem:s12+$0x188], $0xff;
	_ =	sdelay $0x4  }
0x227: {  	v23 =	vshll.u32 @!p1 v19, $0x3  }
0x228: {  	v19 =	vand.u32 @!p1 $0x7, v19;
	v23 =	vand.u32 @!p1 $0xFFFFFFC0, v23  }
0x229: {  	v19 =	vor.u32 @!p1 v19, v23  }
0x22a: {  	v19 =	vperm.xlane @!p1 v19, v20;
	_ =	sdelay $0x1  }
0x22b: {  	v19 =	vadd.s32 @!p1 v21, v19;
	_ =	sdelay $0x3  }
0x22c: {  	s13 =	simm.s32 @!p1 $0x13000  }
0x22d: {  	[tilespmem:s13], [sflag:$0x7] =	stream.indirect_vreg.gather @!p1 [hbm4b:s1+s0], $0x80, v19, vm1, $0xb8;
	[tilespmem:$0x1CA70] =	vst v63  }
0x22e: {  	s13 =	simm.s32 @!p1 $0x13800  }
0x22f: {  	[tilespmem:s13], [sflag:$0x7] =	stream.indirect_vreg.gather @!p1 [hbm4b:s7+s0], $0x80, v19, vm1, $0xb8;
	[tilespmem:$0x1CA70] =	vst v63  }
0x230: {  	s13 =	simm.s32 @!p1 $0x14000  }
0x231: {  	[tilespmem:s13], [sflag:$0x7] =	stream.indirect_vreg.gather @!p1 [hbm4b:s8+s0], $0x80, v19, vm1, $0xb8;
	[tilespmem:$0x1CA70] =	vst v63  }
0x232: {  	s13 =	simm.s32 @!p1 $0x14800  }
0x233: {  	[tilespmem:s13], [sflag:$0x7] =	stream.indirect_vreg.gather @!p1 [hbm4b:s9+s0], $0x80, v19, vm1, $0xb8;
	[tilespmem:$0x1CA70] =	vst v63  }
0x234: {  	s0 =	simm.s32 @!p1 $0x19100  }
0x235: {  	[tilespmem:s0], [sflag:$0xB] =	stream.indirect_vreg.gather @!p1 [spmem:s2], $0x1, v22, vm1, $0xb8;
	[tilespmem:$0x1CA70] =	vst v63  }
0x236: {  	_ =	swait.ge [sflag:s6], $0x2000  }
0x237: {  	[sflag:s6] =	ssyncset.done $0x0  }
0x238: {  	[sflag:s6] =	ssyncadd.s32 $0xFFFFE000  }
0x239: {  	s31 =	simm.s32 $0x0;
	_ =	swait.ge [sflag:s10], $0x2000  }
0x23a: {  	s26 =	sand.u32 $0x70, s31;
	s28 =	sand.u32 $0x1C00, s31;
	[sflag:s10] =	ssyncset.done $0x0  }
0x23b: {  	s29 =	sor.u32 s26, s28;
	s0 =	sadd.s32 s28, s14;
	[sflag:s10] =	ssyncadd.s32 $0xFFFFE000  }
0x23c: {  	s25 =	sadd.s32 s26, s0;
	v21 =	vld [tilespmem:s29+$0x15380]  }
0x23d: {  	v20 =	vld [tilespmem:s25+$0x0]  }
0x23e: {  	v22 =	vld [tilespmem:s29+$0x15000]  }
0x23f: {  	v32 =	vld [tilespmem:s29+$0x15080]  }
0x240: {  	v28 =	vimm.f32 $0.0e+00;
	v26 =	vimm.f32 $0.0e+00;
	v31 =	vld [tilespmem:s29+$0x15100]  }
0x241: {  	v27 =	vimm.f32 $0.0e+00;
	v24 =	vimm.f32 $0.0e+00;
	v25 =	vimm.f32 $0.0e+00;
	v29 =	vld [tilespmem:s29+$0x15180]  }
0x242: {  	s30 =	simm.s32 $0x80;
	s24 =	simm.s32 $0x10;
	v23 =	vimm.f32 $0.0e+00;
	v19 =	vimm.f32 $0.0e+00;
	v30 =	vld [tilespmem:s29+$0x15200];
	v34 =	vmul.f32 v21, v20  }
0x243: {  	s16 =	sand.u32 $0x1C00, s30;
	s13 =	sand.u32 $0x70, s24;
	s0 =	simm.s32 $0x20;
	v33 =	vld [tilespmem:s29+$0x15280];
	v35 =	vmul.f32 v22, v20;
	v21 =	vimm.f32 $0.0e+00;
	v22 =	vimm.f32 $0.0e+00  }
.LBB2_15:
0x244: {  	p2 =	sne.s32 s0, $0x3F0;
	s17 =	sadd.s32 s16, s14;
	v32 =	vmul.f32 v32, v20;
	v36 =	vld [tilespmem:s29+$0x15300];
	s29 =	sor.u32 s13, s16;
	v25 =	vadd.f32 v34, v25  }
0x245: {  	s13 =	sadd.s32 s13, s17;
	v34 =	vld [tilespmem:s29+$0x15380];
	v26 =	vadd.f32 v35, v26;
	v31 =	vmul.f32 v31, v20  }
0x246: {  	v35 =	vld [tilespmem:s13+$0x0];
	v27 =	vadd.f32 v32, v27;
	v29 =	vmul.f32 v29, v20  }
0x247: {  	v37 =	vld [tilespmem:s29+$0x15000];
	v28 =	vadd.f32 v31, v28;
	v30 =	vmul.f32 v30, v20  }
.Ltmp8:
0x248: {  	v32 =	vld [tilespmem:s29+$0x15080];
	v23 =	vadd.f32 v29, v23;
	v33 =	vmul.f32 v33, v20;
	(pc) =	sbr.rel @p2 .LBB2_15-.Ltmp8, $4  }
0x249: {  	v31 =	vld [tilespmem:s29+$0x15100];
	v24 =	vadd.f32 v30, v24;
	v36 =	vmul.f32 v36, v20  }
0x24a: {  	v29 =	vld [tilespmem:s29+$0x15180];
	v21 =	vadd.f32 v33, v21  }
0x24b: {  	s30 =	sadd.s32 $0x80, s30;
	v30 =	vld [tilespmem:s29+$0x15200];
	v34 =	vmul.f32 v34, v35;
	v22 =	vadd.f32 v36, v22;
	v20 =	vmov v35  }
0x24c: {  	s16 =	sand.u32 $0x1C00, s30;
	s13 =	sand.u32 $0x70, s0;
	s0 =	sadd.s32 $0x10, s0;
	v35 =	vmul.f32 v37, v20;
	v33 =	vld [tilespmem:s29+$0x15280]  }
0x24d: {  	s31 =	sor.u32 s13, s16;
	v36 =	vld [tilespmem:s29+$0x15300]  }
0x24e: {  	v37 =	vld [tilespmem:s31+$0x15380]  }
0x24f: {  	v39 =	vld [tilespmem:s31+$0x15000]  }
0x250: {  	v40 =	vld [tilespmem:s31+$0x15080]  }
0x251: {  	s0 =	sadd.s32 s16, s14;
	v41 =	vld [tilespmem:s31+$0x15100]  }
0x252: {  	s0 =	sadd.s32 s13, s0;
	v42 =	vld [tilespmem:s31+$0x15180]  }
0x253: {  	v32 =	vmul.f32 v32, v20;
	v25 =	vadd.f32 v34, v25;
	v31 =	vmul.f32 v31, v20;
	v38 =	vld [tilespmem:s0+$0x0]  }
0x254: {  	v26 =	vadd.f32 v35, v26;
	v59 =	vld [tilespmem:s31+$0x15300];
	v35 =	vimm.f32 $0.0e+00;
	v29 =	vmul.f32 v29, v20  }
0x255: {  	v57 =	vld [tilespmem:s31+$0x15200];
	v27 =	vadd.f32 v32, v27;
	v31 =	vadd.f32 v31, v28;
	v28 =	vmul.f32 v30, v20  }
0x256: {  	s26 =	sor.u32 s26, s28;
	v58 =	vld [tilespmem:s31+$0x15280];
	v32 =	vimm.f32 $0.0e+00;
	v23 =	vadd.f32 v29, v23;
	v29 =	vmul.f32 v33, v20  }
0x257: {  	v60 =	vld [tilespmem:s26+$0x17380];
	v33 =	vimm.f32 $0.0e+00;
	v20 =	vmul.f32 v36, v20;
	v24 =	vadd.f32 v28, v24  }
0x258: {  	v62 =	vld [tilespmem:s26+$0x17000];
	v61 =	vadd.f32 v29, v21;
	v28 =	vmul.f32 v37, v38;
	v30 =	vmul.f32 v39, v38  }
0x259: {  	v21 =	vld [tilespmem:s25+$0x0];
	v22 =	vadd.f32 v20, v22;
	v29 =	vmul.f32 v40, v38;
	v63 =	vmul.f32 v59, v38  }
0x25a: {  	v20 =	vadd.f32 v28, v25;
	v25 =	vadd.f32 v30, v26;
	v26 =	vmul.f32 v41, v38  }
0x25b: {  	v34 =	vmul.f32 v57, v38;
	v40 =	vld [tilespmem:s26+$0x17080];
	v28 =	vadd.f32 v29, v27;
	v27 =	vmul.f32 v42, v38  }
0x25c: {  	v39 =	vld [tilespmem:s26+$0x17100];
	v22 =	vadd.f32 v63, v22;
	v30 =	vadd.f32 v26, v31;
	v31 =	vmul.f32 v58, v38  }
0x25d: {  	v36 =	vimm.f32 $0.0e+00;
	v29 =	vadd.f32 v27, v23;
	v26 =	vadd.f32 v34, v24;
	v38 =	vld [tilespmem:s26+$0x17180]  }
0x25e: {  	s25 =	simm.s32 $0x80;
	v37 =	vld [tilespmem:s26+$0x17200];
	v42 =	vmul.f32 v62, v21;
	v23 =	vadd.f32 v31, v61;
	v31 =	vmul.f32 v60, v21  }
0x25f: {  	s13 =	sand.u32 $0x70, s24;
	s0 =	simm.s32 $0x20;
	s16 =	sand.u32 $0x1C00, s25;
	v41 =	vld [tilespmem:s26+$0x17280];
	v34 =	vimm.f32 $0.0e+00;
	v27 =	vimm.f32 $0.0e+00;
	v24 =	vimm.f32 $0.0e+00  }
.LBB2_17:
0x260: {  	p2 =	sne.s32 s0, $0x3F0;
	s17 =	sadd.s32 s16, s14;
	v40 =	vmul.f32 v40, v21;
	v43 =	vld [tilespmem:s26+$0x17300];
	s26 =	sor.u32 s13, s16;
	v19 =	vadd.f32 v31, v19  }
0x261: {  	s13 =	sadd.s32 s13, s17;
	v31 =	vld [tilespmem:s26+$0x17380];
	v34 =	vadd.f32 v42, v34;
	v39 =	vmul.f32 v39, v21  }
0x262: {  	v42 =	vld [tilespmem:s13+$0x0];
	v35 =	vadd.f32 v40, v35;
	v38 =	vmul.f32 v38, v21  }
0x263: {  	v44 =	vld [tilespmem:s26+$0x17000];
	v36 =	vadd.f32 v39, v36;
	v37 =	vmul.f32 v37, v21  }
.Ltmp9:
0x264: {  	v40 =	vld [tilespmem:s26+$0x17080];
	v33 =	vadd.f32 v38, v33;
	v41 =	vmul.f32 v41, v21;
	(pc) =	sbr.rel @p2 .LBB2_17-.Ltmp9, $4  }
0x265: {  	v39 =	vld [tilespmem:s26+$0x17100];
	v32 =	vadd.f32 v37, v32;
	v43 =	vmul.f32 v43, v21  }
0x266: {  	v38 =	vld [tilespmem:s26+$0x17180];
	v27 =	vadd.f32 v41, v27  }
0x267: {  	s25 =	sadd.s32 $0x80, s25;
	v37 =	vld [tilespmem:s26+$0x17200];
	v31 =	vmul.f32 v31, v42;
	v24 =	vadd.f32 v43, v24;
	v21 =	vmov v42  }
0x268: {  	s16 =	sand.u32 $0x1C00, s25;
	s13 =	sand.u32 $0x70, s0;
	s0 =	sadd.s32 $0x10, s0;
	v42 =	vmul.f32 v44, v21;
	v41 =	vld [tilespmem:s26+$0x17280]  }
0x269: {  	s30 =	sor.u32 s13, s16;
	v43 =	vld [tilespmem:s26+$0x17300]  }
0x26a: {  	v44 =	vld [tilespmem:s30+$0x17380]  }
0x26b: {  	v46 =	vld [tilespmem:s30+$0x17000]  }
0x26c: {  	v47 =	vld [tilespmem:s30+$0x17080]  }
0x26d: {  	v48 =	vld [tilespmem:s30+$0x17100]  }
0x26e: {  	v49 =	vld [tilespmem:s30+$0x17180]  }
0x26f: {  	s0 =	sadd.s32 s16, s14;
	v50 =	vld [tilespmem:s30+$0x17200]  }
0x270: {  	s0 =	sadd.s32 s13, s0;
	v51 =	vld [tilespmem:s30+$0x17280]  }
0x271: {  	v45 =	vld [tilespmem:s0+$0x0]  }
0x272: {  	v52 =	vld [tilespmem:s30+$0x17300];
	[tilespmem:$0x1BA70] =	vst v25  }
0x273: {  	[tilespmem:$0x1BAF0] =	vst v28  }
0x274: {  	v55 =	vmul.f32 v40, v21;
	v56 =	vmul.f32 v39, v21;
	[tilespmem:$0x1BB70] =	vst v30  }
0x275: {  	v57 =	vadd.f32 v42, v34;
	[tilespmem:$0x1BBF0] =	vst v29;
	v58 =	vmul.f32 v38, v21  }
0x276: {  	v25 =	vadd.f32 v55, v35;
	[tilespmem:$0x1BC70] =	vst v26;
	v28 =	vadd.f32 v56, v36;
	v59 =	vmul.f32 v46, v45  }
0x277: {  	[tilespmem:$0x1BCF0] =	vst v23;
	v60 =	vmul.f32 v37, v21;
	v29 =	vadd.f32 v58, v33;
	v61 =	vmul.f32 v47, v45  }
0x278: {  	[tilespmem:$0x1BD70] =	vst v22;
	v62 =	vmul.f32 v41, v21;
	v63 =	vmul.f32 v48, v45;
	v26 =	vadd.f32 v59, v57  }
0x279: {  	[tilespmem:$0x1BDF0] =	vst v20;
	v36 =	vadd.f32 v60, v32;
	v37 =	vmul.f32 v49, v45;
	v25 =	vadd.f32 v61, v25  }
0x27a: {  	v20 =	vmul.f32 v43, v21;
	v39 =	vmul.f32 v50, v45;
	v38 =	vadd.f32 v63, v28;
	[tilespmem:$0x1BE70] =	vst v26  }
0x27b: {  	v23 =	vadd.f32 v62, v27;
	v41 =	vmul.f32 v51, v45;
	v40 =	vadd.f32 v37, v29;
	[tilespmem:$0x1BEF0] =	vst v25  }
0x27c: {  	v20 =	vadd.f32 v20, v24;
	v42 =	vmul.f32 v52, v45;
	v22 =	vadd.f32 v39, v36;
	[tilespmem:$0x1BF70] =	vst v38  }
0x27d: {  	v19 =	vadd.f32 v31, v19;
	v43 =	vmul.f32 v44, v45;
	v23 =	vadd.f32 v41, v23;
	[tilespmem:$0x1BFF0] =	vst v40  }
0x27e: {  	v20 =	vadd.f32 v42, v20;
	[tilespmem:$0x1C070] =	vst v22  }
0x27f: {  	v19 =	vadd.f32 v43, v19;
	[tilespmem:$0x1C0F0] =	vst v23  }
0x280: {  	[tilespmem:$0x1C170] =	vst v20  }
0x281: {  	[tilespmem:$0x1C1F0] =	vst v19  }
0x282: {  	v19 =	vld.idx.msk [tilespmem:v0+s18+$0x0], $0xffff  }
0x283: {  	v20 =	vld.idx.msk [tilespmem:v3+s18+$0x0], $0xffff  }
0x284: {  	v44 =	vld.idx.msk [tilespmem:v4+s18+$0x0], $0xffff  }
0x285: {  	v22 =	vld.idx.msk [tilespmem:v5+s18+$0x0], $0xffff  }
0x286: {  	v23 =	vld.idx.msk [tilespmem:v6+s18+$0x0], $0xffff  }
0x287: {  	v45 =	vld.idx.msk [tilespmem:v7+s18+$0x0], $0xffff  }
0x288: {  	v25 =	vld.idx.msk [tilespmem:v8+s18+$0x0], $0xffff  }
0x289: {  	v26 =	vld.idx.msk [tilespmem:v9+s18+$0x0], $0xffff  }
0x28a: {  	v46 =	vld.idx.msk [tilespmem:v10+s18+$0x0], $0xffff  }
0x28b: {  	v47 =	vld.idx.msk [tilespmem:v11+s18+$0x0], $0xffff  }
0x28c: {  	v48 =	vld.idx.msk [tilespmem:v12+s18+$0x0], $0xffff  }
0x28d: {  	v49 =	vld.idx.msk [tilespmem:v13+s18+$0x0], $0xffff  }
0x28e: {  	v50 =	vld.idx.msk [tilespmem:v14+s18+$0x0], $0xffff  }
0x28f: {  	v51 =	vld.idx.msk [tilespmem:v15+s18+$0x0], $0xffff  }
0x290: {  	v52 =	vld.idx.msk [tilespmem:v16+s18+$0x0], $0xffff  }
0x291: {  	v53 =	vld.idx.msk [tilespmem:v17+s18+$0x0], $0xffff;
	_ =	sdelay $0x1  }
0x292: {  	v19 =	vadd.f32 v20, v19;
	v20 =	vadd.f32 v22, v44  }
0x293: {  	v54 =	vadd.f32 v45, v23;
	v55 =	vadd.f32 v26, v25  }
0x294: {  	s31 =	sor.u32 $0x90, s12;
	v56 =	vadd.f32 v47, v46;
	v57 =	vadd.f32 v49, v48  }
0x295: {  	v58 =	vld [tilespmem:s31+$0x0];
	_ =	swait.ge [sflag:s11], $0x10;
	v59 =	vadd.f32 v51, v50;
	v60 =	vadd.f32 v53, v52  }
0x296: {  	[sflag:s11] =	ssyncset.done $0x0;
	v19 =	vadd.f32 v20, v19;
	v20 =	vadd.f32 v55, v54  }
0x297: {  	[sflag:s11] =	ssyncadd.s32 $0xFFFFFFF0;
	v61 =	vadd.f32 v57, v56;
	v62 =	vadd.f32 v60, v59  }
0x298: {  	v63 =	vld [tilespmem:$0x19180]  }
0x299: {  	v19 =	vadd.f32 v20, v19;
	v20 =	vadd.f32 v62, v61;
	_ =	sdelay $0x1  }
0x29a: {  	v19 =	vadd.f32 v20, v19;
	_ =	sdelay $0x1  }
.Ltmp10:
0x29b: {  	vm1 =	veq.s32 v58, $0x0;
	v19 =	vadd.f32 v63, v19;
	(pc) =	sbr.rel @p1 .LBB2_20-.Ltmp10, $3  }
0x29c: {  	v20 =	vsel vm1, $0xC61C4000, v18  }
0x29d: {  	v19 =	vadd.f32 v19, v20;
	_ =	sdelay $0x1  }
0x29e: {  	[tilespmem:s12+$0x1AB00] =	vst v19  }
0x29f: {  	v19 =	vld.msk [tilespmem:s12+$0x190], $0xff;
	_ =	sdelay $0x4  }
0x2a0: {  	v20 =	vshll.u32 v19, $0x3  }
0x2a1: {  	v19 =	vand.u32 $0x7, v19;
	v20 =	vand.u32 $0xFFFFFFC0, v20  }
0x2a2: {  	v19 =	vor.u32 v19, v20  }
0x2a3: {  	v19 =	vperm.xlane v19, v1;
	_ =	sdelay $0x1  }
0x2a4: {  	v19 =	vadd.s32 v2, v19;
	_ =	sdelay $0x3  }
0x2a5: {  	s0 =	simm.s32 $0x15000  }
0x2a6: {  	v20 =	vld [tilespmem:s12+$0x190];
	[tilespmem:s0], [sflag:$0x4] =	stream.indirect_vreg.gather [hbm4b:s1+s3], $0x80, v19, vm0, $0xb8  }
0x2a7: {  	s19 =	simm.s32 $0x15800  }
0x2a8: {  	[tilespmem:s19], [sflag:$0x4] =	stream.indirect_vreg.gather [hbm4b:s7+s3], $0x80, v19, vm0, $0xb8;
	[tilespmem:$0x1CA70] =	vst v63  }
0x2a9: {  	s24 =	simm.s32 $0x16000  }
0x2aa: {  	[tilespmem:s24], [sflag:$0x4] =	stream.indirect_vreg.gather [hbm4b:s8+s3], $0x80, v19, vm0, $0xb8;
	[tilespmem:$0x1CA70] =	vst v63  }
0x2ab: {  	s25 =	simm.s32 $0x16800  }
0x2ac: {  	[tilespmem:s25], [sflag:$0x4] =	stream.indirect_vreg.gather [hbm4b:s9+s3], $0x80, v19, vm0, $0xb8;
	[tilespmem:$0x1CA70] =	vst v63  }
0x2ad: {  	v19 =	vld.msk [tilespmem:s12+$0x198], $0xff;
	_ =	sdelay $0x4  }
0x2ae: {  	v21 =	vshll.u32 v19, $0x3  }
0x2af: {  	v19 =	vand.u32 $0x7, v19;
	v21 =	vand.u32 $0xFFFFFFC0, v21  }
0x2b0: {  	v19 =	vor.u32 v19, v21  }
0x2b1: {  	v19 =	vperm.xlane v19, v1;
	_ =	sdelay $0x1  }
0x2b2: {  	v19 =	vadd.s32 v2, v19;
	_ =	sdelay $0x3  }
0x2b3: {  	s26 =	simm.s32 $0x17000  }
0x2b4: {  	[tilespmem:s26], [sflag:$0x8] =	stream.indirect_vreg.gather [hbm4b:s1+s3], $0x80, v19, vm0, $0xb8;
	[tilespmem:$0x1CA70] =	vst v63  }
0x2b5: {  	s28 =	simm.s32 $0x17800  }
0x2b6: {  	[tilespmem:s28], [sflag:$0x8] =	stream.indirect_vreg.gather [hbm4b:s7+s3], $0x80, v19, vm0, $0xb8;
	[tilespmem:$0x1CA70] =	vst v63  }
0x2b7: {  	s29 =	simm.s32 $0x18000  }
0x2b8: {  	[tilespmem:s29], [sflag:$0x8] =	stream.indirect_vreg.gather [hbm4b:s8+s3], $0x80, v19, vm0, $0xb8;
	[tilespmem:$0x1CA70] =	vst v63  }
.Ltmp11:
0x2b9: {  	_ = 	snop;
	(pc) =	sbr.rel .LBB2_2-.Ltmp11, $4  }
0x2ba: {  	s30 =	simm.s32 $0x18800  }
0x2bb: {  	[tilespmem:s30], [sflag:$0x8] =	stream.indirect_vreg.gather [hbm4b:s9+s3], $0x80, v19, vm0, $0xb8;
	[tilespmem:$0x1CA70] =	vst v63  }
0x2bc: {  	s31 =	simm.s32 $0x19180;
	s15 =	sadd.s32 $0x1, s15  }
0x2bd: {  	[tilespmem:s31], [sflag:$0xC] =	stream.indirect_vreg.gather [spmem:s2], $0x1, v20, vm0, $0xb8;
	[tilespmem:$0x1CA70] =	vst v63  }
.LBB2_21:
0x2be: {  	_ =	sfence.sel $0x180000  }
0x2bf: {  	[bflag:$0x0] =	sbarrier.arrive $0xFFFF  }
0x2c0: {  	_ =	strace $0x90000047  }
0x2c1: {  	[bflag:$0x2] =	sbarrier.arrive $0xFFFF  }
0x2c2: {  	s0 =	rddreg [dreg:$0x3]  }
0x2c3: {  	s0 =	sadd.s32 @!p0 $0x100000, s0  }
0x2c4: {  	[sflag:s0] =	ssyncadd.tile.s32 @!p0 $0x1;
	_ =	shalt  }
.Lfunc_end2:
_tile_overlayer_lowered:
.L_overlay_start_2:
0x2c5: {  	(tag) =	ssettag $0x2  }
0x2c6: {  	s0 =	rddreg [dreg:$0x0];
	s2 =	stileid.u32  }
0x2c7: {  	s1 =	rddreg [dreg:$0x1];
	p0 =	sne.s32 s2, $0x0  }
0x2c8: {  	s3 =	rddreg [dreg:$0x2];
	[bflag:$0x3] =	sbarrier.arrive $0xFFFF;
	s2 =	simm.s32 @!p0 $0x1C0E  }
0x2c9: {  	[timem:s3], [sflag:s2] =	dma.local @!p0 [hbm:s0], s1  }
0x2ca: {  	s0 =	simm.s32 @!p0 $0xE  }
0x2cb: {  	_ =	swait.ge @!p0 [sflag:s0], s1  }
0x2cc: {  	s1 =	ssub.s32 @!p0 $0x0, s1;
	[sflag:s0] =	ssyncset.done @!p0 $0x0  }
0x2cd: {  	[sflag:s0] =	ssyncadd.s32 @!p0 s1  }
0x2ce: {  	[bflag:$0x3] =	sbarrier.arrive $0xFFFF  }
0x2cf: {  	_ =	shalt  }

</sc_bundles>
